<compile_context>
chip_gen: v7x
topology: tpu7x:2x2x1
jax: 0.10.2.dev20260603
libtpu: 0.0.44.dev20260713+nightly
codegen_flags: <defaults>
</compile_context>

<pallas_src>
import functools

import jax
import jax.numpy as jnp
from jax import lax
from jax.experimental import pallas as pl
from jax.experimental.pallas import tpu as pltpu
from jax.experimental.pallas import tpu_sc as plsc

N_NODES = 10000
N_EDGES = 320000
D_NODE = 128
D_EDGE = 16
D_OUT = 128
DH = D_NODE // 2

NC = 2
NS = 16
CHUNK = 128
N_CHUNKS = N_EDGES // CHUNK
CHUNKS_PER_TILE = N_CHUNKS // NS
BLK = 12
N_BLKS = CHUNKS_PER_TILE // BLK
TAIL_CHUNKS = N_CHUNKS - NS * CHUNKS_PER_TILE
NBUF = 6
ROWS_PER_TILE = (N_NODES // NS) // 8 * 8
ROW_TAIL = N_NODES - NS * ROWS_PER_TILE

_MESH = dict(core_axis_name="c", subcore_axis_name="s")


def _sc_node_accumulate(nf0, nf1, src2d, dst2d, zeros_d):

    @functools.partial(
        pl.kernel,
        out_type=jax.ShapeDtypeStruct((NC, N_NODES, DH), jnp.float32),
        mesh=plsc.VectorSubcoreMesh(**_MESH),
        scratch_types=[
            pltpu.VMEM_SHARED((N_NODES, DH), jnp.float32),
            pltpu.VMEM((2, BLK, CHUNK), jnp.int32),
            pltpu.VMEM((2, BLK, CHUNK), jnp.int32),
            pltpu.VMEM((1, CHUNK), jnp.int32),
            pltpu.VMEM((1, CHUNK), jnp.int32),
            pltpu.VMEM((CHUNK, DH), jnp.float32),
            pltpu.VMEM((CHUNK, DH), jnp.float32),
            pltpu.VMEM((CHUNK, DH), jnp.float32),
            pltpu.VMEM((CHUNK, DH), jnp.float32),
            pltpu.VMEM((CHUNK, DH), jnp.float32),
            pltpu.VMEM((CHUNK, DH), jnp.float32),
            pltpu.SemaphoreType.DMA,
            pltpu.SemaphoreType.DMA,
            pltpu.SemaphoreType.DMA,
        ],
        compiler_params=pltpu.CompilerParams(use_tc_tiling_on_sc=False),
    )
    def k(nf0_hbm, nf1_hbm, src_hbm, dst_hbm, zd_hbm, acc_out,
          acc_sh, idxs, idxd, idxts, idxtd,
          rowb0, rowb1, rowb2, rowb3, rowb4, rowb5,
          gsem, ssem, isem):
        rowb = [rowb0, rowb1, rowb2, rowb3, rowb4, rowb5]
        c = lax.axis_index("c")
        s = lax.axis_index("s")

        r0 = s * ROWS_PER_TILE
        rt0 = NS * ROWS_PER_TILE
        pltpu.sync_copy(zd_hbm, acc_sh.at[pl.ds(r0, ROWS_PER_TILE)])

        @pl.when(s == 0)
        def _zero_tail():
            pltpu.sync_copy(zd_hbm.at[pl.ds(0, ROW_TAIL)],
                            acc_sh.at[pl.ds(rt0, ROW_TAIL)])

        plsc.subcore_barrier()

        chunk0 = s * CHUNKS_PER_TILE

        pltpu.async_copy(src_hbm.at[pl.ds(chunk0, BLK)], idxs.at[0], isem)
        pltpu.async_copy(dst_hbm.at[pl.ds(chunk0, BLK)], idxd.at[0], isem)

        def block_body(b, carry):
            row0 = chunk0 + b * BLK
            p = lax.rem(b, 2)
            pltpu.make_async_copy(src_hbm.at[pl.ds(row0, BLK)],
                                  idxs.at[p], isem).wait()
            pltpu.make_async_copy(dst_hbm.at[pl.ds(row0, BLK)],
                                  idxd.at[p], isem).wait()

            @pl.when(b + 1 < N_BLKS)
            def _prefetch_idx():
                pltpu.async_copy(src_hbm.at[pl.ds(row0 + BLK, BLK)],
                                 idxs.at[1 - p], isem)
                pltpu.async_copy(dst_hbm.at[pl.ds(row0 + BLK, BLK)],
                                 idxd.at[1 - p], isem)

            sd = {}

            def start_g(i):
                @pl.when(c == 0)
                def _g0(i=i):
                    pltpu.async_copy(
                        nf0_hbm.at[idxs.at[p, i]], rowb[i % NBUF], gsem)

                @pl.when(c == 1)
                def _g1(i=i):
                    pltpu.async_copy(
                        nf1_hbm.at[idxs.at[p, i]], rowb[i % NBUF], gsem)

            def wait_g(i):
                pltpu.make_async_copy(
                    nf0_hbm.at[idxs.at[p, i]], rowb[i % NBUF], gsem).wait()

            for i in range(NBUF):
                start_g(i)

            for i in range(BLK):
                q = i % NBUF
                wait_g(i)
                sd[i] = pltpu.async_copy(
                    rowb[q], acc_sh.at[idxd.at[p, i]], ssem, add=True)
                if i + NBUF < BLK:
                    sd[i].wait()
                    start_g(i + NBUF)

            for i in range(BLK - NBUF, BLK):
                sd[i].wait()

            return carry

        lax.fori_loop(0, N_BLKS, block_body, 0)

        @pl.when(s < TAIL_CHUNKS)
        def _tail():
            row = NS * CHUNKS_PER_TILE + s
            pltpu.sync_copy(src_hbm.at[pl.ds(row, 1)], idxts)
            pltpu.sync_copy(dst_hbm.at[pl.ds(row, 1)], idxtd)

            @pl.when(c == 0)
            def _tg0():
                pltpu.async_copy(nf0_hbm.at[idxts.at[0]], rowb0, gsem)

            @pl.when(c == 1)
            def _tg1():
                pltpu.async_copy(nf1_hbm.at[idxts.at[0]], rowb0, gsem)

            pltpu.make_async_copy(
                nf0_hbm.at[idxts.at[0]], rowb0, gsem).wait()
            pltpu.sync_copy(rowb0, acc_sh.at[idxtd.at[0]], add=True)

        plsc.subcore_barrier()

        pltpu.sync_copy(acc_sh.at[pl.ds(r0, ROWS_PER_TILE)],
                        acc_out.at[c, pl.ds(r0, ROWS_PER_TILE)])

        @pl.when(s == 0)
        def _write_tail():
            pltpu.sync_copy(acc_sh.at[pl.ds(rt0, ROW_TAIL)],
                            acc_out.at[c, pl.ds(rt0, ROW_TAIL)])

    return k(nf0, nf1, src2d, dst2d, zeros_d)


def _sc_edge_accumulate(ef, dst2d, zeros_e, ones_e):

    @functools.partial(
        pl.kernel,
        out_type=[
            jax.ShapeDtypeStruct((NC, N_NODES, D_EDGE), jnp.float32),
            jax.ShapeDtypeStruct((NC, N_NODES, D_EDGE), jnp.float32),
        ],
        mesh=plsc.VectorSubcoreMesh(**_MESH),
        scratch_types=[
            pltpu.VMEM_SHARED((N_NODES, D_EDGE), jnp.float32),
            pltpu.VMEM_SHARED((N_NODES, D_EDGE), jnp.float32),
            pltpu.VMEM((2, BLK, CHUNK), jnp.int32),
            pltpu.VMEM((1, CHUNK), jnp.int32),
            pltpu.VMEM((2, BLK // 2, CHUNK, D_EDGE), jnp.float32),
            pltpu.VMEM((CHUNK, D_EDGE), jnp.float32),
            pltpu.SemaphoreType.DMA,
            pltpu.SemaphoreType.DMA,
            pltpu.SemaphoreType.DMA,
            pltpu.SemaphoreType.DMA,
        ],
        compiler_params=pltpu.CompilerParams(use_tc_tiling_on_sc=False),
    )
    def k(ef_hbm, dst_hbm, ze_hbm, oe_hbm, efacc_out, one_out,
          efacc_sh, one_sh, dstblk, idxtd, efblk, onesbuf,
          efsem, esem, osem, dsem):
        c = lax.axis_index("c")
        s = lax.axis_index("s")

        r0 = s * ROWS_PER_TILE
        rt0 = NS * ROWS_PER_TILE
        pltpu.sync_copy(ze_hbm, efacc_sh.at[pl.ds(r0, ROWS_PER_TILE)])
        pltpu.sync_copy(ze_hbm, one_sh.at[pl.ds(r0, ROWS_PER_TILE)])

        @pl.when(s == 0)
        def _zero_tail():
            pltpu.sync_copy(ze_hbm.at[pl.ds(0, ROW_TAIL)],
                            efacc_sh.at[pl.ds(rt0, ROW_TAIL)])
            pltpu.sync_copy(ze_hbm.at[pl.ds(0, ROW_TAIL)],
                            one_sh.at[pl.ds(rt0, ROW_TAIL)])

        pltpu.sync_copy(oe_hbm, onesbuf)
        plsc.subcore_barrier()

        chunk0 = s * CHUNKS_PER_TILE

        pltpu.async_copy(dst_hbm.at[pl.ds(chunk0, BLK)], dstblk.at[0], dsem)
        for t in range(BLK // 2):
            pltpu.async_copy(
                ef_hbm.at[pl.ds((chunk0 + 2 * t + c) * CHUNK, CHUNK)],
                efblk.at[0, t], efsem)

        def block_body(b, carry):
            row0 = chunk0 + b * BLK
            p = lax.rem(b, 2)

            @pl.when(b + 1 < N_BLKS)
            def _prefetch():
                pltpu.async_copy(dst_hbm.at[pl.ds(row0 + BLK, BLK)],
                                 dstblk.at[1 - p], dsem)
                for t in range(BLK // 2):
                    pltpu.async_copy(
                        ef_hbm.at[pl.ds((row0 + BLK + 2 * t + c) * CHUNK,
                                        CHUNK)],
                        efblk.at[1 - p, t], efsem)

            pltpu.make_async_copy(dst_hbm.at[pl.ds(row0, BLK)],
                                  dstblk.at[p], dsem).wait()

            e2, o2 = {}, {}
            for t in range(BLK // 2):
                pltpu.make_async_copy(
                    ef_hbm.at[pl.ds(row0 * CHUNK, CHUNK)],
                    efblk.at[p, t], efsem).wait()
                e2[t] = pltpu.async_copy(
                    efblk.at[p, t], efacc_sh.at[dstblk.at[p, 2 * t + c]],
                    esem, add=True)
                o2[t] = pltpu.async_copy(
                    onesbuf, one_sh.at[dstblk.at[p, 2 * t + c]], osem,
                    add=True)
            for t in range(BLK // 2):
                e2[t].wait()
                o2[t].wait()
            return carry

        lax.fori_loop(0, N_BLKS, block_body, 0)

        @pl.when(jnp.logical_and(s < TAIL_CHUNKS, c == 0))
        def _tail():
            row = NS * CHUNKS_PER_TILE + s
            off = row * CHUNK
            pltpu.sync_copy(dst_hbm.at[pl.ds(row, 1)], idxtd)
            pltpu.sync_copy(ef_hbm.at[pl.ds(off, CHUNK)], efblk.at[0, 0])
            pltpu.sync_copy(efblk.at[0, 0], efacc_sh.at[idxtd.at[0]], add=True)
            pltpu.sync_copy(onesbuf, one_sh.at[idxtd.at[0]], add=True)

        plsc.subcore_barrier()

        pltpu.sync_copy(efacc_sh.at[pl.ds(r0, ROWS_PER_TILE)],
                        efacc_out.at[c, pl.ds(r0, ROWS_PER_TILE)])
        pltpu.sync_copy(one_sh.at[pl.ds(r0, ROWS_PER_TILE)],
                        one_out.at[c, pl.ds(r0, ROWS_PER_TILE)])

        @pl.when(s == 0)
        def _write_tail():
            pltpu.sync_copy(efacc_sh.at[pl.ds(rt0, ROW_TAIL)],
                            efacc_out.at[c, pl.ds(rt0, ROW_TAIL)])
            pltpu.sync_copy(one_sh.at[pl.ds(rt0, ROW_TAIL)],
                            one_out.at[c, pl.ds(rt0, ROW_TAIL)])

    return k(ef, dst2d, zeros_e, ones_e)


def _tc_combine(acc, efacc, one, W_node, W_edge, b_node, b_edge):
    BR = 1000
    grid = (N_NODES // BR,)

    def body(acc_ref, ef_ref, one_ref, wn_ref, we_ref, bn_ref, be_ref, out_ref):
        wn = wn_ref[...]
        cnt = one_ref[0][:, 0:1] + one_ref[1][:, 0:1]
        out_ref[...] = (
            jnp.dot(acc_ref[0], wn[:DH], preferred_element_type=jnp.float32)
            + jnp.dot(acc_ref[1], wn[DH:], preferred_element_type=jnp.float32)
            + jnp.dot(ef_ref[0] + ef_ref[1], we_ref[...],
                      preferred_element_type=jnp.float32)
            + cnt * (bn_ref[...] + be_ref[...])
        )

    return pl.pallas_call(
        body,
        grid=grid,
        in_specs=[
            pl.BlockSpec((NC, BR, DH), lambda i: (0, i, 0)),
            pl.BlockSpec((NC, BR, D_EDGE), lambda i: (0, i, 0)),
            pl.BlockSpec((NC, BR, D_EDGE), lambda i: (0, i, 0)),
            pl.BlockSpec((D_NODE, D_OUT), lambda i: (0, 0)),
            pl.BlockSpec((D_EDGE, D_OUT), lambda i: (0, 0)),
            pl.BlockSpec((1, D_OUT), lambda i: (0, 0)),
            pl.BlockSpec((1, D_OUT), lambda i: (0, 0)),
        ],
        out_specs=pl.BlockSpec((BR, D_OUT), lambda i: (i, 0)),
        out_shape=jax.ShapeDtypeStruct((N_NODES, D_OUT), jnp.float32),
    )(acc, efacc, one, W_node, W_edge,
      b_node.reshape(1, D_OUT), b_edge.reshape(1, D_OUT))


def kernel(node_feats, edge_index, edge_feats, W_node, b_node, W_edge, b_edge):
    ei = edge_index.astype(jnp.int32)
    src2d = ei[0].reshape(N_CHUNKS, CHUNK)
    dst2d = ei[1].reshape(N_CHUNKS, CHUNK)
    nf0 = node_feats[:, :DH]
    nf1 = node_feats[:, DH:]
    zeros_d = jnp.zeros((ROWS_PER_TILE, DH), jnp.float32)
    zeros_e = jnp.zeros((ROWS_PER_TILE, D_EDGE), jnp.float32)
    ones_e = jnp.ones((CHUNK, D_EDGE), jnp.float32)
    acc = _sc_node_accumulate(nf0, nf1, src2d, dst2d, zeros_d)
    efacc, one = _sc_edge_accumulate(edge_feats, dst2d, zeros_e, ones_e)
    return _tc_combine(acc, efacc, one, W_node, W_edge, b_node, b_edge)

# --- scband reference (transcript-rebuilt; emitter-appended) ---
"""Pipeline reference for scband-edge-feature-gnnlayer-34230889349205 (READ-ONLY COPY).

The authoritative reference and input builder live on the scoring server;
editing this copy changes nothing except your own understanding.
"""

import jax, jax.numpy as jnp
import numpy as np

N_NODES = 10000
N_EDGES = 320000
D_NODE = 128
D_EDGE = 16
D_OUT = 128

def setup_inputs(seed: int = 0) -> dict:
    key = jax.random.key(seed)
    k1, k2, k3, k4, k5, k6, k7 = jax.random.split(key, 7)
    node_feats = jax.random.normal(k1, (N_NODES, D_NODE), dtype=jnp.float32)
    edge_feats = jax.random.normal(k2, (N_EDGES, D_EDGE), dtype=jnp.float32)
    edge_index = jax.random.randint(k3, (2, N_EDGES), 0, N_NODES, dtype=jnp.int64)
    s_node = 1.0 / np.sqrt(D_NODE)
    s_edge = 1.0 / np.sqrt(D_EDGE)
    W_node = jax.random.uniform(k4, (D_NODE, D_OUT), dtype=jnp.float32, minval=-s_node, maxval=s_node)
    b_node = jax.random.uniform(k5, (D_OUT,), dtype=jnp.float32, minval=-s_node, maxval=s_node)
    W_edge = jax.random.uniform(k6, (D_EDGE, D_OUT), dtype=jnp.float32, minval=-s_edge, maxval=s_edge)
    b_edge = jax.random.uniform(k7, (D_OUT,), dtype=jnp.float32, minval=-s_edge, maxval=s_edge)
    return {"node_feats": node_feats, "edge_index": edge_index, "edge_feats": edge_feats,
            "W_node": W_node, "b_node": b_node, "W_edge": W_edge, "b_edge": b_edge}

def reference(node_feats, edge_index, edge_feats, W_node, b_node, W_edge, b_edge):
    # node_linear
    h = node_feats @ W_node + b_node              # [N, D_OUT]
    # edge_linear
    e = edge_feats @ W_edge + b_edge              # [E, D_OUT]
    src = edge_index[0]
    dst = edge_index[1]
    # apply_edges: m = src['h'] + edge['e']
    m = jnp.take(h, src, axis=0) + e              # [E, D_OUT]
    # update_all with copy_e + sum reduce: scatter-add messages to dst nodes
    h_new = jax.ops.segment_sum(m, dst, num_segments=N_NODES)
    return h_new

if __name__ == "__main__":
    import jax
    _d = setup_inputs()
    print(jax.jit(kernel)(*tuple(_d.values())))

</pallas_src>

<mosaic_0001>
#map = affine_map<(d0, d1) -> (0, 0)>
#map1 = affine_map<(d0, d1) -> (0, 0, 0)>
module attributes {stable_mosaic.version = 14 : i64} {
  func.func @k(%arg0: i32, %arg1: i32, %arg2: memref<10000x64xf32, #tpu.memory_space<hbm>>, %arg3: memref<10000x64xf32, #tpu.memory_space<hbm>>, %arg4: memref<2500x128xi32, #tpu.memory_space<hbm>>, %arg5: memref<2500x128xi32, #tpu.memory_space<hbm>>, %arg6: memref<624x64xf32, #tpu.memory_space<hbm>>, %arg7: memref<2x10000x64xf32, #tpu.memory_space<hbm>>, %arg8: memref<10000x64xf32, #tpu.memory_space<vmem_shared>>, %arg9: memref<2x12x128xi32, #tpu.memory_space<vmem>>, %arg10: memref<2x12x128xi32, #tpu.memory_space<vmem>>, %arg11: memref<1x128xi32, #tpu.memory_space<vmem>>, %arg12: memref<1x128xi32, #tpu.memory_space<vmem>>, %arg13: memref<128x64xf32, #tpu.memory_space<vmem>>, %arg14: memref<128x64xf32, #tpu.memory_space<vmem>>, %arg15: memref<128x64xf32, #tpu.memory_space<vmem>>, %arg16: memref<128x64xf32, #tpu.memory_space<vmem>>, %arg17: memref<128x64xf32, #tpu.memory_space<vmem>>, %arg18: memref<128x64xf32, #tpu.memory_space<vmem>>, %arg19: memref<!tpu.dma_semaphore, #tpu.memory_space<semaphore_mem>>, %arg20: memref<!tpu.dma_semaphore, #tpu.memory_space<semaphore_mem>>, %arg21: memref<!tpu.dma_semaphore, #tpu.memory_space<semaphore_mem>>) attributes {dimension_semantics = [#tpu.dimension_semantics<core_parallel>, #tpu.dimension_semantics<subcore_parallel>], iteration_bounds = array<i64: 2, 16>, scalar_prefetch = 0 : i64, scratch_operands = 14 : i64, tpu.core_type = #tpu.core_type<sc_vector_subcore>, window_params = [{transform_indices = #map}, {transform_indices = #map}, {transform_indices = #map}, {transform_indices = #map}, {transform_indices = #map}, {transform_indices = #map1}]} {
    %mul3A = arith.constant 624 : i32
    %mul3A_0 = arith.muli %arg1, %mul3A : i32
    "tpu.region"() ({
      %run_scoped3A = tpu.sem_alloc : memref<!tpu.dma_semaphore, #tpu.memory_space<semaphore_mem>>
      %dma_start3A_45 = arith.constant 0 : i32
      %dma_start3A_46 = tpu.memref_slice %arg8[%mul3A_0, %dma_start3A_45] : memref<10000x64xf32, #tpu.memory_space<vmem_shared>> -> memref<624x64xf32, #tpu.memory_space<vmem_shared>>
      tpu.enqueue_dma source(%arg6 : memref<624x64xf32, #tpu.memory_space<hbm>>) target(%dma_start3A_46 : memref<624x64xf32, #tpu.memory_space<vmem_shared>>) target_semaphore(%run_scoped3A : memref<!tpu.dma_semaphore, #tpu.memory_space<semaphore_mem>>)
      %dma_wait3A = arith.constant 0 : i32
      %dma_wait3A_47 = tpu.memref_slice %arg8[%mul3A_0, %dma_wait3A] : memref<10000x64xf32, #tpu.memory_space<vmem_shared>> -> memref<624x64xf32, #tpu.memory_space<vmem_shared>>
      tpu.wait_dma2 semaphore(%run_scoped3A : memref<!tpu.dma_semaphore, #tpu.memory_space<semaphore_mem>>) src(%arg6 : memref<624x64xf32, #tpu.memory_space<hbm>>) dst(%dma_wait3A_47 : memref<624x64xf32, #tpu.memory_space<vmem_shared>>)
      tpu.yield
    }) : () -> ()
    %eq3A = arith.constant 0 : i32
    %eq3A_1 = arith.cmpi eq, %arg1, %eq3A : i32
    %convert_element_type3A = arith.extui %eq3A_1 : i1 to i32
    %cond3A = arith.constant 0 : i32
    %cond3A_2 = arith.cmpi ne, %convert_element_type3A, %cond3A : i32
    scf.if %cond3A_2 {
      "tpu.region"() ({
        %run_scoped3A = tpu.sem_alloc : memref<!tpu.dma_semaphore, #tpu.memory_space<semaphore_mem>>
        %dma_start3A_45 = arith.constant 9984 : i32
        %dma_start3A_46 = arith.constant 0 : i32
        %dma_start3A_47 = tpu.memref_slice %arg8[%dma_start3A_45, %dma_start3A_46] : memref<10000x64xf32, #tpu.memory_space<vmem_shared>> -> memref<16x64xf32, #tpu.memory_space<vmem_shared>>
        %dma_start3A_48 = arith.constant 0 : i32
        %dma_start3A_49 = arith.constant 0 : i32
        %dma_start3A_50 = tpu.memref_slice %arg6[%dma_start3A_48, %dma_start3A_49] : memref<624x64xf32, #tpu.memory_space<hbm>> -> memref<16x64xf32, #tpu.memory_space<hbm>>
        tpu.enqueue_dma source(%dma_start3A_50 : memref<16x64xf32, #tpu.memory_space<hbm>>) target(%dma_start3A_47 : memref<16x64xf32, #tpu.memory_space<vmem_shared>>) target_semaphore(%run_scoped3A : memref<!tpu.dma_semaphore, #tpu.memory_space<semaphore_mem>>)
        %dma_wait3A = arith.constant 9984 : i32
        %dma_wait3A_51 = arith.constant 0 : i32
        %dma_wait3A_52 = tpu.memref_slice %arg8[%dma_wait3A, %dma_wait3A_51] : memref<10000x64xf32, #tpu.memory_space<vmem_shared>> -> memref<16x64xf32, #tpu.memory_space<vmem_shared>>
        %dma_wait3A_53 = arith.constant 0 : i32
        %dma_wait3A_54 = arith.constant 0 : i32
        %dma_wait3A_55 = tpu.memref_slice %arg6[%dma_wait3A_53, %dma_wait3A_54] : memref<624x64xf32, #tpu.memory_space<hbm>> -> memref<16x64xf32, #tpu.memory_space<hbm>>
        tpu.wait_dma2 semaphore(%run_scoped3A : memref<!tpu.dma_semaphore, #tpu.memory_space<semaphore_mem>>) src(%dma_wait3A_55 : memref<16x64xf32, #tpu.memory_space<hbm>>) dst(%dma_wait3A_52 : memref<16x64xf32, #tpu.memory_space<vmem_shared>>)
        tpu.yield
      }) : () -> ()
    } else {
    }
    %barrier3A = arith.constant 0 : index
    tpu.barrier barrier_id(%barrier3A)
    %mul3A_3 = arith.constant 156 : i32
    %mul3A_4 = arith.muli %arg1, %mul3A_3 : i32
    %dma_start3A = arith.constant 0 : i32
    %dma_start3A_5 = arith.constant 0 : i32
    %dma_start3A_6 = arith.constant 0 : i32
    %dma_start3A_7 = tpu.memref_slice %arg9[%dma_start3A, %dma_start3A_5, %dma_start3A_6] : memref<2x12x128xi32, #tpu.memory_space<vmem>> -> memref<1x12x128xi32, #tpu.memory_space<vmem>>
    %dma_start3A_8 = tpu.memref_squeeze %dma_start3A_7 : memref<1x12x128xi32, #tpu.memory_space<vmem>> -> memref<12x128xi32, #tpu.memory_space<vmem>>
    %dma_start3A_9 = arith.constant 0 : i32
    %dma_start3A_10 = tpu.memref_slice %arg4[%mul3A_4, %dma_start3A_9] : memref<2500x128xi32, #tpu.memory_space<hbm>> -> memref<12x128xi32, #tpu.memory_space<hbm>>
    %dma_start3A_11 = arith.constant 0 : i32
    %dma_start3A_12 = arith.constant 0 : i32
    %dma_start3A_13 = tpu.memref_slice %arg9[%dma_start3A, %dma_start3A_11, %dma_start3A_12] : memref<2x12x128xi32, #tpu.memory_space<vmem>> -> memref<1x12x128xi32, #tpu.memory_space<vmem>>
    %dma_start3A_14 = tpu.memref_squeeze %dma_start3A_13 : memref<1x12x128xi32, #tpu.memory_space<vmem>> -> memref<12x128xi32, #tpu.memory_space<vmem>>
    %dma_start3A_15 = arith.constant 0 : i32
    %dma_start3A_16 = tpu.memref_slice %arg4[%mul3A_4, %dma_start3A_15] : memref<2500x128xi32, #tpu.memory_space<hbm>> -> memref<12x128xi32, #tpu.memory_space<hbm>>
    tpu.enqueue_dma source(%dma_start3A_16 : memref<12x128xi32, #tpu.memory_space<hbm>>) target(%dma_start3A_14 : memref<12x128xi32, #tpu.memory_space<vmem>>) target_semaphore(%arg21 : memref<!tpu.dma_semaphore, #tpu.memory_space<semaphore_mem>>)
    %dma_start3A_17 = arith.constant 0 : i32
    %dma_start3A_18 = arith.constant 0 : i32
    %dma_start3A_19 = arith.constant 0 : i32
    %dma_start3A_20 = tpu.memref_slice %arg10[%dma_start3A_17, %dma_start3A_18, %dma_start3A_19] : memref<2x12x128xi32, #tpu.memory_space<vmem>> -> memref<1x12x128xi32, #tpu.memory_space<vmem>>
    %dma_start3A_21 = tpu.memref_squeeze %dma_start3A_20 : memref<1x12x128xi32, #tpu.memory_space<vmem>> -> memref<12x128xi32, #tpu.memory_space<vmem>>
    %dma_start3A_22 = arith.constant 0 : i32
    %dma_start3A_23 = tpu.memref_slice %arg5[%mul3A_4, %dma_start3A_22] : memref<2500x128xi32, #tpu.memory_space<hbm>> -> memref<12x128xi32, #tpu.memory_space<hbm>>
    %dma_start3A_24 = arith.constant 0 : i32
    %dma_start3A_25 = arith.constant 0 : i32
    %dma_start3A_26 = tpu.memref_slice %arg10[%dma_start3A_17, %dma_start3A_24, %dma_start3A_25] : memref<2x12x128xi32, #tpu.memory_space<vmem>> -> memref<1x12x128xi32, #tpu.memory_space<vmem>>
    %dma_start3A_27 = tpu.memref_squeeze %dma_start3A_26 : memref<1x12x128xi32, #tpu.memory_space<vmem>> -> memref<12x128xi32, #tpu.memory_space<vmem>>
    %dma_start3A_28 = arith.constant 0 : i32
    %dma_start3A_29 = tpu.memref_slice %arg5[%mul3A_4, %dma_start3A_28] : memref<2500x128xi32, #tpu.memory_space<hbm>> -> memref<12x128xi32, #tpu.memory_space<hbm>>
    tpu.enqueue_dma source(%dma_start3A_29 : memref<12x128xi32, #tpu.memory_space<hbm>>) target(%dma_start3A_27 : memref<12x128xi32, #tpu.memory_space<vmem>>) target_semaphore(%arg21 : memref<!tpu.dma_semaphore, #tpu.memory_space<semaphore_mem>>)
    %scan3A = arith.constant 0 : i32
    %scan3A_30 = arith.constant 0 : i32
    %scan3A_31 = arith.constant 13 : i32
    %scan3A_32 = arith.addi %scan3A_30, %scan3A_31 : i32
    %scan3A_33 = arith.constant 1 : i32
    scf.for %scan3A_45 = %scan3A_30 to %scan3A_32 step %scan3A_33  : i32 {
      %mul3A_46 = arith.constant 12 : i32
      %mul3A_47 = arith.muli %scan3A_45, %mul3A_46 : i32
      %add3A = arith.addi %mul3A_4, %mul3A_47 : i32
      %rem3A = arith.constant 2 : i32
      %rem3A_48 = arith.remsi %scan3A_45, %rem3A : i32
      %dma_wait3A = arith.constant 0 : i32
      %dma_wait3A_49 = arith.constant 0 : i32
      %dma_wait3A_50 = tpu.memref_slice %arg9[%rem3A_48, %dma_wait3A, %dma_wait3A_49] : memref<2x12x128xi32, #tpu.memory_space<vmem>> -> memref<1x12x128xi32, #tpu.memory_space<vmem>>
      %dma_wait3A_51 = tpu.memref_squeeze %dma_wait3A_50 : memref<1x12x128xi32, #tpu.memory_space<vmem>> -> memref<12x128xi32, #tpu.memory_space<vmem>>
      %dma_wait3A_52 = arith.constant 0 : i32
      %dma_wait3A_53 = tpu.memref_slice %arg4[%add3A, %dma_wait3A_52] : memref<2500x128xi32, #tpu.memory_space<hbm>> -> memref<12x128xi32, #tpu.memory_space<hbm>>
      %dma_wait3A_54 = arith.constant 0 : i32
      %dma_wait3A_55 = arith.constant 0 : i32
      %dma_wait3A_56 = tpu.memref_slice %arg9[%rem3A_48, %dma_wait3A_54, %dma_wait3A_55] : memref<2x12x128xi32, #tpu.memory_space<vmem>> -> memref<1x12x128xi32, #tpu.memory_space<vmem>>
      %dma_wait3A_57 = tpu.memref_squeeze %dma_wait3A_56 : memref<1x12x128xi32, #tpu.memory_space<vmem>> -> memref<12x128xi32, #tpu.memory_space<vmem>>
      %dma_wait3A_58 = arith.constant 0 : i32
      %dma_wait3A_59 = tpu.memref_slice %arg4[%add3A, %dma_wait3A_58] : memref<2500x128xi32, #tpu.memory_space<hbm>> -> memref<12x128xi32, #tpu.memory_space<hbm>>
      tpu.wait_dma2 semaphore(%arg21 : memref<!tpu.dma_semaphore, #tpu.memory_space<semaphore_mem>>) src(%dma_wait3A_59 : memref<12x128xi32, #tpu.memory_space<hbm>>) dst(%dma_wait3A_57 : memref<12x128xi32, #tpu.memory_space<vmem>>)
      %dma_wait3A_60 = arith.constant 0 : i32
      %dma_wait3A_61 = arith.constant 0 : i32
      %dma_wait3A_62 = tpu.memref_slice %arg10[%rem3A_48, %dma_wait3A_60, %dma_wait3A_61] : memref<2x12x128xi32, #tpu.memory_space<vmem>> -> memref<1x12x128xi32, #tpu.memory_space<vmem>>
      %dma_wait3A_63 = tpu.memref_squeeze %dma_wait3A_62 : memref<1x12x128xi32, #tpu.memory_space<vmem>> -> memref<12x128xi32, #tpu.memory_space<vmem>>
      %dma_wait3A_64 = arith.constant 0 : i32
      %dma_wait3A_65 = tpu.memref_slice %arg5[%add3A, %dma_wait3A_64] : memref<2500x128xi32, #tpu.memory_space<hbm>> -> memref<12x128xi32, #tpu.memory_space<hbm>>
      %dma_wait3A_66 = arith.constant 0 : i32
      %dma_wait3A_67 = arith.constant 0 : i32
      %dma_wait3A_68 = tpu.memref_slice %arg10[%rem3A_48, %dma_wait3A_66, %dma_wait3A_67] : memref<2x12x128xi32, #tpu.memory_space<vmem>> -> memref<1x12x128xi32, #tpu.memory_space<vmem>>
      %dma_wait3A_69 = tpu.memref_squeeze %dma_wait3A_68 : memref<1x12x128xi32, #tpu.memory_space<vmem>> -> memref<12x128xi32, #tpu.memory_space<vmem>>
      %dma_wait3A_70 = arith.constant 0 : i32
      %dma_wait3A_71 = tpu.memref_slice %arg5[%add3A, %dma_wait3A_70] : memref<2500x128xi32, #tpu.memory_space<hbm>> -> memref<12x128xi32, #tpu.memory_space<hbm>>
      tpu.wait_dma2 semaphore(%arg21 : memref<!tpu.dma_semaphore, #tpu.memory_space<semaphore_mem>>) src(%dma_wait3A_71 : memref<12x128xi32, #tpu.memory_space<hbm>>) dst(%dma_wait3A_69 : memref<12x128xi32, #tpu.memory_space<vmem>>)
      %add3A_72 = arith.constant 1 : i32
      %add3A_73 = arith.addi %scan3A_45, %add3A_72 : i32
      %lt3A_74 = arith.constant 13 : i32
      %lt3A_75 = arith.cmpi slt, %add3A_73, %lt3A_74 : i32
      %convert_element_type3A_76 = arith.extui %lt3A_75 : i1 to i32
      %cond3A_77 = arith.constant 0 : i32
      %cond3A_78 = arith.cmpi ne, %convert_element_type3A_76, %cond3A_77 : i32
      scf.if %cond3A_78 {
        %add3A_451 = arith.constant 12 : i32
        %add3A_452 = arith.addi %add3A, %add3A_451 : i32
        %sub3A = arith.constant 1 : i32
        %sub3A_453 = arith.subi %sub3A, %rem3A_48 : i32
        %dma_start3A_454 = arith.constant 0 : i32
        %dma_start3A_455 = arith.constant 0 : i32
        %dma_start3A_456 = tpu.memref_slice %arg9[%sub3A_453, %dma_start3A_454, %dma_start3A_455] : memref<2x12x128xi32, #tpu.memory_space<vmem>> -> memref<1x12x128xi32, #tpu.memory_space<vmem>>
        %dma_start3A_457 = tpu.memref_squeeze %dma_start3A_456 : memref<1x12x128xi32, #tpu.memory_space<vmem>> -> memref<12x128xi32, #tpu.memory_space<vmem>>
        %dma_start3A_458 = arith.constant 0 : i32
        %dma_start3A_459 = tpu.memref_slice %arg4[%add3A_452, %dma_start3A_458] : memref<2500x128xi32, #tpu.memory_space<hbm>> -> memref<12x128xi32, #tpu.memory_space<hbm>>
        %dma_start3A_460 = arith.constant 0 : i32
        %dma_start3A_461 = arith.constant 0 : i32
        %dma_start3A_462 = tpu.memref_slice %arg9[%sub3A_453, %dma_start3A_460, %dma_start3A_461] : memref<2x12x128xi32, #tpu.memory_space<vmem>> -> memref<1x12x128xi32, #tpu.memory_space<vmem>>
        %dma_start3A_463 = tpu.memref_squeeze %dma_start3A_462 : memref<1x12x128xi32, #tpu.memory_space<vmem>> -> memref<12x128xi32, #tpu.memory_space<vmem>>
        %dma_start3A_464 = arith.constant 0 : i32
        %dma_start3A_465 = tpu.memref_slice %arg4[%add3A_452, %dma_start3A_464] : memref<2500x128xi32, #tpu.memory_space<hbm>> -> memref<12x128xi32, #tpu.memory_space<hbm>>
        tpu.enqueue_dma source(%dma_start3A_465 : memref<12x128xi32, #tpu.memory_space<hbm>>) target(%dma_start3A_463 : memref<12x128xi32, #tpu.memory_space<vmem>>) target_semaphore(%arg21 : memref<!tpu.dma_semaphore, #tpu.memory_space<semaphore_mem>>)
        %add3A_466 = arith.constant 12 : i32
        %add3A_467 = arith.addi %add3A, %add3A_466 : i32
        %sub3A_468 = arith.constant 1 : i32
        %sub3A_469 = arith.subi %sub3A_468, %rem3A_48 : i32
        %dma_start3A_470 = arith.constant 0 : i32
        %dma_start3A_471 = arith.constant 0 : i32
        %dma_start3A_472 = tpu.memref_slice %arg10[%sub3A_469, %dma_start3A_470, %dma_start3A_471] : memref<2x12x128xi32, #tpu.memory_space<vmem>> -> memref<1x12x128xi32, #tpu.memory_space<vmem>>
        %dma_start3A_473 = tpu.memref_squeeze %dma_start3A_472 : memref<1x12x128xi32, #tpu.memory_space<vmem>> -> memref<12x128xi32, #tpu.memory_space<vmem>>
        %dma_start3A_474 = arith.constant 0 : i32
        %dma_start3A_475 = tpu.memref_slice %arg5[%add3A_467, %dma_start3A_474] : memref<2500x128xi32, #tpu.memory_space<hbm>> -> memref<12x128xi32, #tpu.memory_space<hbm>>
        %dma_start3A_476 = arith.constant 0 : i32
        %dma_start3A_477 = arith.constant 0 : i32
        %dma_start3A_478 = tpu.memref_slice %arg10[%sub3A_469, %dma_start3A_476, %dma_start3A_477] : memref<2x12x128xi32, #tpu.memory_space<vmem>> -> memref<1x12x128xi32, #tpu.memory_space<vmem>>
        %dma_start3A_479 = tpu.memref_squeeze %dma_start3A_478 : memref<1x12x128xi32, #tpu.memory_space<vmem>> -> memref<12x128xi32, #tpu.memory_space<vmem>>
        %dma_start3A_480 = arith.constant 0 : i32
        %dma_start3A_481 = tpu.memref_slice %arg5[%add3A_467, %dma_start3A_480] : memref<2500x128xi32, #tpu.memory_space<hbm>> -> memref<12x128xi32, #tpu.memory_space<hbm>>
        tpu.enqueue_dma source(%dma_start3A_481 : memref<12x128xi32, #tpu.memory_space<hbm>>) target(%dma_start3A_479 : memref<12x128xi32, #tpu.memory_space<vmem>>) target_semaphore(%arg21 : memref<!tpu.dma_semaphore, #tpu.memory_space<semaphore_mem>>)
      } else {
      }
      %eq3A_79 = arith.constant 0 : i32
      %eq3A_80 = arith.cmpi eq, %arg0, %eq3A_79 : i32
      %convert_element_type3A_81 = arith.extui %eq3A_80 : i1 to i32
      %cond3A_82 = arith.constant 0 : i32
      %cond3A_83 = arith.cmpi ne, %convert_element_type3A_81, %cond3A_82 : i32
      scf.if %cond3A_83 {
        %dma_start3A_451 = arith.constant 0 : i32
        %dma_start3A_452 = arith.constant 0 : i32
        %dma_start3A_453 = tpu.memref_slice %arg9[%rem3A_48, %dma_start3A_451, %dma_start3A_452] : memref<2x12x128xi32, #tpu.memory_space<vmem>> -> memref<1x1x128xi32, #tpu.memory_space<vmem>>
        %dma_start3A_454 = tpu.memref_squeeze %dma_start3A_453 : memref<1x1x128xi32, #tpu.memory_space<vmem>> -> memref<128xi32, #tpu.memory_space<vmem>>
        %dma_start3A_455 = arith.constant 0 : i32
        %dma_start3A_456 = arith.constant 0 : i32
        %dma_start3A_457 = tpu.memref_slice %arg2[%dma_start3A_455, %dma_start3A_456] : memref<10000x64xf32, #tpu.memory_space<hbm>> -> memref<10000x64xf32, #tpu.memory_space<hbm>>
        tpu.enqueue_indirect_dma source(%dma_start3A_457 : memref<10000x64xf32, #tpu.memory_space<hbm>>) target(%arg13 : memref<128x64xf32, #tpu.memory_space<vmem>>) offsets(%dma_start3A_454 : memref<128xi32, #tpu.memory_space<vmem>>) semaphore(%arg19 : memref<!tpu.dma_semaphore, #tpu.memory_space<semaphore_mem>>)
      } else {
      }
      %eq3A_84 = arith.constant 1 : i32
      %eq3A_85 = arith.cmpi eq, %arg0, %eq3A_84 : i32
      %convert_element_type3A_86 = arith.extui %eq3A_85 : i1 to i32
      %cond3A_87 = arith.constant 0 : i32
      %cond3A_88 = arith.cmpi ne, %convert_element_type3A_86, %cond3A_87 : i32
      scf.if %cond3A_88 {
        %dma_start3A_451 = arith.constant 0 : i32
        %dma_start3A_452 = arith.constant 0 : i32
        %dma_start3A_453 = tpu.memref_slice %arg9[%rem3A_48, %dma_start3A_451, %dma_start3A_452] : memref<2x12x128xi32, #tpu.memory_space<vmem>> -> memref<1x1x128xi32, #tpu.memory_space<vmem>>
        %dma_start3A_454 = tpu.memref_squeeze %dma_start3A_453 : memref<1x1x128xi32, #tpu.memory_space<vmem>> -> memref<128xi32, #tpu.memory_space<vmem>>
        %dma_start3A_455 = arith.constant 0 : i32
        %dma_start3A_456 = arith.constant 0 : i32
        %dma_start3A_457 = tpu.memref_slice %arg3[%dma_start3A_455, %dma_start3A_456] : memref<10000x64xf32, #tpu.memory_space<hbm>> -> memref<10000x64xf32, #tpu.memory_space<hbm>>
        tpu.enqueue_indirect_dma source(%dma_start3A_457 : memref<10000x64xf32, #tpu.memory_space<hbm>>) target(%arg13 : memref<128x64xf32, #tpu.memory_space<vmem>>) offsets(%dma_start3A_454 : memref<128xi32, #tpu.memory_space<vmem>>) semaphore(%arg19 : memref<!tpu.dma_semaphore, #tpu.memory_space<semaphore_mem>>)
      } else {
      }
      %eq3A_89 = arith.constant 0 : i32
      %eq3A_90 = arith.cmpi eq, %arg0, %eq3A_89 : i32
      %convert_element_type3A_91 = arith.extui %eq3A_90 : i1 to i32
      %cond3A_92 = arith.constant 0 : i32
      %cond3A_93 = arith.cmpi ne, %convert_element_type3A_91, %cond3A_92 : i32
      scf.if %cond3A_93 {
        %dma_start3A_451 = arith.constant 1 : i32
        %dma_start3A_452 = arith.constant 0 : i32
        %dma_start3A_453 = tpu.memref_slice %arg9[%rem3A_48, %dma_start3A_451, %dma_start3A_452] : memref<2x12x128xi32, #tpu.memory_space<vmem>> -> memref<1x1x128xi32, #tpu.memory_space<vmem>>
        %dma_start3A_454 = tpu.memref_squeeze %dma_start3A_453 : memref<1x1x128xi32, #tpu.memory_space<vmem>> -> memref<128xi32, #tpu.memory_space<vmem>>
        %dma_start3A_455 = arith.constant 0 : i32
        %dma_start3A_456 = arith.constant 0 : i32
        %dma_start3A_457 = tpu.memref_slice %arg2[%dma_start3A_455, %dma_start3A_456] : memref<10000x64xf32, #tpu.memory_space<hbm>> -> memref<10000x64xf32, #tpu.memory_space<hbm>>
        tpu.enqueue_indirect_dma source(%dma_start3A_457 : memref<10000x64xf32, #tpu.memory_space<hbm>>) target(%arg14 : memref<128x64xf32, #tpu.memory_space<vmem>>) offsets(%dma_start3A_454 : memref<128xi32, #tpu.memory_space<vmem>>) semaphore(%arg19 : memref<!tpu.dma_semaphore, #tpu.memory_space<semaphore_mem>>)
      } else {
      }
      %eq3A_94 = arith.constant 1 : i32
      %eq3A_95 = arith.cmpi eq, %arg0, %eq3A_94 : i32
      %convert_element_type3A_96 = arith.extui %eq3A_95 : i1 to i32
      %cond3A_97 = arith.constant 0 : i32
      %cond3A_98 = arith.cmpi ne, %convert_element_type3A_96, %cond3A_97 : i32
      scf.if %cond3A_98 {
        %dma_start3A_451 = arith.constant 1 : i32
        %dma_start3A_452 = arith.constant 0 : i32
        %dma_start3A_453 = tpu.memref_slice %arg9[%rem3A_48, %dma_start3A_451, %dma_start3A_452] : memref<2x12x128xi32, #tpu.memory_space<vmem>> -> memref<1x1x128xi32, #tpu.memory_space<vmem>>
        %dma_start3A_454 = tpu.memref_squeeze %dma_start3A_453 : memref<1x1x128xi32, #tpu.memory_space<vmem>> -> memref<128xi32, #tpu.memory_space<vmem>>
        %dma_start3A_455 = arith.constant 0 : i32
        %dma_start3A_456 = arith.constant 0 : i32
        %dma_start3A_457 = tpu.memref_slice %arg3[%dma_start3A_455, %dma_start3A_456] : memref<10000x64xf32, #tpu.memory_space<hbm>> -> memref<10000x64xf32, #tpu.memory_space<hbm>>
        tpu.enqueue_indirect_dma source(%dma_start3A_457 : memref<10000x64xf32, #tpu.memory_space<hbm>>) target(%arg14 : memref<128x64xf32, #tpu.memory_space<vmem>>) offsets(%dma_start3A_454 : memref<128xi32, #tpu.memory_space<vmem>>) semaphore(%arg19 : memref<!tpu.dma_semaphore, #tpu.memory_space<semaphore_mem>>)
      } else {
      }
      %eq3A_99 = arith.constant 0 : i32
      %eq3A_100 = arith.cmpi eq, %arg0, %eq3A_99 : i32
      %convert_element_type3A_101 = arith.extui %eq3A_100 : i1 to i32
      %cond3A_102 = arith.constant 0 : i32
      %cond3A_103 = arith.cmpi ne, %convert_element_type3A_101, %cond3A_102 : i32
      scf.if %cond3A_103 {
        %dma_start3A_451 = arith.constant 2 : i32
        %dma_start3A_452 = arith.constant 0 : i32
        %dma_start3A_453 = tpu.memref_slice %arg9[%rem3A_48, %dma_start3A_451, %dma_start3A_452] : memref<2x12x128xi32, #tpu.memory_space<vmem>> -> memref<1x1x128xi32, #tpu.memory_space<vmem>>
        %dma_start3A_454 = tpu.memref_squeeze %dma_start3A_453 : memref<1x1x128xi32, #tpu.memory_space<vmem>> -> memref<128xi32, #tpu.memory_space<vmem>>
        %dma_start3A_455 = arith.constant 0 : i32
        %dma_start3A_456 = arith.constant 0 : i32
        %dma_start3A_457 = tpu.memref_slice %arg2[%dma_start3A_455, %dma_start3A_456] : memref<10000x64xf32, #tpu.memory_space<hbm>> -> memref<10000x64xf32, #tpu.memory_space<hbm>>
        tpu.enqueue_indirect_dma source(%dma_start3A_457 : memref<10000x64xf32, #tpu.memory_space<hbm>>) target(%arg15 : memref<128x64xf32, #tpu.memory_space<vmem>>) offsets(%dma_start3A_454 : memref<128xi32, #tpu.memory_space<vmem>>) semaphore(%arg19 : memref<!tpu.dma_semaphore, #tpu.memory_space<semaphore_mem>>)
      } else {
      }
      %eq3A_104 = arith.constant 1 : i32
      %eq3A_105 = arith.cmpi eq, %arg0, %eq3A_104 : i32
      %convert_element_type3A_106 = arith.extui %eq3A_105 : i1 to i32
      %cond3A_107 = arith.constant 0 : i32
      %cond3A_108 = arith.cmpi ne, %convert_element_type3A_106, %cond3A_107 : i32
      scf.if %cond3A_108 {
        %dma_start3A_451 = arith.constant 2 : i32
        %dma_start3A_452 = arith.constant 0 : i32
        %dma_start3A_453 = tpu.memref_slice %arg9[%rem3A_48, %dma_start3A_451, %dma_start3A_452] : memref<2x12x128xi32, #tpu.memory_space<vmem>> -> memref<1x1x128xi32, #tpu.memory_space<vmem>>
        %dma_start3A_454 = tpu.memref_squeeze %dma_start3A_453 : memref<1x1x128xi32, #tpu.memory_space<vmem>> -> memref<128xi32, #tpu.memory_space<vmem>>
        %dma_start3A_455 = arith.constant 0 : i32
        %dma_start3A_456 = arith.constant 0 : i32
        %dma_start3A_457 = tpu.memref_slice %arg3[%dma_start3A_455, %dma_start3A_456] : memref<10000x64xf32, #tpu.memory_space<hbm>> -> memref<10000x64xf32, #tpu.memory_space<hbm>>
        tpu.enqueue_indirect_dma source(%dma_start3A_457 : memref<10000x64xf32, #tpu.memory_space<hbm>>) target(%arg15 : memref<128x64xf32, #tpu.memory_space<vmem>>) offsets(%dma_start3A_454 : memref<128xi32, #tpu.memory_space<vmem>>) semaphore(%arg19 : memref<!tpu.dma_semaphore, #tpu.memory_space<semaphore_mem>>)
      } else {
      }
      %eq3A_109 = arith.constant 0 : i32
      %eq3A_110 = arith.cmpi eq, %arg0, %eq3A_109 : i32
      %convert_element_type3A_111 = arith.extui %eq3A_110 : i1 to i32
      %cond3A_112 = arith.constant 0 : i32
      %cond3A_113 = arith.cmpi ne, %convert_element_type3A_111, %cond3A_112 : i32
      scf.if %cond3A_113 {
        %dma_start3A_451 = arith.constant 3 : i32
        %dma_start3A_452 = arith.constant 0 : i32
        %dma_start3A_453 = tpu.memref_slice %arg9[%rem3A_48, %dma_start3A_451, %dma_start3A_452] : memref<2x12x128xi32, #tpu.memory_space<vmem>> -> memref<1x1x128xi32, #tpu.memory_space<vmem>>
        %dma_start3A_454 = tpu.memref_squeeze %dma_start3A_453 : memref<1x1x128xi32, #tpu.memory_space<vmem>> -> memref<128xi32, #tpu.memory_space<vmem>>
        %dma_start3A_455 = arith.constant 0 : i32
        %dma_start3A_456 = arith.constant 0 : i32
        %dma_start3A_457 = tpu.memref_slice %arg2[%dma_start3A_455, %dma_start3A_456] : memref<10000x64xf32, #tpu.memory_space<hbm>> -> memref<10000x64xf32, #tpu.memory_space<hbm>>
        tpu.enqueue_indirect_dma source(%dma_start3A_457 : memref<10000x64xf32, #tpu.memory_space<hbm>>) target(%arg16 : memref<128x64xf32, #tpu.memory_space<vmem>>) offsets(%dma_start3A_454 : memref<128xi32, #tpu.memory_space<vmem>>) semaphore(%arg19 : memref<!tpu.dma_semaphore, #tpu.memory_space<semaphore_mem>>)
      } else {
      }
      %eq3A_114 = arith.constant 1 : i32
      %eq3A_115 = arith.cmpi eq, %arg0, %eq3A_114 : i32
      %convert_element_type3A_116 = arith.extui %eq3A_115 : i1 to i32
      %cond3A_117 = arith.constant 0 : i32
      %cond3A_118 = arith.cmpi ne, %convert_element_type3A_116, %cond3A_117 : i32
      scf.if %cond3A_118 {
        %dma_start3A_451 = arith.constant 3 : i32
        %dma_start3A_452 = arith.constant 0 : i32
        %dma_start3A_453 = tpu.memref_slice %arg9[%rem3A_48, %dma_start3A_451, %dma_start3A_452] : memref<2x12x128xi32, #tpu.memory_space<vmem>> -> memref<1x1x128xi32, #tpu.memory_space<vmem>>
        %dma_start3A_454 = tpu.memref_squeeze %dma_start3A_453 : memref<1x1x128xi32, #tpu.memory_space<vmem>> -> memref<128xi32, #tpu.memory_space<vmem>>
        %dma_start3A_455 = arith.constant 0 : i32
        %dma_start3A_456 = arith.constant 0 : i32
        %dma_start3A_457 = tpu.memref_slice %arg3[%dma_start3A_455, %dma_start3A_456] : memref<10000x64xf32, #tpu.memory_space<hbm>> -> memref<10000x64xf32, #tpu.memory_space<hbm>>
        tpu.enqueue_indirect_dma source(%dma_start3A_457 : memref<10000x64xf32, #tpu.memory_space<hbm>>) target(%arg16 : memref<128x64xf32, #tpu.memory_space<vmem>>) offsets(%dma_start3A_454 : memref<128xi32, #tpu.memory_space<vmem>>) semaphore(%arg19 : memref<!tpu.dma_semaphore, #tpu.memory_space<semaphore_mem>>)
      } else {
      }
      %eq3A_119 = arith.constant 0 : i32
      %eq3A_120 = arith.cmpi eq, %arg0, %eq3A_119 : i32
      %convert_element_type3A_121 = arith.extui %eq3A_120 : i1 to i32
      %cond3A_122 = arith.constant 0 : i32
      %cond3A_123 = arith.cmpi ne, %convert_element_type3A_121, %cond3A_122 : i32
      scf.if %cond3A_123 {
        %dma_start3A_451 = arith.constant 4 : i32
        %dma_start3A_452 = arith.constant 0 : i32
        %dma_start3A_453 = tpu.memref_slice %arg9[%rem3A_48, %dma_start3A_451, %dma_start3A_452] : memref<2x12x128xi32, #tpu.memory_space<vmem>> -> memref<1x1x128xi32, #tpu.memory_space<vmem>>
        %dma_start3A_454 = tpu.memref_squeeze %dma_start3A_453 : memref<1x1x128xi32, #tpu.memory_space<vmem>> -> memref<128xi32, #tpu.memory_space<vmem>>
        %dma_start3A_455 = arith.constant 0 : i32
        %dma_start3A_456 = arith.constant 0 : i32
        %dma_start3A_457 = tpu.memref_slice %arg2[%dma_start3A_455, %dma_start3A_456] : memref<10000x64xf32, #tpu.memory_space<hbm>> -> memref<10000x64xf32, #tpu.memory_space<hbm>>
        tpu.enqueue_indirect_dma source(%dma_start3A_457 : memref<10000x64xf32, #tpu.memory_space<hbm>>) target(%arg17 : memref<128x64xf32, #tpu.memory_space<vmem>>) offsets(%dma_start3A_454 : memref<128xi32, #tpu.memory_space<vmem>>) semaphore(%arg19 : memref<!tpu.dma_semaphore, #tpu.memory_space<semaphore_mem>>)
      } else {
      }
      %eq3A_124 = arith.constant 1 : i32
      %eq3A_125 = arith.cmpi eq, %arg0, %eq3A_124 : i32
      %convert_element_type3A_126 = arith.extui %eq3A_125 : i1 to i32
      %cond3A_127 = arith.constant 0 : i32
      %cond3A_128 = arith.cmpi ne, %convert_element_type3A_126, %cond3A_127 : i32
      scf.if %cond3A_128 {
        %dma_start3A_451 = arith.constant 4 : i32
        %dma_start3A_452 = arith.constant 0 : i32
        %dma_start3A_453 = tpu.memref_slice %arg9[%rem3A_48, %dma_start3A_451, %dma_start3A_452] : memref<2x12x128xi32, #tpu.memory_space<vmem>> -> memref<1x1x128xi32, #tpu.memory_space<vmem>>
        %dma_start3A_454 = tpu.memref_squeeze %dma_start3A_453 : memref<1x1x128xi32, #tpu.memory_space<vmem>> -> memref<128xi32, #tpu.memory_space<vmem>>
        %dma_start3A_455 = arith.constant 0 : i32
        %dma_start3A_456 = arith.constant 0 : i32
        %dma_start3A_457 = tpu.memref_slice %arg3[%dma_start3A_455, %dma_start3A_456] : memref<10000x64xf32, #tpu.memory_space<hbm>> -> memref<10000x64xf32, #tpu.memory_space<hbm>>
        tpu.enqueue_indirect_dma source(%dma_start3A_457 : memref<10000x64xf32, #tpu.memory_space<hbm>>) target(%arg17 : memref<128x64xf32, #tpu.memory_space<vmem>>) offsets(%dma_start3A_454 : memref<128xi32, #tpu.memory_space<vmem>>) semaphore(%arg19 : memref<!tpu.dma_semaphore, #tpu.memory_space<semaphore_mem>>)
      } else {
      }
      %eq3A_129 = arith.constant 0 : i32
      %eq3A_130 = arith.cmpi eq, %arg0, %eq3A_129 : i32
      %convert_element_type3A_131 = arith.extui %eq3A_130 : i1 to i32
      %cond3A_132 = arith.constant 0 : i32
      %cond3A_133 = arith.cmpi ne, %convert_element_type3A_131, %cond3A_132 : i32
      scf.if %cond3A_133 {
        %dma_start3A_451 = arith.constant 5 : i32
        %dma_start3A_452 = arith.constant 0 : i32
        %dma_start3A_453 = tpu.memref_slice %arg9[%rem3A_48, %dma_start3A_451, %dma_start3A_452] : memref<2x12x128xi32, #tpu.memory_space<vmem>> -> memref<1x1x128xi32, #tpu.memory_space<vmem>>
        %dma_start3A_454 = tpu.memref_squeeze %dma_start3A_453 : memref<1x1x128xi32, #tpu.memory_space<vmem>> -> memref<128xi32, #tpu.memory_space<vmem>>
        %dma_start3A_455 = arith.constant 0 : i32
        %dma_start3A_456 = arith.constant 0 : i32
        %dma_start3A_457 = tpu.memref_slice %arg2[%dma_start3A_455, %dma_start3A_456] : memref<10000x64xf32, #tpu.memory_space<hbm>> -> memref<10000x64xf32, #tpu.memory_space<hbm>>
        tpu.enqueue_indirect_dma source(%dma_start3A_457 : memref<10000x64xf32, #tpu.memory_space<hbm>>) target(%arg18 : memref<128x64xf32, #tpu.memory_space<vmem>>) offsets(%dma_start3A_454 : memref<128xi32, #tpu.memory_space<vmem>>) semaphore(%arg19 : memref<!tpu.dma_semaphore, #tpu.memory_space<semaphore_mem>>)
      } else {
      }
      %eq3A_134 = arith.constant 1 : i32
      %eq3A_135 = arith.cmpi eq, %arg0, %eq3A_134 : i32
      %convert_element_type3A_136 = arith.extui %eq3A_135 : i1 to i32
      %cond3A_137 = arith.constant 0 : i32
      %cond3A_138 = arith.cmpi ne, %convert_element_type3A_136, %cond3A_137 : i32
      scf.if %cond3A_138 {
        %dma_start3A_451 = arith.constant 5 : i32
        %dma_start3A_452 = arith.constant 0 : i32
        %dma_start3A_453 = tpu.memref_slice %arg9[%rem3A_48, %dma_start3A_451, %dma_start3A_452] : memref<2x12x128xi32, #tpu.memory_space<vmem>> -> memref<1x1x128xi32, #tpu.memory_space<vmem>>
        %dma_start3A_454 = tpu.memref_squeeze %dma_start3A_453 : memref<1x1x128xi32, #tpu.memory_space<vmem>> -> memref<128xi32, #tpu.memory_space<vmem>>
        %dma_start3A_455 = arith.constant 0 : i32
        %dma_start3A_456 = arith.constant 0 : i32
        %dma_start3A_457 = tpu.memref_slice %arg3[%dma_start3A_455, %dma_start3A_456] : memref<10000x64xf32, #tpu.memory_space<hbm>> -> memref<10000x64xf32, #tpu.memory_space<hbm>>
        tpu.enqueue_indirect_dma source(%dma_start3A_457 : memref<10000x64xf32, #tpu.memory_space<hbm>>) target(%arg18 : memref<128x64xf32, #tpu.memory_space<vmem>>) offsets(%dma_start3A_454 : memref<128xi32, #tpu.memory_space<vmem>>) semaphore(%arg19 : memref<!tpu.dma_semaphore, #tpu.memory_space<semaphore_mem>>)
      } else {
      }
      %dma_wait3A_139 = arith.constant 0 : i32
      %dma_wait3A_140 = arith.constant 0 : i32
      %dma_wait3A_141 = tpu.memref_slice %arg9[%rem3A_48, %dma_wait3A_139, %dma_wait3A_140] : memref<2x12x128xi32, #tpu.memory_space<vmem>> -> memref<1x1x128xi32, #tpu.memory_space<vmem>>
      %dma_wait3A_142 = tpu.memref_squeeze %dma_wait3A_141 : memref<1x1x128xi32, #tpu.memory_space<vmem>> -> memref<128xi32, #tpu.memory_space<vmem>>
      %dma_wait3A_143 = arith.constant 0 : i32
      %dma_wait3A_144 = arith.constant 0 : i32
      %dma_wait3A_145 = tpu.memref_slice %arg2[%dma_wait3A_143, %dma_wait3A_144] : memref<10000x64xf32, #tpu.memory_space<hbm>> -> memref<10000x64xf32, #tpu.memory_space<hbm>>
      tpu.wait_indirect_dma semaphore(%arg19 : memref<!tpu.dma_semaphore, #tpu.memory_space<semaphore_mem>>) src(%dma_wait3A_145 : memref<10000x64xf32, #tpu.memory_space<hbm>>) dst(%arg13 : memref<128x64xf32, #tpu.memory_space<vmem>>)
      %dma_start3A_146 = arith.constant 0 : i32
      %dma_start3A_147 = arith.constant 0 : i32
      %dma_start3A_148 = tpu.memref_slice %arg10[%rem3A_48, %dma_start3A_146, %dma_start3A_147] : memref<2x12x128xi32, #tpu.memory_space<vmem>> -> memref<1x1x128xi32, #tpu.memory_space<vmem>>
      %dma_start3A_149 = tpu.memref_squeeze %dma_start3A_148 : memref<1x1x128xi32, #tpu.memory_space<vmem>> -> memref<128xi32, #tpu.memory_space<vmem>>
      %dma_start3A_150 = arith.constant 0 : i32
      %dma_start3A_151 = arith.constant 0 : i32
      %dma_start3A_152 = tpu.memref_slice %arg8[%dma_start3A_150, %dma_start3A_151] : memref<10000x64xf32, #tpu.memory_space<vmem_shared>> -> memref<10000x64xf32, #tpu.memory_space<vmem_shared>>
      tpu.enqueue_indirect_dma source(%arg13 : memref<128x64xf32, #tpu.memory_space<vmem>>) target(%dma_start3A_152 : memref<10000x64xf32, #tpu.memory_space<vmem_shared>>) offsets(%dma_start3A_149 : memref<128xi32, #tpu.memory_space<vmem>>) semaphore(%arg20 : memref<!tpu.dma_semaphore, #tpu.memory_space<semaphore_mem>>) {add = true}
      %dma_wait3A_153 = arith.constant 0 : i32
      %dma_wait3A_154 = arith.constant 0 : i32
      %dma_wait3A_155 = tpu.memref_slice %arg10[%rem3A_48, %dma_wait3A_153, %dma_wait3A_154] : memref<2x12x128xi32, #tpu.memory_space<vmem>> -> memref<1x1x128xi32, #tpu.memory_space<vmem>>
      %dma_wait3A_156 = tpu.memref_squeeze %dma_wait3A_155 : memref<1x1x128xi32, #tpu.memory_space<vmem>> -> memref<128xi32, #tpu.memory_space<vmem>>
      %dma_wait3A_157 = arith.constant 0 : i32
      %dma_wait3A_158 = arith.constant 0 : i32
      %dma_wait3A_159 = tpu.memref_slice %arg8[%dma_wait3A_157, %dma_wait3A_158] : memref<10000x64xf32, #tpu.memory_space<vmem_shared>> -> memref<10000x64xf32, #tpu.memory_space<vmem_shared>>
      tpu.wait_indirect_dma semaphore(%arg20 : memref<!tpu.dma_semaphore, #tpu.memory_space<semaphore_mem>>) src(%arg13 : memref<128x64xf32, #tpu.memory_space<vmem>>) dst(%dma_wait3A_159 : memref<10000x64xf32, #tpu.memory_space<vmem_shared>>)
      %eq3A_160 = arith.constant 0 : i32
      %eq3A_161 = arith.cmpi eq, %arg0, %eq3A_160 : i32
      %convert_element_type3A_162 = arith.extui %eq3A_161 : i1 to i32
      %cond3A_163 = arith.constant 0 : i32
      %cond3A_164 = arith.cmpi ne, %convert_element_type3A_162, %cond3A_163 : i32
      scf.if %cond3A_164 {
        %dma_start3A_451 = arith.constant 6 : i32
        %dma_start3A_452 = arith.constant 0 : i32
        %dma_start3A_453 = tpu.memref_slice %arg9[%rem3A_48, %dma_start3A_451, %dma_start3A_452] : memref<2x12x128xi32, #tpu.memory_space<vmem>> -> memref<1x1x128xi32, #tpu.memory_space<vmem>>
        %dma_start3A_454 = tpu.memref_squeeze %dma_start3A_453 : memref<1x1x128xi32, #tpu.memory_space<vmem>> -> memref<128xi32, #tpu.memory_space<vmem>>
        %dma_start3A_455 = arith.constant 0 : i32
        %dma_start3A_456 = arith.constant 0 : i32
        %dma_start3A_457 = tpu.memref_slice %arg2[%dma_start3A_455, %dma_start3A_456] : memref<10000x64xf32, #tpu.memory_space<hbm>> -> memref<10000x64xf32, #tpu.memory_space<hbm>>
        tpu.enqueue_indirect_dma source(%dma_start3A_457 : memref<10000x64xf32, #tpu.memory_space<hbm>>) target(%arg13 : memref<128x64xf32, #tpu.memory_space<vmem>>) offsets(%dma_start3A_454 : memref<128xi32, #tpu.memory_space<vmem>>) semaphore(%arg19 : memref<!tpu.dma_semaphore, #tpu.memory_space<semaphore_mem>>)
      } else {
      }
      %eq3A_165 = arith.constant 1 : i32
      %eq3A_166 = arith.cmpi eq, %arg0, %eq3A_165 : i32
      %convert_element_type3A_167 = arith.extui %eq3A_166 : i1 to i32
      %cond3A_168 = arith.constant 0 : i32
      %cond3A_169 = arith.cmpi ne, %convert_element_type3A_167, %cond3A_168 : i32
      scf.if %cond3A_169 {
        %dma_start3A_451 = arith.constant 6 : i32
        %dma_start3A_452 = arith.constant 0 : i32
        %dma_start3A_453 = tpu.memref_slice %arg9[%rem3A_48, %dma_start3A_451, %dma_start3A_452] : memref<2x12x128xi32, #tpu.memory_space<vmem>> -> memref<1x1x128xi32, #tpu.memory_space<vmem>>
        %dma_start3A_454 = tpu.memref_squeeze %dma_start3A_453 : memref<1x1x128xi32, #tpu.memory_space<vmem>> -> memref<128xi32, #tpu.memory_space<vmem>>
        %dma_start3A_455 = arith.constant 0 : i32
        %dma_start3A_456 = arith.constant 0 : i32
        %dma_start3A_457 = tpu.memref_slice %arg3[%dma_start3A_455, %dma_start3A_456] : memref<10000x64xf32, #tpu.memory_space<hbm>> -> memref<10000x64xf32, #tpu.memory_space<hbm>>
        tpu.enqueue_indirect_dma source(%dma_start3A_457 : memref<10000x64xf32, #tpu.memory_space<hbm>>) target(%arg13 : memref<128x64xf32, #tpu.memory_space<vmem>>) offsets(%dma_start3A_454 : memref<128xi32, #tpu.memory_space<vmem>>) semaphore(%arg19 : memref<!tpu.dma_semaphore, #tpu.memory_space<semaphore_mem>>)
      } else {
      }
      %dma_wait3A_170 = arith.constant 1 : i32
      %dma_wait3A_171 = arith.constant 0 : i32
      %dma_wait3A_172 = tpu.memref_slice %arg9[%rem3A_48, %dma_wait3A_170, %dma_wait3A_171] : memref<2x12x128xi32, #tpu.memory_space<vmem>> -> memref<1x1x128xi32, #tpu.memory_space<vmem>>
      %dma_wait3A_173 = tpu.memref_squeeze %dma_wait3A_172 : memref<1x1x128xi32, #tpu.memory_space<vmem>> -> memref<128xi32, #tpu.memory_space<vmem>>
      %dma_wait3A_174 = arith.constant 0 : i32
      %dma_wait3A_175 = arith.constant 0 : i32
      %dma_wait3A_176 = tpu.memref_slice %arg2[%dma_wait3A_174, %dma_wait3A_175] : memref<10000x64xf32, #tpu.memory_space<hbm>> -> memref<10000x64xf32, #tpu.memory_space<hbm>>
      tpu.wait_indirect_dma semaphore(%arg19 : memref<!tpu.dma_semaphore, #tpu.memory_space<semaphore_mem>>) src(%dma_wait3A_176 : memref<10000x64xf32, #tpu.memory_space<hbm>>) dst(%arg14 : memref<128x64xf32, #tpu.memory_space<vmem>>)
      %dma_start3A_177 = arith.constant 1 : i32
      %dma_start3A_178 = arith.constant 0 : i32
      %dma_start3A_179 = tpu.memref_slice %arg10[%rem3A_48, %dma_start3A_177, %dma_start3A_178] : memref<2x12x128xi32, #tpu.memory_space<vmem>> -> memref<1x1x128xi32, #tpu.memory_space<vmem>>
      %dma_start3A_180 = tpu.memref_squeeze %dma_start3A_179 : memref<1x1x128xi32, #tpu.memory_space<vmem>> -> memref<128xi32, #tpu.memory_space<vmem>>
      %dma_start3A_181 = arith.constant 0 : i32
      %dma_start3A_182 = arith.constant 0 : i32
      %dma_start3A_183 = tpu.memref_slice %arg8[%dma_start3A_181, %dma_start3A_182] : memref<10000x64xf32, #tpu.memory_space<vmem_shared>> -> memref<10000x64xf32, #tpu.memory_space<vmem_shared>>
      tpu.enqueue_indirect_dma source(%arg14 : memref<128x64xf32, #tpu.memory_space<vmem>>) target(%dma_start3A_183 : memref<10000x64xf32, #tpu.memory_space<vmem_shared>>) offsets(%dma_start3A_180 : memref<128xi32, #tpu.memory_space<vmem>>) semaphore(%arg20 : memref<!tpu.dma_semaphore, #tpu.memory_space<semaphore_mem>>) {add = true}
      %dma_wait3A_184 = arith.constant 1 : i32
      %dma_wait3A_185 = arith.constant 0 : i32
      %dma_wait3A_186 = tpu.memref_slice %arg10[%rem3A_48, %dma_wait3A_184, %dma_wait3A_185] : memref<2x12x128xi32, #tpu.memory_space<vmem>> -> memref<1x1x128xi32, #tpu.memory_space<vmem>>
      %dma_wait3A_187 = tpu.memref_squeeze %dma_wait3A_186 : memref<1x1x128xi32, #tpu.memory_space<vmem>> -> memref<128xi32, #tpu.memory_space<vmem>>
      %dma_wait3A_188 = arith.constant 0 : i32
      %dma_wait3A_189 = arith.constant 0 : i32
      %dma_wait3A_190 = tpu.memref_slice %arg8[%dma_wait3A_188, %dma_wait3A_189] : memref<10000x64xf32, #tpu.memory_space<vmem_shared>> -> memref<10000x64xf32, #tpu.memory_space<vmem_shared>>
      tpu.wait_indirect_dma semaphore(%arg20 : memref<!tpu.dma_semaphore, #tpu.memory_space<semaphore_mem>>) src(%arg14 : memref<128x64xf32, #tpu.memory_space<vmem>>) dst(%dma_wait3A_190 : memref<10000x64xf32, #tpu.memory_space<vmem_shared>>)
      %eq3A_191 = arith.constant 0 : i32
      %eq3A_192 = arith.cmpi eq, %arg0, %eq3A_191 : i32
      %convert_element_type3A_193 = arith.extui %eq3A_192 : i1 to i32
      %cond3A_194 = arith.constant 0 : i32
      %cond3A_195 = arith.cmpi ne, %convert_element_type3A_193, %cond3A_194 : i32
      scf.if %cond3A_195 {
        %dma_start3A_451 = arith.constant 7 : i32
        %dma_start3A_452 = arith.constant 0 : i32
        %dma_start3A_453 = tpu.memref_slice %arg9[%rem3A_48, %dma_start3A_451, %dma_start3A_452] : memref<2x12x128xi32, #tpu.memory_space<vmem>> -> memref<1x1x128xi32, #tpu.memory_space<vmem>>
        %dma_start3A_454 = tpu.memref_squeeze %dma_start3A_453 : memref<1x1x128xi32, #tpu.memory_space<vmem>> -> memref<128xi32, #tpu.memory_space<vmem>>
        %dma_start3A_455 = arith.constant 0 : i32
        %dma_start3A_456 = arith.constant 0 : i32
        %dma_start3A_457 = tpu.memref_slice %arg2[%dma_start3A_455, %dma_start3A_456] : memref<10000x64xf32, #tpu.memory_space<hbm>> -> memref<10000x64xf32, #tpu.memory_space<hbm>>
        tpu.enqueue_indirect_dma source(%dma_start3A_457 : memref<10000x64xf32, #tpu.memory_space<hbm>>) target(%arg14 : memref<128x64xf32, #tpu.memory_space<vmem>>) offsets(%dma_start3A_454 : memref<128xi32, #tpu.memory_space<vmem>>) semaphore(%arg19 : memref<!tpu.dma_semaphore, #tpu.memory_space<semaphore_mem>>)
      } else {
      }
      %eq3A_196 = arith.constant 1 : i32
      %eq3A_197 = arith.cmpi eq, %arg0, %eq3A_196 : i32
      %convert_element_type3A_198 = arith.extui %eq3A_197 : i1 to i32
      %cond3A_199 = arith.constant 0 : i32
      %cond3A_200 = arith.cmpi ne, %convert_element_type3A_198, %cond3A_199 : i32
      scf.if %cond3A_200 {
        %dma_start3A_451 = arith.constant 7 : i32
        %dma_start3A_452 = arith.constant 0 : i32
        %dma_start3A_453 = tpu.memref_slice %arg9[%rem3A_48, %dma_start3A_451, %dma_start3A_452] : memref<2x12x128xi32, #tpu.memory_space<vmem>> -> memref<1x1x128xi32, #tpu.memory_space<vmem>>
        %dma_start3A_454 = tpu.memref_squeeze %dma_start3A_453 : memref<1x1x128xi32, #tpu.memory_space<vmem>> -> memref<128xi32, #tpu.memory_space<vmem>>
        %dma_start3A_455 = arith.constant 0 : i32
        %dma_start3A_456 = arith.constant 0 : i32
        %dma_start3A_457 = tpu.memref_slice %arg3[%dma_start3A_455, %dma_start3A_456] : memref<10000x64xf32, #tpu.memory_space<hbm>> -> memref<10000x64xf32, #tpu.memory_space<hbm>>
        tpu.enqueue_indirect_dma source(%dma_start3A_457 : memref<10000x64xf32, #tpu.memory_space<hbm>>) target(%arg14 : memref<128x64xf32, #tpu.memory_space<vmem>>) offsets(%dma_start3A_454 : memref<128xi32, #tpu.memory_space<vmem>>) semaphore(%arg19 : memref<!tpu.dma_semaphore, #tpu.memory_space<semaphore_mem>>)
      } else {
      }
      %dma_wait3A_201 = arith.constant 2 : i32
      %dma_wait3A_202 = arith.constant 0 : i32
      %dma_wait3A_203 = tpu.memref_slice %arg9[%rem3A_48, %dma_wait3A_201, %dma_wait3A_202] : memref<2x12x128xi32, #tpu.memory_space<vmem>> -> memref<1x1x128xi32, #tpu.memory_space<vmem>>
      %dma_wait3A_204 = tpu.memref_squeeze %dma_wait3A_203 : memref<1x1x128xi32, #tpu.memory_space<vmem>> -> memref<128xi32, #tpu.memory_space<vmem>>
      %dma_wait3A_205 = arith.constant 0 : i32
      %dma_wait3A_206 = arith.constant 0 : i32
      %dma_wait3A_207 = tpu.memref_slice %arg2[%dma_wait3A_205, %dma_wait3A_206] : memref<10000x64xf32, #tpu.memory_space<hbm>> -> memref<10000x64xf32, #tpu.memory_space<hbm>>
      tpu.wait_indirect_dma semaphore(%arg19 : memref<!tpu.dma_semaphore, #tpu.memory_space<semaphore_mem>>) src(%dma_wait3A_207 : memref<10000x64xf32, #tpu.memory_space<hbm>>) dst(%arg15 : memref<128x64xf32, #tpu.memory_space<vmem>>)
      %dma_start3A_208 = arith.constant 2 : i32
      %dma_start3A_209 = arith.constant 0 : i32
      %dma_start3A_210 = tpu.memref_slice %arg10[%rem3A_48, %dma_start3A_208, %dma_start3A_209] : memref<2x12x128xi32, #tpu.memory_space<vmem>> -> memref<1x1x128xi32, #tpu.memory_space<vmem>>
      %dma_start3A_211 = tpu.memref_squeeze %dma_start3A_210 : memref<1x1x128xi32, #tpu.memory_space<vmem>> -> memref<128xi32, #tpu.memory_space<vmem>>
      %dma_start3A_212 = arith.constant 0 : i32
      %dma_start3A_213 = arith.constant 0 : i32
      %dma_start3A_214 = tpu.memref_slice %arg8[%dma_start3A_212, %dma_start3A_213] : memref<10000x64xf32, #tpu.memory_space<vmem_shared>> -> memref<10000x64xf32, #tpu.memory_space<vmem_shared>>
      tpu.enqueue_indirect_dma source(%arg15 : memref<128x64xf32, #tpu.memory_space<vmem>>) target(%dma_start3A_214 : memref<10000x64xf32, #tpu.memory_space<vmem_shared>>) offsets(%dma_start3A_211 : memref<128xi32, #tpu.memory_space<vmem>>) semaphore(%arg20 : memref<!tpu.dma_semaphore, #tpu.memory_space<semaphore_mem>>) {add = true}
      %dma_wait3A_215 = arith.constant 2 : i32
      %dma_wait3A_216 = arith.constant 0 : i32
      %dma_wait3A_217 = tpu.memref_slice %arg10[%rem3A_48, %dma_wait3A_215, %dma_wait3A_216] : memref<2x12x128xi32, #tpu.memory_space<vmem>> -> memref<1x1x128xi32, #tpu.memory_space<vmem>>
      %dma_wait3A_218 = tpu.memref_squeeze %dma_wait3A_217 : memref<1x1x128xi32, #tpu.memory_space<vmem>> -> memref<128xi32, #tpu.memory_space<vmem>>
      %dma_wait3A_219 = arith.constant 0 : i32
      %dma_wait3A_220 = arith.constant 0 : i32
      %dma_wait3A_221 = tpu.memref_slice %arg8[%dma_wait3A_219, %dma_wait3A_220] : memref<10000x64xf32, #tpu.memory_space<vmem_shared>> -> memref<10000x64xf32, #tpu.memory_space<vmem_shared>>
      tpu.wait_indirect_dma semaphore(%arg20 : memref<!tpu.dma_semaphore, #tpu.memory_space<semaphore_mem>>) src(%arg15 : memref<128x64xf32, #tpu.memory_space<vmem>>) dst(%dma_wait3A_221 : memref<10000x64xf32, #tpu.memory_space<vmem_shared>>)
      %eq3A_222 = arith.constant 0 : i32
      %eq3A_223 = arith.cmpi eq, %arg0, %eq3A_222 : i32
      %convert_element_type3A_224 = arith.extui %eq3A_223 : i1 to i32
      %cond3A_225 = arith.constant 0 : i32
      %cond3A_226 = arith.cmpi ne, %convert_element_type3A_224, %cond3A_225 : i32
      scf.if %cond3A_226 {
        %dma_start3A_451 = arith.constant 8 : i32
        %dma_start3A_452 = arith.constant 0 : i32
        %dma_start3A_453 = tpu.memref_slice %arg9[%rem3A_48, %dma_start3A_451, %dma_start3A_452] : memref<2x12x128xi32, #tpu.memory_space<vmem>> -> memref<1x1x128xi32, #tpu.memory_space<vmem>>
        %dma_start3A_454 = tpu.memref_squeeze %dma_start3A_453 : memref<1x1x128xi32, #tpu.memory_space<vmem>> -> memref<128xi32, #tpu.memory_space<vmem>>
        %dma_start3A_455 = arith.constant 0 : i32
        %dma_start3A_456 = arith.constant 0 : i32
        %dma_start3A_457 = tpu.memref_slice %arg2[%dma_start3A_455, %dma_start3A_456] : memref<10000x64xf32, #tpu.memory_space<hbm>> -> memref<10000x64xf32, #tpu.memory_space<hbm>>
        tpu.enqueue_indirect_dma source(%dma_start3A_457 : memref<10000x64xf32, #tpu.memory_space<hbm>>) target(%arg15 : memref<128x64xf32, #tpu.memory_space<vmem>>) offsets(%dma_start3A_454 : memref<128xi32, #tpu.memory_space<vmem>>) semaphore(%arg19 : memref<!tpu.dma_semaphore, #tpu.memory_space<semaphore_mem>>)
      } else {
      }
      %eq3A_227 = arith.constant 1 : i32
      %eq3A_228 = arith.cmpi eq, %arg0, %eq3A_227 : i32
      %convert_element_type3A_229 = arith.extui %eq3A_228 : i1 to i32
      %cond3A_230 = arith.constant 0 : i32
      %cond3A_231 = arith.cmpi ne, %convert_element_type3A_229, %cond3A_230 : i32
      scf.if %cond3A_231 {
        %dma_start3A_451 = arith.constant 8 : i32
        %dma_start3A_452 = arith.constant 0 : i32
        %dma_start3A_453 = tpu.memref_slice %arg9[%rem3A_48, %dma_start3A_451, %dma_start3A_452] : memref<2x12x128xi32, #tpu.memory_space<vmem>> -> memref<1x1x128xi32, #tpu.memory_space<vmem>>
        %dma_start3A_454 = tpu.memref_squeeze %dma_start3A_453 : memref<1x1x128xi32, #tpu.memory_space<vmem>> -> memref<128xi32, #tpu.memory_space<vmem>>
        %dma_start3A_455 = arith.constant 0 : i32
        %dma_start3A_456 = arith.constant 0 : i32
        %dma_start3A_457 = tpu.memref_slice %arg3[%dma_start3A_455, %dma_start3A_456] : memref<10000x64xf32, #tpu.memory_space<hbm>> -> memref<10000x64xf32, #tpu.memory_space<hbm>>
        tpu.enqueue_indirect_dma source(%dma_start3A_457 : memref<10000x64xf32, #tpu.memory_space<hbm>>) target(%arg15 : memref<128x64xf32, #tpu.memory_space<vmem>>) offsets(%dma_start3A_454 : memref<128xi32, #tpu.memory_space<vmem>>) semaphore(%arg19 : memref<!tpu.dma_semaphore, #tpu.memory_space<semaphore_mem>>)
      } else {
      }
      %dma_wait3A_232 = arith.constant 3 : i32
      %dma_wait3A_233 = arith.constant 0 : i32
      %dma_wait3A_234 = tpu.memref_slice %arg9[%rem3A_48, %dma_wait3A_232, %dma_wait3A_233] : memref<2x12x128xi32, #tpu.memory_space<vmem>> -> memref<1x1x128xi32, #tpu.memory_space<vmem>>
      %dma_wait3A_235 = tpu.memref_squeeze %dma_wait3A_234 : memref<1x1x128xi32, #tpu.memory_space<vmem>> -> memref<128xi32, #tpu.memory_space<vmem>>
      %dma_wait3A_236 = arith.constant 0 : i32
      %dma_wait3A_237 = arith.constant 0 : i32
      %dma_wait3A_238 = tpu.memref_slice %arg2[%dma_wait3A_236, %dma_wait3A_237] : memref<10000x64xf32, #tpu.memory_space<hbm>> -> memref<10000x64xf32, #tpu.memory_space<hbm>>
      tpu.wait_indirect_dma semaphore(%arg19 : memref<!tpu.dma_semaphore, #tpu.memory_space<semaphore_mem>>) src(%dma_wait3A_238 : memref<10000x64xf32, #tpu.memory_space<hbm>>) dst(%arg16 : memref<128x64xf32, #tpu.memory_space<vmem>>)
      %dma_start3A_239 = arith.constant 3 : i32
      %dma_start3A_240 = arith.constant 0 : i32
      %dma_start3A_241 = tpu.memref_slice %arg10[%rem3A_48, %dma_start3A_239, %dma_start3A_240] : memref<2x12x128xi32, #tpu.memory_space<vmem>> -> memref<1x1x128xi32, #tpu.memory_space<vmem>>
      %dma_start3A_242 = tpu.memref_squeeze %dma_start3A_241 : memref<1x1x128xi32, #tpu.memory_space<vmem>> -> memref<128xi32, #tpu.memory_space<vmem>>
      %dma_start3A_243 = arith.constant 0 : i32
      %dma_start3A_244 = arith.constant 0 : i32
      %dma_start3A_245 = tpu.memref_slice %arg8[%dma_start3A_243, %dma_start3A_244] : memref<10000x64xf32, #tpu.memory_space<vmem_shared>> -> memref<10000x64xf32, #tpu.memory_space<vmem_shared>>
      tpu.enqueue_indirect_dma source(%arg16 : memref<128x64xf32, #tpu.memory_space<vmem>>) target(%dma_start3A_245 : memref<10000x64xf32, #tpu.memory_space<vmem_shared>>) offsets(%dma_start3A_242 : memref<128xi32, #tpu.memory_space<vmem>>) semaphore(%arg20 : memref<!tpu.dma_semaphore, #tpu.memory_space<semaphore_mem>>) {add = true}
      %dma_wait3A_246 = arith.constant 3 : i32
      %dma_wait3A_247 = arith.constant 0 : i32
      %dma_wait3A_248 = tpu.memref_slice %arg10[%rem3A_48, %dma_wait3A_246, %dma_wait3A_247] : memref<2x12x128xi32, #tpu.memory_space<vmem>> -> memref<1x1x128xi32, #tpu.memory_space<vmem>>
      %dma_wait3A_249 = tpu.memref_squeeze %dma_wait3A_248 : memref<1x1x128xi32, #tpu.memory_space<vmem>> -> memref<128xi32, #tpu.memory_space<vmem>>
      %dma_wait3A_250 = arith.constant 0 : i32
      %dma_wait3A_251 = arith.constant 0 : i32
      %dma_wait3A_252 = tpu.memref_slice %arg8[%dma_wait3A_250, %dma_wait3A_251] : memref<10000x64xf32, #tpu.memory_space<vmem_shared>> -> memref<10000x64xf32, #tpu.memory_space<vmem_shared>>
      tpu.wait_indirect_dma semaphore(%arg20 : memref<!tpu.dma_semaphore, #tpu.memory_space<semaphore_mem>>) src(%arg16 : memref<128x64xf32, #tpu.memory_space<vmem>>) dst(%dma_wait3A_252 : memref<10000x64xf32, #tpu.memory_space<vmem_shared>>)
      %eq3A_253 = arith.constant 0 : i32
      %eq3A_254 = arith.cmpi eq, %arg0, %eq3A_253 : i32
      %convert_element_type3A_255 = arith.extui %eq3A_254 : i1 to i32
      %cond3A_256 = arith.constant 0 : i32
      %cond3A_257 = arith.cmpi ne, %convert_element_type3A_255, %cond3A_256 : i32
      scf.if %cond3A_257 {
        %dma_start3A_451 = arith.constant 9 : i32
        %dma_start3A_452 = arith.constant 0 : i32
        %dma_start3A_453 = tpu.memref_slice %arg9[%rem3A_48, %dma_start3A_451, %dma_start3A_452] : memref<2x12x128xi32, #tpu.memory_space<vmem>> -> memref<1x1x128xi32, #tpu.memory_space<vmem>>
        %dma_start3A_454 = tpu.memref_squeeze %dma_start3A_453 : memref<1x1x128xi32, #tpu.memory_space<vmem>> -> memref<128xi32, #tpu.memory_space<vmem>>
        %dma_start3A_455 = arith.constant 0 : i32
        %dma_start3A_456 = arith.constant 0 : i32
        %dma_start3A_457 = tpu.memref_slice %arg2[%dma_start3A_455, %dma_start3A_456] : memref<10000x64xf32, #tpu.memory_space<hbm>> -> memref<10000x64xf32, #tpu.memory_space<hbm>>
        tpu.enqueue_indirect_dma source(%dma_start3A_457 : memref<10000x64xf32, #tpu.memory_space<hbm>>) target(%arg16 : memref<128x64xf32, #tpu.memory_space<vmem>>) offsets(%dma_start3A_454 : memref<128xi32, #tpu.memory_space<vmem>>) semaphore(%arg19 : memref<!tpu.dma_semaphore, #tpu.memory_space<semaphore_mem>>)
      } else {
      }
      %eq3A_258 = arith.constant 1 : i32
      %eq3A_259 = arith.cmpi eq, %arg0, %eq3A_258 : i32
      %convert_element_type3A_260 = arith.extui %eq3A_259 : i1 to i32
      %cond3A_261 = arith.constant 0 : i32
      %cond3A_262 = arith.cmpi ne, %convert_element_type3A_260, %cond3A_261 : i32
      scf.if %cond3A_262 {
        %dma_start3A_451 = arith.constant 9 : i32
        %dma_start3A_452 = arith.constant 0 : i32
        %dma_start3A_453 = tpu.memref_slice %arg9[%rem3A_48, %dma_start3A_451, %dma_start3A_452] : memref<2x12x128xi32, #tpu.memory_space<vmem>> -> memref<1x1x128xi32, #tpu.memory_space<vmem>>
        %dma_start3A_454 = tpu.memref_squeeze %dma_start3A_453 : memref<1x1x128xi32, #tpu.memory_space<vmem>> -> memref<128xi32, #tpu.memory_space<vmem>>
        %dma_start3A_455 = arith.constant 0 : i32
        %dma_start3A_456 = arith.constant 0 : i32
        %dma_start3A_457 = tpu.memref_slice %arg3[%dma_start3A_455, %dma_start3A_456] : memref<10000x64xf32, #tpu.memory_space<hbm>> -> memref<10000x64xf32, #tpu.memory_space<hbm>>
        tpu.enqueue_indirect_dma source(%dma_start3A_457 : memref<10000x64xf32, #tpu.memory_space<hbm>>) target(%arg16 : memref<128x64xf32, #tpu.memory_space<vmem>>) offsets(%dma_start3A_454 : memref<128xi32, #tpu.memory_space<vmem>>) semaphore(%arg19 : memref<!tpu.dma_semaphore, #tpu.memory_space<semaphore_mem>>)
      } else {
      }
      %dma_wait3A_263 = arith.constant 4 : i32
      %dma_wait3A_264 = arith.constant 0 : i32
      %dma_wait3A_265 = tpu.memref_slice %arg9[%rem3A_48, %dma_wait3A_263, %dma_wait3A_264] : memref<2x12x128xi32, #tpu.memory_space<vmem>> -> memref<1x1x128xi32, #tpu.memory_space<vmem>>
      %dma_wait3A_266 = tpu.memref_squeeze %dma_wait3A_265 : memref<1x1x128xi32, #tpu.memory_space<vmem>> -> memref<128xi32, #tpu.memory_space<vmem>>
      %dma_wait3A_267 = arith.constant 0 : i32
      %dma_wait3A_268 = arith.constant 0 : i32
      %dma_wait3A_269 = tpu.memref_slice %arg2[%dma_wait3A_267, %dma_wait3A_268] : memref<10000x64xf32, #tpu.memory_space<hbm>> -> memref<10000x64xf32, #tpu.memory_space<hbm>>
      tpu.wait_indirect_dma semaphore(%arg19 : memref<!tpu.dma_semaphore, #tpu.memory_space<semaphore_mem>>) src(%dma_wait3A_269 : memref<10000x64xf32, #tpu.memory_space<hbm>>) dst(%arg17 : memref<128x64xf32, #tpu.memory_space<vmem>>)
      %dma_start3A_270 = arith.constant 4 : i32
      %dma_start3A_271 = arith.constant 0 : i32
      %dma_start3A_272 = tpu.memref_slice %arg10[%rem3A_48, %dma_start3A_270, %dma_start3A_271] : memref<2x12x128xi32, #tpu.memory_space<vmem>> -> memref<1x1x128xi32, #tpu.memory_space<vmem>>
      %dma_start3A_273 = tpu.memref_squeeze %dma_start3A_272 : memref<1x1x128xi32, #tpu.memory_space<vmem>> -> memref<128xi32, #tpu.memory_space<vmem>>
      %dma_start3A_274 = arith.constant 0 : i32
      %dma_start3A_275 = arith.constant 0 : i32
      %dma_start3A_276 = tpu.memref_slice %arg8[%dma_start3A_274, %dma_start3A_275] : memref<10000x64xf32, #tpu.memory_space<vmem_shared>> -> memref<10000x64xf32, #tpu.memory_space<vmem_shared>>
      tpu.enqueue_indirect_dma source(%arg17 : memref<128x64xf32, #tpu.memory_space<vmem>>) target(%dma_start3A_276 : memref<10000x64xf32, #tpu.memory_space<vmem_shared>>) offsets(%dma_start3A_273 : memref<128xi32, #tpu.memory_space<vmem>>) semaphore(%arg20 : memref<!tpu.dma_semaphore, #tpu.memory_space<semaphore_mem>>) {add = true}
      %dma_wait3A_277 = arith.constant 4 : i32
      %dma_wait3A_278 = arith.constant 0 : i32
      %dma_wait3A_279 = tpu.memref_slice %arg10[%rem3A_48, %dma_wait3A_277, %dma_wait3A_278] : memref<2x12x128xi32, #tpu.memory_space<vmem>> -> memref<1x1x128xi32, #tpu.memory_space<vmem>>
      %dma_wait3A_280 = tpu.memref_squeeze %dma_wait3A_279 : memref<1x1x128xi32, #tpu.memory_space<vmem>> -> memref<128xi32, #tpu.memory_space<vmem>>
      %dma_wait3A_281 = arith.constant 0 : i32
      %dma_wait3A_282 = arith.constant 0 : i32
      %dma_wait3A_283 = tpu.memref_slice %arg8[%dma_wait3A_281, %dma_wait3A_282] : memref<10000x64xf32, #tpu.memory_space<vmem_shared>> -> memref<10000x64xf32, #tpu.memory_space<vmem_shared>>
      tpu.wait_indirect_dma semaphore(%arg20 : memref<!tpu.dma_semaphore, #tpu.memory_space<semaphore_mem>>) src(%arg17 : memref<128x64xf32, #tpu.memory_space<vmem>>) dst(%dma_wait3A_283 : memref<10000x64xf32, #tpu.memory_space<vmem_shared>>)
      %eq3A_284 = arith.constant 0 : i32
      %eq3A_285 = arith.cmpi eq, %arg0, %eq3A_284 : i32
      %convert_element_type3A_286 = arith.extui %eq3A_285 : i1 to i32
      %cond3A_287 = arith.constant 0 : i32
      %cond3A_288 = arith.cmpi ne, %convert_element_type3A_286, %cond3A_287 : i32
      scf.if %cond3A_288 {
        %dma_start3A_451 = arith.constant 10 : i32
        %dma_start3A_452 = arith.constant 0 : i32
        %dma_start3A_453 = tpu.memref_slice %arg9[%rem3A_48, %dma_start3A_451, %dma_start3A_452] : memref<2x12x128xi32, #tpu.memory_space<vmem>> -> memref<1x1x128xi32, #tpu.memory_space<vmem>>
        %dma_start3A_454 = tpu.memref_squeeze %dma_start3A_453 : memref<1x1x128xi32, #tpu.memory_space<vmem>> -> memref<128xi32, #tpu.memory_space<vmem>>
        %dma_start3A_455 = arith.constant 0 : i32
        %dma_start3A_456 = arith.constant 0 : i32
        %dma_start3A_457 = tpu.memref_slice %arg2[%dma_start3A_455, %dma_start3A_456] : memref<10000x64xf32, #tpu.memory_space<hbm>> -> memref<10000x64xf32, #tpu.memory_space<hbm>>
        tpu.enqueue_indirect_dma source(%dma_start3A_457 : memref<10000x64xf32, #tpu.memory_space<hbm>>) target(%arg17 : memref<128x64xf32, #tpu.memory_space<vmem>>) offsets(%dma_start3A_454 : memref<128xi32, #tpu.memory_space<vmem>>) semaphore(%arg19 : memref<!tpu.dma_semaphore, #tpu.memory_space<semaphore_mem>>)
      } else {
      }
      %eq3A_289 = arith.constant 1 : i32
      %eq3A_290 = arith.cmpi eq, %arg0, %eq3A_289 : i32
      %convert_element_type3A_291 = arith.extui %eq3A_290 : i1 to i32
      %cond3A_292 = arith.constant 0 : i32
      %cond3A_293 = arith.cmpi ne, %convert_element_type3A_291, %cond3A_292 : i32
      scf.if %cond3A_293 {
        %dma_start3A_451 = arith.constant 10 : i32
        %dma_start3A_452 = arith.constant 0 : i32
        %dma_start3A_453 = tpu.memref_slice %arg9[%rem3A_48, %dma_start3A_451, %dma_start3A_452] : memref<2x12x128xi32, #tpu.memory_space<vmem>> -> memref<1x1x128xi32, #tpu.memory_space<vmem>>
        %dma_start3A_454 = tpu.memref_squeeze %dma_start3A_453 : memref<1x1x128xi32, #tpu.memory_space<vmem>> -> memref<128xi32, #tpu.memory_space<vmem>>
        %dma_start3A_455 = arith.constant 0 : i32
        %dma_start3A_456 = arith.constant 0 : i32
        %dma_start3A_457 = tpu.memref_slice %arg3[%dma_start3A_455, %dma_start3A_456] : memref<10000x64xf32, #tpu.memory_space<hbm>> -> memref<10000x64xf32, #tpu.memory_space<hbm>>
        tpu.enqueue_indirect_dma source(%dma_start3A_457 : memref<10000x64xf32, #tpu.memory_space<hbm>>) target(%arg17 : memref<128x64xf32, #tpu.memory_space<vmem>>) offsets(%dma_start3A_454 : memref<128xi32, #tpu.memory_space<vmem>>) semaphore(%arg19 : memref<!tpu.dma_semaphore, #tpu.memory_space<semaphore_mem>>)
      } else {
      }
      %dma_wait3A_294 = arith.constant 5 : i32
      %dma_wait3A_295 = arith.constant 0 : i32
      %dma_wait3A_296 = tpu.memref_slice %arg9[%rem3A_48, %dma_wait3A_294, %dma_wait3A_295] : memref<2x12x128xi32, #tpu.memory_space<vmem>> -> memref<1x1x128xi32, #tpu.memory_space<vmem>>
      %dma_wait3A_297 = tpu.memref_squeeze %dma_wait3A_296 : memref<1x1x128xi32, #tpu.memory_space<vmem>> -> memref<128xi32, #tpu.memory_space<vmem>>
      %dma_wait3A_298 = arith.constant 0 : i32
      %dma_wait3A_299 = arith.constant 0 : i32
      %dma_wait3A_300 = tpu.memref_slice %arg2[%dma_wait3A_298, %dma_wait3A_299] : memref<10000x64xf32, #tpu.memory_space<hbm>> -> memref<10000x64xf32, #tpu.memory_space<hbm>>
      tpu.wait_indirect_dma semaphore(%arg19 : memref<!tpu.dma_semaphore, #tpu.memory_space<semaphore_mem>>) src(%dma_wait3A_300 : memref<10000x64xf32, #tpu.memory_space<hbm>>) dst(%arg18 : memref<128x64xf32, #tpu.memory_space<vmem>>)
      %dma_start3A_301 = arith.constant 5 : i32
      %dma_start3A_302 = arith.constant 0 : i32
      %dma_start3A_303 = tpu.memref_slice %arg10[%rem3A_48, %dma_start3A_301, %dma_start3A_302] : memref<2x12x128xi32, #tpu.memory_space<vmem>> -> memref<1x1x128xi32, #tpu.memory_space<vmem>>
      %dma_start3A_304 = tpu.memref_squeeze %dma_start3A_303 : memref<1x1x128xi32, #tpu.memory_space<vmem>> -> memref<128xi32, #tpu.memory_space<vmem>>
      %dma_start3A_305 = arith.constant 0 : i32
      %dma_start3A_306 = arith.constant 0 : i32
      %dma_start3A_307 = tpu.memref_slice %arg8[%dma_start3A_305, %dma_start3A_306] : memref<10000x64xf32, #tpu.memory_space<vmem_shared>> -> memref<10000x64xf32, #tpu.memory_space<vmem_shared>>
      tpu.enqueue_indirect_dma source(%arg18 : memref<128x64xf32, #tpu.memory_space<vmem>>) target(%dma_start3A_307 : memref<10000x64xf32, #tpu.memory_space<vmem_shared>>) offsets(%dma_start3A_304 : memref<128xi32, #tpu.memory_space<vmem>>) semaphore(%arg20 : memref<!tpu.dma_semaphore, #tpu.memory_space<semaphore_mem>>) {add = true}
      %dma_wait3A_308 = arith.constant 5 : i32
      %dma_wait3A_309 = arith.constant 0 : i32
      %dma_wait3A_310 = tpu.memref_slice %arg10[%rem3A_48, %dma_wait3A_308, %dma_wait3A_309] : memref<2x12x128xi32, #tpu.memory_space<vmem>> -> memref<1x1x128xi32, #tpu.memory_space<vmem>>
      %dma_wait3A_311 = tpu.memref_squeeze %dma_wait3A_310 : memref<1x1x128xi32, #tpu.memory_space<vmem>> -> memref<128xi32, #tpu.memory_space<vmem>>
      %dma_wait3A_312 = arith.constant 0 : i32
      %dma_wait3A_313 = arith.constant 0 : i32
      %dma_wait3A_314 = tpu.memref_slice %arg8[%dma_wait3A_312, %dma_wait3A_313] : memref<10000x64xf32, #tpu.memory_space<vmem_shared>> -> memref<10000x64xf32, #tpu.memory_space<vmem_shared>>
      tpu.wait_indirect_dma semaphore(%arg20 : memref<!tpu.dma_semaphore, #tpu.memory_space<semaphore_mem>>) src(%arg18 : memref<128x64xf32, #tpu.memory_space<vmem>>) dst(%dma_wait3A_314 : memref<10000x64xf32, #tpu.memory_space<vmem_shared>>)
      %eq3A_315 = arith.constant 0 : i32
      %eq3A_316 = arith.cmpi eq, %arg0, %eq3A_315 : i32
      %convert_element_type3A_317 = arith.extui %eq3A_316 : i1 to i32
      %cond3A_318 = arith.constant 0 : i32
      %cond3A_319 = arith.cmpi ne, %convert_element_type3A_317, %cond3A_318 : i32
      scf.if %cond3A_319 {
        %dma_start3A_451 = arith.constant 11 : i32
        %dma_start3A_452 = arith.constant 0 : i32
        %dma_start3A_453 = tpu.memref_slice %arg9[%rem3A_48, %dma_start3A_451, %dma_start3A_452] : memref<2x12x128xi32, #tpu.memory_space<vmem>> -> memref<1x1x128xi32, #tpu.memory_space<vmem>>
        %dma_start3A_454 = tpu.memref_squeeze %dma_start3A_453 : memref<1x1x128xi32, #tpu.memory_space<vmem>> -> memref<128xi32, #tpu.memory_space<vmem>>
        %dma_start3A_455 = arith.constant 0 : i32
        %dma_start3A_456 = arith.constant 0 : i32
        %dma_start3A_457 = tpu.memref_slice %arg2[%dma_start3A_455, %dma_start3A_456] : memref<10000x64xf32, #tpu.memory_space<hbm>> -> memref<10000x64xf32, #tpu.memory_space<hbm>>
        tpu.enqueue_indirect_dma source(%dma_start3A_457 : memref<10000x64xf32, #tpu.memory_space<hbm>>) target(%arg18 : memref<128x64xf32, #tpu.memory_space<vmem>>) offsets(%dma_start3A_454 : memref<128xi32, #tpu.memory_space<vmem>>) semaphore(%arg19 : memref<!tpu.dma_semaphore, #tpu.memory_space<semaphore_mem>>)
      } else {
      }
      %eq3A_320 = arith.constant 1 : i32
      %eq3A_321 = arith.cmpi eq, %arg0, %eq3A_320 : i32
      %convert_element_type3A_322 = arith.extui %eq3A_321 : i1 to i32
      %cond3A_323 = arith.constant 0 : i32
      %cond3A_324 = arith.cmpi ne, %convert_element_type3A_322, %cond3A_323 : i32
      scf.if %cond3A_324 {
        %dma_start3A_451 = arith.constant 11 : i32
        %dma_start3A_452 = arith.constant 0 : i32
        %dma_start3A_453 = tpu.memref_slice %arg9[%rem3A_48, %dma_start3A_451, %dma_start3A_452] : memref<2x12x128xi32, #tpu.memory_space<vmem>> -> memref<1x1x128xi32, #tpu.memory_space<vmem>>
        %dma_start3A_454 = tpu.memref_squeeze %dma_start3A_453 : memref<1x1x128xi32, #tpu.memory_space<vmem>> -> memref<128xi32, #tpu.memory_space<vmem>>
        %dma_start3A_455 = arith.constant 0 : i32
        %dma_start3A_456 = arith.constant 0 : i32
        %dma_start3A_457 = tpu.memref_slice %arg3[%dma_start3A_455, %dma_start3A_456] : memref<10000x64xf32, #tpu.memory_space<hbm>> -> memref<10000x64xf32, #tpu.memory_space<hbm>>
        tpu.enqueue_indirect_dma source(%dma_start3A_457 : memref<10000x64xf32, #tpu.memory_space<hbm>>) target(%arg18 : memref<128x64xf32, #tpu.memory_space<vmem>>) offsets(%dma_start3A_454 : memref<128xi32, #tpu.memory_space<vmem>>) semaphore(%arg19 : memref<!tpu.dma_semaphore, #tpu.memory_space<semaphore_mem>>)
      } else {
      }
      %dma_wait3A_325 = arith.constant 6 : i32
      %dma_wait3A_326 = arith.constant 0 : i32
      %dma_wait3A_327 = tpu.memref_slice %arg9[%rem3A_48, %dma_wait3A_325, %dma_wait3A_326] : memref<2x12x128xi32, #tpu.memory_space<vmem>> -> memref<1x1x128xi32, #tpu.memory_space<vmem>>
      %dma_wait3A_328 = tpu.memref_squeeze %dma_wait3A_327 : memref<1x1x128xi32, #tpu.memory_space<vmem>> -> memref<128xi32, #tpu.memory_space<vmem>>
      %dma_wait3A_329 = arith.constant 0 : i32
      %dma_wait3A_330 = arith.constant 0 : i32
      %dma_wait3A_331 = tpu.memref_slice %arg2[%dma_wait3A_329, %dma_wait3A_330] : memref<10000x64xf32, #tpu.memory_space<hbm>> -> memref<10000x64xf32, #tpu.memory_space<hbm>>
      tpu.wait_indirect_dma semaphore(%arg19 : memref<!tpu.dma_semaphore, #tpu.memory_space<semaphore_mem>>) src(%dma_wait3A_331 : memref<10000x64xf32, #tpu.memory_space<hbm>>) dst(%arg13 : memref<128x64xf32, #tpu.memory_space<vmem>>)
      %dma_start3A_332 = arith.constant 6 : i32
      %dma_start3A_333 = arith.constant 0 : i32
      %dma_start3A_334 = tpu.memref_slice %arg10[%rem3A_48, %dma_start3A_332, %dma_start3A_333] : memref<2x12x128xi32, #tpu.memory_space<vmem>> -> memref<1x1x128xi32, #tpu.memory_space<vmem>>
      %dma_start3A_335 = tpu.memref_squeeze %dma_start3A_334 : memref<1x1x128xi32, #tpu.memory_space<vmem>> -> memref<128xi32, #tpu.memory_space<vmem>>
      %dma_start3A_336 = arith.constant 0 : i32
      %dma_start3A_337 = arith.constant 0 : i32
      %dma_start3A_338 = tpu.memref_slice %arg8[%dma_start3A_336, %dma_start3A_337] : memref<10000x64xf32, #tpu.memory_space<vmem_shared>> -> memref<10000x64xf32, #tpu.memory_space<vmem_shared>>
      tpu.enqueue_indirect_dma source(%arg13 : memref<128x64xf32, #tpu.memory_space<vmem>>) target(%dma_start3A_338 : memref<10000x64xf32, #tpu.memory_space<vmem_shared>>) offsets(%dma_start3A_335 : memref<128xi32, #tpu.memory_space<vmem>>) semaphore(%arg20 : memref<!tpu.dma_semaphore, #tpu.memory_space<semaphore_mem>>) {add = true}
      %dma_wait3A_339 = arith.constant 7 : i32
      %dma_wait3A_340 = arith.constant 0 : i32
      %dma_wait3A_341 = tpu.memref_slice %arg9[%rem3A_48, %dma_wait3A_339, %dma_wait3A_340] : memref<2x12x128xi32, #tpu.memory_space<vmem>> -> memref<1x1x128xi32, #tpu.memory_space<vmem>>
      %dma_wait3A_342 = tpu.memref_squeeze %dma_wait3A_341 : memref<1x1x128xi32, #tpu.memory_space<vmem>> -> memref<128xi32, #tpu.memory_space<vmem>>
      %dma_wait3A_343 = arith.constant 0 : i32
      %dma_wait3A_344 = arith.constant 0 : i32
      %dma_wait3A_345 = tpu.memref_slice %arg2[%dma_wait3A_343, %dma_wait3A_344] : memref<10000x64xf32, #tpu.memory_space<hbm>> -> memref<10000x64xf32, #tpu.memory_space<hbm>>
      tpu.wait_indirect_dma semaphore(%arg19 : memref<!tpu.dma_semaphore, #tpu.memory_space<semaphore_mem>>) src(%dma_wait3A_345 : memref<10000x64xf32, #tpu.memory_space<hbm>>) dst(%arg14 : memref<128x64xf32, #tpu.memory_space<vmem>>)
      %dma_start3A_346 = arith.constant 7 : i32
      %dma_start3A_347 = arith.constant 0 : i32
      %dma_start3A_348 = tpu.memref_slice %arg10[%rem3A_48, %dma_start3A_346, %dma_start3A_347] : memref<2x12x128xi32, #tpu.memory_space<vmem>> -> memref<1x1x128xi32, #tpu.memory_space<vmem>>
      %dma_start3A_349 = tpu.memref_squeeze %dma_start3A_348 : memref<1x1x128xi32, #tpu.memory_space<vmem>> -> memref<128xi32, #tpu.memory_space<vmem>>
      %dma_start3A_350 = arith.constant 0 : i32
      %dma_start3A_351 = arith.constant 0 : i32
      %dma_start3A_352 = tpu.memref_slice %arg8[%dma_start3A_350, %dma_start3A_351] : memref<10000x64xf32, #tpu.memory_space<vmem_shared>> -> memref<10000x64xf32, #tpu.memory_space<vmem_shared>>
      tpu.enqueue_indirect_dma source(%arg14 : memref<128x64xf32, #tpu.memory_space<vmem>>) target(%dma_start3A_352 : memref<10000x64xf32, #tpu.memory_space<vmem_shared>>) offsets(%dma_start3A_349 : memref<128xi32, #tpu.memory_space<vmem>>) semaphore(%arg20 : memref<!tpu.dma_semaphore, #tpu.memory_space<semaphore_mem>>) {add = true}
      %dma_wait3A_353 = arith.constant 8 : i32
      %dma_wait3A_354 = arith.constant 0 : i32
      %dma_wait3A_355 = tpu.memref_slice %arg9[%rem3A_48, %dma_wait3A_353, %dma_wait3A_354] : memref<2x12x128xi32, #tpu.memory_space<vmem>> -> memref<1x1x128xi32, #tpu.memory_space<vmem>>
      %dma_wait3A_356 = tpu.memref_squeeze %dma_wait3A_355 : memref<1x1x128xi32, #tpu.memory_space<vmem>> -> memref<128xi32, #tpu.memory_space<vmem>>
      %dma_wait3A_357 = arith.constant 0 : i32
      %dma_wait3A_358 = arith.constant 0 : i32
      %dma_wait3A_359 = tpu.memref_slice %arg2[%dma_wait3A_357, %dma_wait3A_358] : memref<10000x64xf32, #tpu.memory_space<hbm>> -> memref<10000x64xf32, #tpu.memory_space<hbm>>
      tpu.wait_indirect_dma semaphore(%arg19 : memref<!tpu.dma_semaphore, #tpu.memory_space<semaphore_mem>>) src(%dma_wait3A_359 : memref<10000x64xf32, #tpu.memory_space<hbm>>) dst(%arg15 : memref<128x64xf32, #tpu.memory_space<vmem>>)
      %dma_start3A_360 = arith.constant 8 : i32
      %dma_start3A_361 = arith.constant 0 : i32
      %dma_start3A_362 = tpu.memref_slice %arg10[%rem3A_48, %dma_start3A_360, %dma_start3A_361] : memref<2x12x128xi32, #tpu.memory_space<vmem>> -> memref<1x1x128xi32, #tpu.memory_space<vmem>>
      %dma_start3A_363 = tpu.memref_squeeze %dma_start3A_362 : memref<1x1x128xi32, #tpu.memory_space<vmem>> -> memref<128xi32, #tpu.memory_space<vmem>>
      %dma_start3A_364 = arith.constant 0 : i32
      %dma_start3A_365 = arith.constant 0 : i32
      %dma_start3A_366 = tpu.memref_slice %arg8[%dma_start3A_364, %dma_start3A_365] : memref<10000x64xf32, #tpu.memory_space<vmem_shared>> -> memref<10000x64xf32, #tpu.memory_space<vmem_shared>>
      tpu.enqueue_indirect_dma source(%arg15 : memref<128x64xf32, #tpu.memory_space<vmem>>) target(%dma_start3A_366 : memref<10000x64xf32, #tpu.memory_space<vmem_shared>>) offsets(%dma_start3A_363 : memref<128xi32, #tpu.memory_space<vmem>>) semaphore(%arg20 : memref<!tpu.dma_semaphore, #tpu.memory_space<semaphore_mem>>) {add = true}
      %dma_wait3A_367 = arith.constant 9 : i32
      %dma_wait3A_368 = arith.constant 0 : i32
      %dma_wait3A_369 = tpu.memref_slice %arg9[%rem3A_48, %dma_wait3A_367, %dma_wait3A_368] : memref<2x12x128xi32, #tpu.memory_space<vmem>> -> memref<1x1x128xi32, #tpu.memory_space<vmem>>
      %dma_wait3A_370 = tpu.memref_squeeze %dma_wait3A_369 : memref<1x1x128xi32, #tpu.memory_space<vmem>> -> memref<128xi32, #tpu.memory_space<vmem>>
      %dma_wait3A_371 = arith.constant 0 : i32
      %dma_wait3A_372 = arith.constant 0 : i32
      %dma_wait3A_373 = tpu.memref_slice %arg2[%dma_wait3A_371, %dma_wait3A_372] : memref<10000x64xf32, #tpu.memory_space<hbm>> -> memref<10000x64xf32, #tpu.memory_space<hbm>>
      tpu.wait_indirect_dma semaphore(%arg19 : memref<!tpu.dma_semaphore, #tpu.memory_space<semaphore_mem>>) src(%dma_wait3A_373 : memref<10000x64xf32, #tpu.memory_space<hbm>>) dst(%arg16 : memref<128x64xf32, #tpu.memory_space<vmem>>)
      %dma_start3A_374 = arith.constant 9 : i32
      %dma_start3A_375 = arith.constant 0 : i32
      %dma_start3A_376 = tpu.memref_slice %arg10[%rem3A_48, %dma_start3A_374, %dma_start3A_375] : memref<2x12x128xi32, #tpu.memory_space<vmem>> -> memref<1x1x128xi32, #tpu.memory_space<vmem>>
      %dma_start3A_377 = tpu.memref_squeeze %dma_start3A_376 : memref<1x1x128xi32, #tpu.memory_space<vmem>> -> memref<128xi32, #tpu.memory_space<vmem>>
      %dma_start3A_378 = arith.constant 0 : i32
      %dma_start3A_379 = arith.constant 0 : i32
      %dma_start3A_380 = tpu.memref_slice %arg8[%dma_start3A_378, %dma_start3A_379] : memref<10000x64xf32, #tpu.memory_space<vmem_shared>> -> memref<10000x64xf32, #tpu.memory_space<vmem_shared>>
      tpu.enqueue_indirect_dma source(%arg16 : memref<128x64xf32, #tpu.memory_space<vmem>>) target(%dma_start3A_380 : memref<10000x64xf32, #tpu.memory_space<vmem_shared>>) offsets(%dma_start3A_377 : memref<128xi32, #tpu.memory_space<vmem>>) semaphore(%arg20 : memref<!tpu.dma_semaphore, #tpu.memory_space<semaphore_mem>>) {add = true}
      %dma_wait3A_381 = arith.constant 10 : i32
      %dma_wait3A_382 = arith.constant 0 : i32
      %dma_wait3A_383 = tpu.memref_slice %arg9[%rem3A_48, %dma_wait3A_381, %dma_wait3A_382] : memref<2x12x128xi32, #tpu.memory_space<vmem>> -> memref<1x1x128xi32, #tpu.memory_space<vmem>>
      %dma_wait3A_384 = tpu.memref_squeeze %dma_wait3A_383 : memref<1x1x128xi32, #tpu.memory_space<vmem>> -> memref<128xi32, #tpu.memory_space<vmem>>
      %dma_wait3A_385 = arith.constant 0 : i32
      %dma_wait3A_386 = arith.constant 0 : i32
      %dma_wait3A_387 = tpu.memref_slice %arg2[%dma_wait3A_385, %dma_wait3A_386] : memref<10000x64xf32, #tpu.memory_space<hbm>> -> memref<10000x64xf32, #tpu.memory_space<hbm>>
      tpu.wait_indirect_dma semaphore(%arg19 : memref<!tpu.dma_semaphore, #tpu.memory_space<semaphore_mem>>) src(%dma_wait3A_387 : memref<10000x64xf32, #tpu.memory_space<hbm>>) dst(%arg17 : memref<128x64xf32, #tpu.memory_space<vmem>>)
      %dma_start3A_388 = arith.constant 10 : i32
      %dma_start3A_389 = arith.constant 0 : i32
      %dma_start3A_390 = tpu.memref_slice %arg10[%rem3A_48, %dma_start3A_388, %dma_start3A_389] : memref<2x12x128xi32, #tpu.memory_space<vmem>> -> memref<1x1x128xi32, #tpu.memory_space<vmem>>
      %dma_start3A_391 = tpu.memref_squeeze %dma_start3A_390 : memref<1x1x128xi32, #tpu.memory_space<vmem>> -> memref<128xi32, #tpu.memory_space<vmem>>
      %dma_start3A_392 = arith.constant 0 : i32
      %dma_start3A_393 = arith.constant 0 : i32
      %dma_start3A_394 = tpu.memref_slice %arg8[%dma_start3A_392, %dma_start3A_393] : memref<10000x64xf32, #tpu.memory_space<vmem_shared>> -> memref<10000x64xf32, #tpu.memory_space<vmem_shared>>
      tpu.enqueue_indirect_dma source(%arg17 : memref<128x64xf32, #tpu.memory_space<vmem>>) target(%dma_start3A_394 : memref<10000x64xf32, #tpu.memory_space<vmem_shared>>) offsets(%dma_start3A_391 : memref<128xi32, #tpu.memory_space<vmem>>) semaphore(%arg20 : memref<!tpu.dma_semaphore, #tpu.memory_space<semaphore_mem>>) {add = true}
      %dma_wait3A_395 = arith.constant 11 : i32
      %dma_wait3A_396 = arith.constant 0 : i32
      %dma_wait3A_397 = tpu.memref_slice %arg9[%rem3A_48, %dma_wait3A_395, %dma_wait3A_396] : memref<2x12x128xi32, #tpu.memory_space<vmem>> -> memref<1x1x128xi32, #tpu.memory_space<vmem>>
      %dma_wait3A_398 = tpu.memref_squeeze %dma_wait3A_397 : memref<1x1x128xi32, #tpu.memory_space<vmem>> -> memref<128xi32, #tpu.memory_space<vmem>>
      %dma_wait3A_399 = arith.constant 0 : i32
      %dma_wait3A_400 = arith.constant 0 : i32
      %dma_wait3A_401 = tpu.memref_slice %arg2[%dma_wait3A_399, %dma_wait3A_400] : memref<10000x64xf32, #tpu.memory_space<hbm>> -> memref<10000x64xf32, #tpu.memory_space<hbm>>
      tpu.wait_indirect_dma semaphore(%arg19 : memref<!tpu.dma_semaphore, #tpu.memory_space<semaphore_mem>>) src(%dma_wait3A_401 : memref<10000x64xf32, #tpu.memory_space<hbm>>) dst(%arg18 : memref<128x64xf32, #tpu.memory_space<vmem>>)
      %dma_start3A_402 = arith.constant 11 : i32
      %dma_start3A_403 = arith.constant 0 : i32
      %dma_start3A_404 = tpu.memref_slice %arg10[%rem3A_48, %dma_start3A_402, %dma_start3A_403] : memref<2x12x128xi32, #tpu.memory_space<vmem>> -> memref<1x1x128xi32, #tpu.memory_space<vmem>>
      %dma_start3A_405 = tpu.memref_squeeze %dma_start3A_404 : memref<1x1x128xi32, #tpu.memory_space<vmem>> -> memref<128xi32, #tpu.memory_space<vmem>>
      %dma_start3A_406 = arith.constant 0 : i32
      %dma_start3A_407 = arith.constant 0 : i32
      %dma_start3A_408 = tpu.memref_slice %arg8[%dma_start3A_406, %dma_start3A_407] : memref<10000x64xf32, #tpu.memory_space<vmem_shared>> -> memref<10000x64xf32, #tpu.memory_space<vmem_shared>>
      tpu.enqueue_indirect_dma source(%arg18 : memref<128x64xf32, #tpu.memory_space<vmem>>) target(%dma_start3A_408 : memref<10000x64xf32, #tpu.memory_space<vmem_shared>>) offsets(%dma_start3A_405 : memref<128xi32, #tpu.memory_space<vmem>>) semaphore(%arg20 : memref<!tpu.dma_semaphore, #tpu.memory_space<semaphore_mem>>) {add = true}
      %dma_wait3A_409 = arith.constant 6 : i32
      %dma_wait3A_410 = arith.constant 0 : i32
      %dma_wait3A_411 = tpu.memref_slice %arg10[%rem3A_48, %dma_wait3A_409, %dma_wait3A_410] : memref<2x12x128xi32, #tpu.memory_space<vmem>> -> memref<1x1x128xi32, #tpu.memory_space<vmem>>
      %dma_wait3A_412 = tpu.memref_squeeze %dma_wait3A_411 : memref<1x1x128xi32, #tpu.memory_space<vmem>> -> memref<128xi32, #tpu.memory_space<vmem>>
      %dma_wait3A_413 = arith.constant 0 : i32
      %dma_wait3A_414 = arith.constant 0 : i32
      %dma_wait3A_415 = tpu.memref_slice %arg8[%dma_wait3A_413, %dma_wait3A_414] : memref<10000x64xf32, #tpu.memory_space<vmem_shared>> -> memref<10000x64xf32, #tpu.memory_space<vmem_shared>>
      tpu.wait_indirect_dma semaphore(%arg20 : memref<!tpu.dma_semaphore, #tpu.memory_space<semaphore_mem>>) src(%arg13 : memref<128x64xf32, #tpu.memory_space<vmem>>) dst(%dma_wait3A_415 : memref<10000x64xf32, #tpu.memory_space<vmem_shared>>)
      %dma_wait3A_416 = arith.constant 7 : i32
      %dma_wait3A_417 = arith.constant 0 : i32
      %dma_wait3A_418 = tpu.memref_slice %arg10[%rem3A_48, %dma_wait3A_416, %dma_wait3A_417] : memref<2x12x128xi32, #tpu.memory_space<vmem>> -> memref<1x1x128xi32, #tpu.memory_space<vmem>>
      %dma_wait3A_419 = tpu.memref_squeeze %dma_wait3A_418 : memref<1x1x128xi32, #tpu.memory_space<vmem>> -> memref<128xi32, #tpu.memory_space<vmem>>
      %dma_wait3A_420 = arith.constant 0 : i32
      %dma_wait3A_421 = arith.constant 0 : i32
      %dma_wait3A_422 = tpu.memref_slice %arg8[%dma_wait3A_420, %dma_wait3A_421] : memref<10000x64xf32, #tpu.memory_space<vmem_shared>> -> memref<10000x64xf32, #tpu.memory_space<vmem_shared>>
      tpu.wait_indirect_dma semaphore(%arg20 : memref<!tpu.dma_semaphore, #tpu.memory_space<semaphore_mem>>) src(%arg14 : memref<128x64xf32, #tpu.memory_space<vmem>>) dst(%dma_wait3A_422 : memref<10000x64xf32, #tpu.memory_space<vmem_shared>>)
      %dma_wait3A_423 = arith.constant 8 : i32
      %dma_wait3A_424 = arith.constant 0 : i32
      %dma_wait3A_425 = tpu.memref_slice %arg10[%rem3A_48, %dma_wait3A_423, %dma_wait3A_424] : memref<2x12x128xi32, #tpu.memory_space<vmem>> -> memref<1x1x128xi32, #tpu.memory_space<vmem>>
      %dma_wait3A_426 = tpu.memref_squeeze %dma_wait3A_425 : memref<1x1x128xi32, #tpu.memory_space<vmem>> -> memref<128xi32, #tpu.memory_space<vmem>>
      %dma_wait3A_427 = arith.constant 0 : i32
      %dma_wait3A_428 = arith.constant 0 : i32
      %dma_wait3A_429 = tpu.memref_slice %arg8[%dma_wait3A_427, %dma_wait3A_428] : memref<10000x64xf32, #tpu.memory_space<vmem_shared>> -> memref<10000x64xf32, #tpu.memory_space<vmem_shared>>
      tpu.wait_indirect_dma semaphore(%arg20 : memref<!tpu.dma_semaphore, #tpu.memory_space<semaphore_mem>>) src(%arg15 : memref<128x64xf32, #tpu.memory_space<vmem>>) dst(%dma_wait3A_429 : memref<10000x64xf32, #tpu.memory_space<vmem_shared>>)
      %dma_wait3A_430 = arith.constant 9 : i32
      %dma_wait3A_431 = arith.constant 0 : i32
      %dma_wait3A_432 = tpu.memref_slice %arg10[%rem3A_48, %dma_wait3A_430, %dma_wait3A_431] : memref<2x12x128xi32, #tpu.memory_space<vmem>> -> memref<1x1x128xi32, #tpu.memory_space<vmem>>
      %dma_wait3A_433 = tpu.memref_squeeze %dma_wait3A_432 : memref<1x1x128xi32, #tpu.memory_space<vmem>> -> memref<128xi32, #tpu.memory_space<vmem>>
      %dma_wait3A_434 = arith.constant 0 : i32
      %dma_wait3A_435 = arith.constant 0 : i32
      %dma_wait3A_436 = tpu.memref_slice %arg8[%dma_wait3A_434, %dma_wait3A_435] : memref<10000x64xf32, #tpu.memory_space<vmem_shared>> -> memref<10000x64xf32, #tpu.memory_space<vmem_shared>>
      tpu.wait_indirect_dma semaphore(%arg20 : memref<!tpu.dma_semaphore, #tpu.memory_space<semaphore_mem>>) src(%arg16 : memref<128x64xf32, #tpu.memory_space<vmem>>) dst(%dma_wait3A_436 : memref<10000x64xf32, #tpu.memory_space<vmem_shared>>)
      %dma_wait3A_437 = arith.constant 10 : i32
      %dma_wait3A_438 = arith.constant 0 : i32
      %dma_wait3A_439 = tpu.memref_slice %arg10[%rem3A_48, %dma_wait3A_437, %dma_wait3A_438] : memref<2x12x128xi32, #tpu.memory_space<vmem>> -> memref<1x1x128xi32, #tpu.memory_space<vmem>>
      %dma_wait3A_440 = tpu.memref_squeeze %dma_wait3A_439 : memref<1x1x128xi32, #tpu.memory_space<vmem>> -> memref<128xi32, #tpu.memory_space<vmem>>
      %dma_wait3A_441 = arith.constant 0 : i32
      %dma_wait3A_442 = arith.constant 0 : i32
      %dma_wait3A_443 = tpu.memref_slice %arg8[%dma_wait3A_441, %dma_wait3A_442] : memref<10000x64xf32, #tpu.memory_space<vmem_shared>> -> memref<10000x64xf32, #tpu.memory_space<vmem_shared>>
      tpu.wait_indirect_dma semaphore(%arg20 : memref<!tpu.dma_semaphore, #tpu.memory_space<semaphore_mem>>) src(%arg17 : memref<128x64xf32, #tpu.memory_space<vmem>>) dst(%dma_wait3A_443 : memref<10000x64xf32, #tpu.memory_space<vmem_shared>>)
      %dma_wait3A_444 = arith.constant 11 : i32
      %dma_wait3A_445 = arith.constant 0 : i32
      %dma_wait3A_446 = tpu.memref_slice %arg10[%rem3A_48, %dma_wait3A_444, %dma_wait3A_445] : memref<2x12x128xi32, #tpu.memory_space<vmem>> -> memref<1x1x128xi32, #tpu.memory_space<vmem>>
      %dma_wait3A_447 = tpu.memref_squeeze %dma_wait3A_446 : memref<1x1x128xi32, #tpu.memory_space<vmem>> -> memref<128xi32, #tpu.memory_space<vmem>>
      %dma_wait3A_448 = arith.constant 0 : i32
      %dma_wait3A_449 = arith.constant 0 : i32
      %dma_wait3A_450 = tpu.memref_slice %arg8[%dma_wait3A_448, %dma_wait3A_449] : memref<10000x64xf32, #tpu.memory_space<vmem_shared>> -> memref<10000x64xf32, #tpu.memory_space<vmem_shared>>
      tpu.wait_indirect_dma semaphore(%arg20 : memref<!tpu.dma_semaphore, #tpu.memory_space<semaphore_mem>>) src(%arg18 : memref<128x64xf32, #tpu.memory_space<vmem>>) dst(%dma_wait3A_450 : memref<10000x64xf32, #tpu.memory_space<vmem_shared>>)
    }
    %scan3A_34 = arith.constant 13 : i32
    %lt3A = arith.constant 4 : i32
    %lt3A_35 = arith.cmpi slt, %arg1, %lt3A : i32
    %convert_element_type3A_36 = arith.extui %lt3A_35 : i1 to i32
    %cond3A_37 = arith.constant 0 : i32
    %cond3A_38 = arith.cmpi ne, %convert_element_type3A_36, %cond3A_37 : i32
    scf.if %cond3A_38 {
      %add3A = arith.constant 2496 : i32
      %add3A_45 = arith.addi %add3A, %arg1 : i32
      "tpu.region"() ({
        %run_scoped3A_62 = tpu.sem_alloc : memref<!tpu.dma_semaphore, #tpu.memory_space<semaphore_mem>>
        %dma_start3A_63 = arith.constant 0 : i32
        %dma_start3A_64 = tpu.memref_slice %arg4[%add3A_45, %dma_start3A_63] : memref<2500x128xi32, #tpu.memory_space<hbm>> -> memref<1x128xi32, #tpu.memory_space<hbm>>
        %dma_start3A_65 = arith.constant 0 : i32
        %dma_start3A_66 = tpu.memref_slice %arg4[%add3A_45, %dma_start3A_65] : memref<2500x128xi32, #tpu.memory_space<hbm>> -> memref<1x128xi32, #tpu.memory_space<hbm>>
        tpu.enqueue_dma source(%dma_start3A_66 : memref<1x128xi32, #tpu.memory_space<hbm>>) target(%arg11 : memref<1x128xi32, #tpu.memory_space<vmem>>) target_semaphore(%run_scoped3A_62 : memref<!tpu.dma_semaphore, #tpu.memory_space<semaphore_mem>>)
        %dma_wait3A_67 = arith.constant 0 : i32
        %dma_wait3A_68 = tpu.memref_slice %arg4[%add3A_45, %dma_wait3A_67] : memref<2500x128xi32, #tpu.memory_space<hbm>> -> memref<1x128xi32, #tpu.memory_space<hbm>>
        %dma_wait3A_69 = arith.constant 0 : i32
        %dma_wait3A_70 = tpu.memref_slice %arg4[%add3A_45, %dma_wait3A_69] : memref<2500x128xi32, #tpu.memory_space<hbm>> -> memref<1x128xi32, #tpu.memory_space<hbm>>
        tpu.wait_dma2 semaphore(%run_scoped3A_62 : memref<!tpu.dma_semaphore, #tpu.memory_space<semaphore_mem>>) src(%dma_wait3A_70 : memref<1x128xi32, #tpu.memory_space<hbm>>) dst(%arg11 : memref<1x128xi32, #tpu.memory_space<vmem>>)
        tpu.yield
      }) : () -> ()
      "tpu.region"() ({
        %run_scoped3A_62 = tpu.sem_alloc : memref<!tpu.dma_semaphore, #tpu.memory_space<semaphore_mem>>
        %dma_start3A_63 = arith.constant 0 : i32
        %dma_start3A_64 = tpu.memref_slice %arg5[%add3A_45, %dma_start3A_63] : memref<2500x128xi32, #tpu.memory_space<hbm>> -> memref<1x128xi32, #tpu.memory_space<hbm>>
        %dma_start3A_65 = arith.constant 0 : i32
        %dma_start3A_66 = tpu.memref_slice %arg5[%add3A_45, %dma_start3A_65] : memref<2500x128xi32, #tpu.memory_space<hbm>> -> memref<1x128xi32, #tpu.memory_space<hbm>>
        tpu.enqueue_dma source(%dma_start3A_66 : memref<1x128xi32, #tpu.memory_space<hbm>>) target(%arg12 : memref<1x128xi32, #tpu.memory_space<vmem>>) target_semaphore(%run_scoped3A_62 : memref<!tpu.dma_semaphore, #tpu.memory_space<semaphore_mem>>)
        %dma_wait3A_67 = arith.constant 0 : i32
        %dma_wait3A_68 = tpu.memref_slice %arg5[%add3A_45, %dma_wait3A_67] : memref<2500x128xi32, #tpu.memory_space<hbm>> -> memref<1x128xi32, #tpu.memory_space<hbm>>
        %dma_wait3A_69 = arith.constant 0 : i32
        %dma_wait3A_70 = tpu.memref_slice %arg5[%add3A_45, %dma_wait3A_69] : memref<2500x128xi32, #tpu.memory_space<hbm>> -> memref<1x128xi32, #tpu.memory_space<hbm>>
        tpu.wait_dma2 semaphore(%run_scoped3A_62 : memref<!tpu.dma_semaphore, #tpu.memory_space<semaphore_mem>>) src(%dma_wait3A_70 : memref<1x128xi32, #tpu.memory_space<hbm>>) dst(%arg12 : memref<1x128xi32, #tpu.memory_space<vmem>>)
        tpu.yield
      }) : () -> ()
      %eq3A_46 = arith.constant 0 : i32
      %eq3A_47 = arith.cmpi eq, %arg0, %eq3A_46 : i32
      %convert_element_type3A_48 = arith.extui %eq3A_47 : i1 to i32
      %cond3A_49 = arith.constant 0 : i32
      %cond3A_50 = arith.cmpi ne, %convert_element_type3A_48, %cond3A_49 : i32
      scf.if %cond3A_50 {
        %dma_start3A_62 = arith.constant 0 : i32
        %dma_start3A_63 = arith.constant 0 : i32
        %dma_start3A_64 = tpu.memref_slice %arg11[%dma_start3A_62, %dma_start3A_63] : memref<1x128xi32, #tpu.memory_space<vmem>> -> memref<1x128xi32, #tpu.memory_space<vmem>>
        %dma_start3A_65 = tpu.memref_squeeze %dma_start3A_64 : memref<1x128xi32, #tpu.memory_space<vmem>> -> memref<128xi32, #tpu.memory_space<vmem>>
        %dma_start3A_66 = arith.constant 0 : i32
        %dma_start3A_67 = arith.constant 0 : i32
        %dma_start3A_68 = tpu.memref_slice %arg2[%dma_start3A_66, %dma_start3A_67] : memref<10000x64xf32, #tpu.memory_space<hbm>> -> memref<10000x64xf32, #tpu.memory_space<hbm>>
        tpu.enqueue_indirect_dma source(%dma_start3A_68 : memref<10000x64xf32, #tpu.memory_space<hbm>>) target(%arg13 : memref<128x64xf32, #tpu.memory_space<vmem>>) offsets(%dma_start3A_65 : memref<128xi32, #tpu.memory_space<vmem>>) semaphore(%arg19 : memref<!tpu.dma_semaphore, #tpu.memory_space<semaphore_mem>>)
      } else {
      }
      %eq3A_51 = arith.constant 1 : i32
      %eq3A_52 = arith.cmpi eq, %arg0, %eq3A_51 : i32
      %convert_element_type3A_53 = arith.extui %eq3A_52 : i1 to i32
      %cond3A_54 = arith.constant 0 : i32
      %cond3A_55 = arith.cmpi ne, %convert_element_type3A_53, %cond3A_54 : i32
      scf.if %cond3A_55 {
        %dma_start3A_62 = arith.constant 0 : i32
        %dma_start3A_63 = arith.constant 0 : i32
        %dma_start3A_64 = tpu.memref_slice %arg11[%dma_start3A_62, %dma_start3A_63] : memref<1x128xi32, #tpu.memory_space<vmem>> -> memref<1x128xi32, #tpu.memory_space<vmem>>
        %dma_start3A_65 = tpu.memref_squeeze %dma_start3A_64 : memref<1x128xi32, #tpu.memory_space<vmem>> -> memref<128xi32, #tpu.memory_space<vmem>>
        %dma_start3A_66 = arith.constant 0 : i32
        %dma_start3A_67 = arith.constant 0 : i32
        %dma_start3A_68 = tpu.memref_slice %arg3[%dma_start3A_66, %dma_start3A_67] : memref<10000x64xf32, #tpu.memory_space<hbm>> -> memref<10000x64xf32, #tpu.memory_space<hbm>>
        tpu.enqueue_indirect_dma source(%dma_start3A_68 : memref<10000x64xf32, #tpu.memory_space<hbm>>) target(%arg13 : memref<128x64xf32, #tpu.memory_space<vmem>>) offsets(%dma_start3A_65 : memref<128xi32, #tpu.memory_space<vmem>>) semaphore(%arg19 : memref<!tpu.dma_semaphore, #tpu.memory_space<semaphore_mem>>)
      } else {
      }
      %dma_wait3A = arith.constant 0 : i32
      %dma_wait3A_56 = arith.constant 0 : i32
      %dma_wait3A_57 = tpu.memref_slice %arg11[%dma_wait3A, %dma_wait3A_56] : memref<1x128xi32, #tpu.memory_space<vmem>> -> memref<1x128xi32, #tpu.memory_space<vmem>>
      %dma_wait3A_58 = tpu.memref_squeeze %dma_wait3A_57 : memref<1x128xi32, #tpu.memory_space<vmem>> -> memref<128xi32, #tpu.memory_space<vmem>>
      %dma_wait3A_59 = arith.constant 0 : i32
      %dma_wait3A_60 = arith.constant 0 : i32
      %dma_wait3A_61 = tpu.memref_slice %arg2[%dma_wait3A_59, %dma_wait3A_60] : memref<10000x64xf32, #tpu.memory_space<hbm>> -> memref<10000x64xf32, #tpu.memory_space<hbm>>
      tpu.wait_indirect_dma semaphore(%arg19 : memref<!tpu.dma_semaphore, #tpu.memory_space<semaphore_mem>>) src(%dma_wait3A_61 : memref<10000x64xf32, #tpu.memory_space<hbm>>) dst(%arg13 : memref<128x64xf32, #tpu.memory_space<vmem>>)
      %run_scoped3A = arith.constant 0 : i32
      "tpu.region"() ({
        %run_scoped3A_62 = tpu.sem_alloc : memref<!tpu.dma_semaphore, #tpu.memory_space<semaphore_mem>>
        %dma_start3A_63 = arith.constant 0 : i32
        %dma_start3A_64 = tpu.memref_slice %arg12[%run_scoped3A, %dma_start3A_63] : memref<1x128xi32, #tpu.memory_space<vmem>> -> memref<1x128xi32, #tpu.memory_space<vmem>>
        %dma_start3A_65 = tpu.memref_squeeze %dma_start3A_64 : memref<1x128xi32, #tpu.memory_space<vmem>> -> memref<128xi32, #tpu.memory_space<vmem>>
        %dma_start3A_66 = arith.constant 0 : i32
        %dma_start3A_67 = arith.constant 0 : i32
        %dma_start3A_68 = tpu.memref_slice %arg8[%dma_start3A_66, %dma_start3A_67] : memref<10000x64xf32, #tpu.memory_space<vmem_shared>> -> memref<10000x64xf32, #tpu.memory_space<vmem_shared>>
        tpu.enqueue_indirect_dma source(%arg13 : memref<128x64xf32, #tpu.memory_space<vmem>>) target(%dma_start3A_68 : memref<10000x64xf32, #tpu.memory_space<vmem_shared>>) offsets(%dma_start3A_65 : memref<128xi32, #tpu.memory_space<vmem>>) semaphore(%run_scoped3A_62 : memref<!tpu.dma_semaphore, #tpu.memory_space<semaphore_mem>>) {add = true}
        %dma_wait3A_69 = arith.constant 0 : i32
        %dma_wait3A_70 = tpu.memref_slice %arg12[%run_scoped3A, %dma_wait3A_69] : memref<1x128xi32, #tpu.memory_space<vmem>> -> memref<1x128xi32, #tpu.memory_space<vmem>>
        %dma_wait3A_71 = tpu.memref_squeeze %dma_wait3A_70 : memref<1x128xi32, #tpu.memory_space<vmem>> -> memref<128xi32, #tpu.memory_space<vmem>>
        %dma_wait3A_72 = arith.constant 0 : i32
        %dma_wait3A_73 = arith.constant 0 : i32
        %dma_wait3A_74 = tpu.memref_slice %arg8[%dma_wait3A_72, %dma_wait3A_73] : memref<10000x64xf32, #tpu.memory_space<vmem_shared>> -> memref<10000x64xf32, #tpu.memory_space<vmem_shared>>
        tpu.wait_indirect_dma semaphore(%run_scoped3A_62 : memref<!tpu.dma_semaphore, #tpu.memory_space<semaphore_mem>>) src(%arg13 : memref<128x64xf32, #tpu.memory_space<vmem>>) dst(%dma_wait3A_74 : memref<10000x64xf32, #tpu.memory_space<vmem_shared>>)
        tpu.yield
      }) : () -> ()
    } else {
    }
    %barrier3A_39 = arith.constant 0 : index
    tpu.barrier barrier_id(%barrier3A_39)
    "tpu.region"() ({
      %run_scoped3A = tpu.sem_alloc : memref<!tpu.dma_semaphore, #tpu.memory_space<semaphore_mem>>
      %dma_start3A_45 = arith.constant 0 : i32
      %dma_start3A_46 = tpu.memref_slice %arg7[%arg0, %mul3A_0, %dma_start3A_45] : memref<2x10000x64xf32, #tpu.memory_space<hbm>> -> memref<1x624x64xf32, #tpu.memory_space<hbm>>
      %dma_start3A_47 = tpu.memref_squeeze %dma_start3A_46 : memref<1x624x64xf32, #tpu.memory_space<hbm>> -> memref<624x64xf32, #tpu.memory_space<hbm>>
      %dma_start3A_48 = arith.constant 0 : i32
      %dma_start3A_49 = tpu.memref_slice %arg8[%mul3A_0, %dma_start3A_48] : memref<10000x64xf32, #tpu.memory_space<vmem_shared>> -> memref<624x64xf32, #tpu.memory_space<vmem_shared>>
      tpu.enqueue_dma source(%dma_start3A_49 : memref<624x64xf32, #tpu.memory_space<vmem_shared>>) target(%dma_start3A_47 : memref<624x64xf32, #tpu.memory_space<hbm>>) target_semaphore(%run_scoped3A : memref<!tpu.dma_semaphore, #tpu.memory_space<semaphore_mem>>)
      %dma_wait3A = arith.constant 0 : i32
      %dma_wait3A_50 = tpu.memref_slice %arg7[%arg0, %mul3A_0, %dma_wait3A] : memref<2x10000x64xf32, #tpu.memory_space<hbm>> -> memref<1x624x64xf32, #tpu.memory_space<hbm>>
      %dma_wait3A_51 = tpu.memref_squeeze %dma_wait3A_50 : memref<1x624x64xf32, #tpu.memory_space<hbm>> -> memref<624x64xf32, #tpu.memory_space<hbm>>
      %dma_wait3A_52 = arith.constant 0 : i32
      %dma_wait3A_53 = tpu.memref_slice %arg8[%mul3A_0, %dma_wait3A_52] : memref<10000x64xf32, #tpu.memory_space<vmem_shared>> -> memref<624x64xf32, #tpu.memory_space<vmem_shared>>
      tpu.wait_dma2 semaphore(%run_scoped3A : memref<!tpu.dma_semaphore, #tpu.memory_space<semaphore_mem>>) src(%dma_wait3A_53 : memref<624x64xf32, #tpu.memory_space<vmem_shared>>) dst(%dma_wait3A_51 : memref<624x64xf32, #tpu.memory_space<hbm>>)
      tpu.yield
    }) : () -> ()
    %eq3A_40 = arith.constant 0 : i32
    %eq3A_41 = arith.cmpi eq, %arg1, %eq3A_40 : i32
    %convert_element_type3A_42 = arith.extui %eq3A_41 : i1 to i32
    %cond3A_43 = arith.constant 0 : i32
    %cond3A_44 = arith.cmpi ne, %convert_element_type3A_42, %cond3A_43 : i32
    scf.if %cond3A_44 {
      "tpu.region"() ({
        %run_scoped3A = tpu.sem_alloc : memref<!tpu.dma_semaphore, #tpu.memory_space<semaphore_mem>>
        %dma_start3A_45 = arith.constant 9984 : i32
        %dma_start3A_46 = arith.constant 0 : i32
        %dma_start3A_47 = tpu.memref_slice %arg7[%arg0, %dma_start3A_45, %dma_start3A_46] : memref<2x10000x64xf32, #tpu.memory_space<hbm>> -> memref<1x16x64xf32, #tpu.memory_space<hbm>>
        %dma_start3A_48 = tpu.memref_squeeze %dma_start3A_47 : memref<1x16x64xf32, #tpu.memory_space<hbm>> -> memref<16x64xf32, #tpu.memory_space<hbm>>
        %dma_start3A_49 = arith.constant 9984 : i32
        %dma_start3A_50 = arith.constant 0 : i32
        %dma_start3A_51 = tpu.memref_slice %arg8[%dma_start3A_49, %dma_start3A_50] : memref<10000x64xf32, #tpu.memory_space<vmem_shared>> -> memref<16x64xf32, #tpu.memory_space<vmem_shared>>
        tpu.enqueue_dma source(%dma_start3A_51 : memref<16x64xf32, #tpu.memory_space<vmem_shared>>) target(%dma_start3A_48 : memref<16x64xf32, #tpu.memory_space<hbm>>) target_semaphore(%run_scoped3A : memref<!tpu.dma_semaphore, #tpu.memory_space<semaphore_mem>>)
        %dma_wait3A = arith.constant 9984 : i32
        %dma_wait3A_52 = arith.constant 0 : i32
        %dma_wait3A_53 = tpu.memref_slice %arg7[%arg0, %dma_wait3A, %dma_wait3A_52] : memref<2x10000x64xf32, #tpu.memory_space<hbm>> -> memref<1x16x64xf32, #tpu.memory_space<hbm>>
        %dma_wait3A_54 = tpu.memref_squeeze %dma_wait3A_53 : memref<1x16x64xf32, #tpu.memory_space<hbm>> -> memref<16x64xf32, #tpu.memory_space<hbm>>
        %dma_wait3A_55 = arith.constant 9984 : i32
        %dma_wait3A_56 = arith.constant 0 : i32
        %dma_wait3A_57 = tpu.memref_slice %arg8[%dma_wait3A_55, %dma_wait3A_56] : memref<10000x64xf32, #tpu.memory_space<vmem_shared>> -> memref<16x64xf32, #tpu.memory_space<vmem_shared>>
        tpu.wait_dma2 semaphore(%run_scoped3A : memref<!tpu.dma_semaphore, #tpu.memory_space<semaphore_mem>>) src(%dma_wait3A_57 : memref<16x64xf32, #tpu.memory_space<vmem_shared>>) dst(%dma_wait3A_54 : memref<16x64xf32, #tpu.memory_space<hbm>>)
        tpu.yield
      }) : () -> ()
    } else {
    }
    return
  }
}

#map = affine_map<(d0, d1) -> (0, 0)>
#map1 = affine_map<(d0, d1) -> (0, 0, 0)>
module attributes {stable_mosaic.version = 14 : i64} {
  func.func @k(%arg0: i32, %arg1: i32, %arg2: memref<320000x16xf32, #tpu.memory_space<hbm>>, %arg3: memref<2500x128xi32, #tpu.memory_space<hbm>>, %arg4: memref<624x16xf32, #tpu.memory_space<hbm>>, %arg5: memref<128x16xf32, #tpu.memory_space<hbm>>, %arg6: memref<2x10000x16xf32, #tpu.memory_space<hbm>>, %arg7: memref<2x10000x16xf32, #tpu.memory_space<hbm>>, %arg8: memref<10000x16xf32, #tpu.memory_space<vmem_shared>>, %arg9: memref<10000x16xf32, #tpu.memory_space<vmem_shared>>, %arg10: memref<2x12x128xi32, #tpu.memory_space<vmem>>, %arg11: memref<1x128xi32, #tpu.memory_space<vmem>>, %arg12: memref<2x6x128x16xf32, #tpu.memory_space<vmem>>, %arg13: memref<128x16xf32, #tpu.memory_space<vmem>>, %arg14: memref<!tpu.dma_semaphore, #tpu.memory_space<semaphore_mem>>, %arg15: memref<!tpu.dma_semaphore, #tpu.memory_space<semaphore_mem>>, %arg16: memref<!tpu.dma_semaphore, #tpu.memory_space<semaphore_mem>>, %arg17: memref<!tpu.dma_semaphore, #tpu.memory_space<semaphore_mem>>) attributes {dimension_semantics = [#tpu.dimension_semantics<core_parallel>, #tpu.dimension_semantics<subcore_parallel>], iteration_bounds = array<i64: 2, 16>, scalar_prefetch = 0 : i64, scratch_operands = 10 : i64, tpu.core_type = #tpu.core_type<sc_vector_subcore>, window_params = [{transform_indices = #map}, {transform_indices = #map}, {transform_indices = #map}, {transform_indices = #map}, {transform_indices = #map1}, {transform_indices = #map1}]} {
    %mul3A = arith.constant 624 : i32
    %mul3A_0 = arith.muli %arg1, %mul3A : i32
    "tpu.region"() ({
      %run_scoped3A = tpu.sem_alloc : memref<!tpu.dma_semaphore, #tpu.memory_space<semaphore_mem>>
      %dma_start3A_147 = arith.constant 0 : i32
      %dma_start3A_148 = tpu.memref_slice %arg8[%mul3A_0, %dma_start3A_147] : memref<10000x16xf32, #tpu.memory_space<vmem_shared>> -> memref<624x16xf32, #tpu.memory_space<vmem_shared>>
      tpu.enqueue_dma source(%arg4 : memref<624x16xf32, #tpu.memory_space<hbm>>) target(%dma_start3A_148 : memref<624x16xf32, #tpu.memory_space<vmem_shared>>) target_semaphore(%run_scoped3A : memref<!tpu.dma_semaphore, #tpu.memory_space<semaphore_mem>>)
      %dma_wait3A = arith.constant 0 : i32
      %dma_wait3A_149 = tpu.memref_slice %arg8[%mul3A_0, %dma_wait3A] : memref<10000x16xf32, #tpu.memory_space<vmem_shared>> -> memref<624x16xf32, #tpu.memory_space<vmem_shared>>
      tpu.wait_dma2 semaphore(%run_scoped3A : memref<!tpu.dma_semaphore, #tpu.memory_space<semaphore_mem>>) src(%arg4 : memref<624x16xf32, #tpu.memory_space<hbm>>) dst(%dma_wait3A_149 : memref<624x16xf32, #tpu.memory_space<vmem_shared>>)
      tpu.yield
    }) : () -> ()
    "tpu.region"() ({
      %run_scoped3A = tpu.sem_alloc : memref<!tpu.dma_semaphore, #tpu.memory_space<semaphore_mem>>
      %dma_start3A_147 = arith.constant 0 : i32
      %dma_start3A_148 = tpu.memref_slice %arg9[%mul3A_0, %dma_start3A_147] : memref<10000x16xf32, #tpu.memory_space<vmem_shared>> -> memref<624x16xf32, #tpu.memory_space<vmem_shared>>
      tpu.enqueue_dma source(%arg4 : memref<624x16xf32, #tpu.memory_space<hbm>>) target(%dma_start3A_148 : memref<624x16xf32, #tpu.memory_space<vmem_shared>>) target_semaphore(%run_scoped3A : memref<!tpu.dma_semaphore, #tpu.memory_space<semaphore_mem>>)
      %dma_wait3A = arith.constant 0 : i32
      %dma_wait3A_149 = tpu.memref_slice %arg9[%mul3A_0, %dma_wait3A] : memref<10000x16xf32, #tpu.memory_space<vmem_shared>> -> memref<624x16xf32, #tpu.memory_space<vmem_shared>>
      tpu.wait_dma2 semaphore(%run_scoped3A : memref<!tpu.dma_semaphore, #tpu.memory_space<semaphore_mem>>) src(%arg4 : memref<624x16xf32, #tpu.memory_space<hbm>>) dst(%dma_wait3A_149 : memref<624x16xf32, #tpu.memory_space<vmem_shared>>)
      tpu.yield
    }) : () -> ()
    %eq3A = arith.constant 0 : i32
    %eq3A_1 = arith.cmpi eq, %arg1, %eq3A : i32
    %convert_element_type3A = arith.extui %eq3A_1 : i1 to i32
    %cond3A = arith.constant 0 : i32
    %cond3A_2 = arith.cmpi ne, %convert_element_type3A, %cond3A : i32
    scf.if %cond3A_2 {
      "tpu.region"() ({
        %run_scoped3A = tpu.sem_alloc : memref<!tpu.dma_semaphore, #tpu.memory_space<semaphore_mem>>
        %dma_start3A_147 = arith.constant 9984 : i32
        %dma_start3A_148 = arith.constant 0 : i32
        %dma_start3A_149 = tpu.memref_slice %arg8[%dma_start3A_147, %dma_start3A_148] : memref<10000x16xf32, #tpu.memory_space<vmem_shared>> -> memref<16x16xf32, #tpu.memory_space<vmem_shared>>
        %dma_start3A_150 = arith.constant 0 : i32
        %dma_start3A_151 = arith.constant 0 : i32
        %dma_start3A_152 = tpu.memref_slice %arg4[%dma_start3A_150, %dma_start3A_151] : memref<624x16xf32, #tpu.memory_space<hbm>> -> memref<16x16xf32, #tpu.memory_space<hbm>>
        tpu.enqueue_dma source(%dma_start3A_152 : memref<16x16xf32, #tpu.memory_space<hbm>>) target(%dma_start3A_149 : memref<16x16xf32, #tpu.memory_space<vmem_shared>>) target_semaphore(%run_scoped3A : memref<!tpu.dma_semaphore, #tpu.memory_space<semaphore_mem>>)
        %dma_wait3A = arith.constant 9984 : i32
        %dma_wait3A_153 = arith.constant 0 : i32
        %dma_wait3A_154 = tpu.memref_slice %arg8[%dma_wait3A, %dma_wait3A_153] : memref<10000x16xf32, #tpu.memory_space<vmem_shared>> -> memref<16x16xf32, #tpu.memory_space<vmem_shared>>
        %dma_wait3A_155 = arith.constant 0 : i32
        %dma_wait3A_156 = arith.constant 0 : i32
        %dma_wait3A_157 = tpu.memref_slice %arg4[%dma_wait3A_155, %dma_wait3A_156] : memref<624x16xf32, #tpu.memory_space<hbm>> -> memref<16x16xf32, #tpu.memory_space<hbm>>
        tpu.wait_dma2 semaphore(%run_scoped3A : memref<!tpu.dma_semaphore, #tpu.memory_space<semaphore_mem>>) src(%dma_wait3A_157 : memref<16x16xf32, #tpu.memory_space<hbm>>) dst(%dma_wait3A_154 : memref<16x16xf32, #tpu.memory_space<vmem_shared>>)
        tpu.yield
      }) : () -> ()
      "tpu.region"() ({
        %run_scoped3A = tpu.sem_alloc : memref<!tpu.dma_semaphore, #tpu.memory_space<semaphore_mem>>
        %dma_start3A_147 = arith.constant 9984 : i32
        %dma_start3A_148 = arith.constant 0 : i32
        %dma_start3A_149 = tpu.memref_slice %arg9[%dma_start3A_147, %dma_start3A_148] : memref<10000x16xf32, #tpu.memory_space<vmem_shared>> -> memref<16x16xf32, #tpu.memory_space<vmem_shared>>
        %dma_start3A_150 = arith.constant 0 : i32
        %dma_start3A_151 = arith.constant 0 : i32
        %dma_start3A_152 = tpu.memref_slice %arg4[%dma_start3A_150, %dma_start3A_151] : memref<624x16xf32, #tpu.memory_space<hbm>> -> memref<16x16xf32, #tpu.memory_space<hbm>>
        tpu.enqueue_dma source(%dma_start3A_152 : memref<16x16xf32, #tpu.memory_space<hbm>>) target(%dma_start3A_149 : memref<16x16xf32, #tpu.memory_space<vmem_shared>>) target_semaphore(%run_scoped3A : memref<!tpu.dma_semaphore, #tpu.memory_space<semaphore_mem>>)
        %dma_wait3A = arith.constant 9984 : i32
        %dma_wait3A_153 = arith.constant 0 : i32
        %dma_wait3A_154 = tpu.memref_slice %arg9[%dma_wait3A, %dma_wait3A_153] : memref<10000x16xf32, #tpu.memory_space<vmem_shared>> -> memref<16x16xf32, #tpu.memory_space<vmem_shared>>
        %dma_wait3A_155 = arith.constant 0 : i32
        %dma_wait3A_156 = arith.constant 0 : i32
        %dma_wait3A_157 = tpu.memref_slice %arg4[%dma_wait3A_155, %dma_wait3A_156] : memref<624x16xf32, #tpu.memory_space<hbm>> -> memref<16x16xf32, #tpu.memory_space<hbm>>
        tpu.wait_dma2 semaphore(%run_scoped3A : memref<!tpu.dma_semaphore, #tpu.memory_space<semaphore_mem>>) src(%dma_wait3A_157 : memref<16x16xf32, #tpu.memory_space<hbm>>) dst(%dma_wait3A_154 : memref<16x16xf32, #tpu.memory_space<vmem_shared>>)
        tpu.yield
      }) : () -> ()
    } else {
    }
    "tpu.region"() ({
      %run_scoped3A = tpu.sem_alloc : memref<!tpu.dma_semaphore, #tpu.memory_space<semaphore_mem>>
      tpu.enqueue_dma source(%arg5 : memref<128x16xf32, #tpu.memory_space<hbm>>) target(%arg13 : memref<128x16xf32, #tpu.memory_space<vmem>>) target_semaphore(%run_scoped3A : memref<!tpu.dma_semaphore, #tpu.memory_space<semaphore_mem>>)
      tpu.wait_dma2 semaphore(%run_scoped3A : memref<!tpu.dma_semaphore, #tpu.memory_space<semaphore_mem>>) src(%arg5 : memref<128x16xf32, #tpu.memory_space<hbm>>) dst(%arg13 : memref<128x16xf32, #tpu.memory_space<vmem>>)
      tpu.yield
    }) : () -> ()
    %barrier3A = arith.constant 0 : index
    tpu.barrier barrier_id(%barrier3A)
    %mul3A_3 = arith.constant 156 : i32
    %mul3A_4 = arith.muli %arg1, %mul3A_3 : i32
    %dma_start3A = arith.constant 0 : i32
    %dma_start3A_5 = arith.constant 0 : i32
    %dma_start3A_6 = arith.constant 0 : i32
    %dma_start3A_7 = tpu.memref_slice %arg10[%dma_start3A, %dma_start3A_5, %dma_start3A_6] : memref<2x12x128xi32, #tpu.memory_space<vmem>> -> memref<1x12x128xi32, #tpu.memory_space<vmem>>
    %dma_start3A_8 = tpu.memref_squeeze %dma_start3A_7 : memref<1x12x128xi32, #tpu.memory_space<vmem>> -> memref<12x128xi32, #tpu.memory_space<vmem>>
    %dma_start3A_9 = arith.constant 0 : i32
    %dma_start3A_10 = tpu.memref_slice %arg3[%mul3A_4, %dma_start3A_9] : memref<2500x128xi32, #tpu.memory_space<hbm>> -> memref<12x128xi32, #tpu.memory_space<hbm>>
    %dma_start3A_11 = arith.constant 0 : i32
    %dma_start3A_12 = arith.constant 0 : i32
    %dma_start3A_13 = tpu.memref_slice %arg10[%dma_start3A, %dma_start3A_11, %dma_start3A_12] : memref<2x12x128xi32, #tpu.memory_space<vmem>> -> memref<1x12x128xi32, #tpu.memory_space<vmem>>
    %dma_start3A_14 = tpu.memref_squeeze %dma_start3A_13 : memref<1x12x128xi32, #tpu.memory_space<vmem>> -> memref<12x128xi32, #tpu.memory_space<vmem>>
    %dma_start3A_15 = arith.constant 0 : i32
    %dma_start3A_16 = tpu.memref_slice %arg3[%mul3A_4, %dma_start3A_15] : memref<2500x128xi32, #tpu.memory_space<hbm>> -> memref<12x128xi32, #tpu.memory_space<hbm>>
    tpu.enqueue_dma source(%dma_start3A_16 : memref<12x128xi32, #tpu.memory_space<hbm>>) target(%dma_start3A_14 : memref<12x128xi32, #tpu.memory_space<vmem>>) target_semaphore(%arg17 : memref<!tpu.dma_semaphore, #tpu.memory_space<semaphore_mem>>)
    %add3A = arith.constant 0 : i32
    %add3A_17 = arith.addi %mul3A_4, %add3A : i32
    %add3A_18 = arith.addi %add3A_17, %arg0 : i32
    %mul3A_19 = arith.constant 128 : i32
    %mul3A_20 = arith.muli %add3A_18, %mul3A_19 : i32
    %dma_start3A_21 = arith.constant 0 : i32
    %dma_start3A_22 = arith.constant 0 : i32
    %dma_start3A_23 = arith.constant 0 : i32
    %dma_start3A_24 = arith.constant 0 : i32
    %dma_start3A_25 = tpu.memref_slice %arg12[%dma_start3A_21, %dma_start3A_22, %dma_start3A_23, %dma_start3A_24] : memref<2x6x128x16xf32, #tpu.memory_space<vmem>> -> memref<1x1x128x16xf32, #tpu.memory_space<vmem>>
    %dma_start3A_26 = tpu.memref_squeeze %dma_start3A_25 : memref<1x1x128x16xf32, #tpu.memory_space<vmem>> -> memref<128x16xf32, #tpu.memory_space<vmem>>
    %dma_start3A_27 = arith.constant 0 : i32
    %dma_start3A_28 = tpu.memref_slice %arg2[%mul3A_20, %dma_start3A_27] : memref<320000x16xf32, #tpu.memory_space<hbm>> -> memref<128x16xf32, #tpu.memory_space<hbm>>
    %dma_start3A_29 = arith.constant 0 : i32
    %dma_start3A_30 = arith.constant 0 : i32
    %dma_start3A_31 = tpu.memref_slice %arg12[%dma_start3A_21, %dma_start3A_22, %dma_start3A_29, %dma_start3A_30] : memref<2x6x128x16xf32, #tpu.memory_space<vmem>> -> memref<1x1x128x16xf32, #tpu.memory_space<vmem>>
    %dma_start3A_32 = tpu.memref_squeeze %dma_start3A_31 : memref<1x1x128x16xf32, #tpu.memory_space<vmem>> -> memref<128x16xf32, #tpu.memory_space<vmem>>
    %dma_start3A_33 = arith.constant 0 : i32
    %dma_start3A_34 = tpu.memref_slice %arg2[%mul3A_20, %dma_start3A_33] : memref<320000x16xf32, #tpu.memory_space<hbm>> -> memref<128x16xf32, #tpu.memory_space<hbm>>
    tpu.enqueue_dma source(%dma_start3A_34 : memref<128x16xf32, #tpu.memory_space<hbm>>) target(%dma_start3A_32 : memref<128x16xf32, #tpu.memory_space<vmem>>) target_semaphore(%arg14 : memref<!tpu.dma_semaphore, #tpu.memory_space<semaphore_mem>>)
    %add3A_35 = arith.constant 2 : i32
    %add3A_36 = arith.addi %mul3A_4, %add3A_35 : i32
    %add3A_37 = arith.addi %add3A_36, %arg0 : i32
    %mul3A_38 = arith.constant 128 : i32
    %mul3A_39 = arith.muli %add3A_37, %mul3A_38 : i32
    %dma_start3A_40 = arith.constant 0 : i32
    %dma_start3A_41 = arith.constant 1 : i32
    %dma_start3A_42 = arith.constant 0 : i32
    %dma_start3A_43 = arith.constant 0 : i32
    %dma_start3A_44 = tpu.memref_slice %arg12[%dma_start3A_40, %dma_start3A_41, %dma_start3A_42, %dma_start3A_43] : memref<2x6x128x16xf32, #tpu.memory_space<vmem>> -> memref<1x1x128x16xf32, #tpu.memory_space<vmem>>
    %dma_start3A_45 = tpu.memref_squeeze %dma_start3A_44 : memref<1x1x128x16xf32, #tpu.memory_space<vmem>> -> memref<128x16xf32, #tpu.memory_space<vmem>>
    %dma_start3A_46 = arith.constant 0 : i32
    %dma_start3A_47 = tpu.memref_slice %arg2[%mul3A_39, %dma_start3A_46] : memref<320000x16xf32, #tpu.memory_space<hbm>> -> memref<128x16xf32, #tpu.memory_space<hbm>>
    %dma_start3A_48 = arith.constant 0 : i32
    %dma_start3A_49 = arith.constant 0 : i32
    %dma_start3A_50 = tpu.memref_slice %arg12[%dma_start3A_40, %dma_start3A_41, %dma_start3A_48, %dma_start3A_49] : memref<2x6x128x16xf32, #tpu.memory_space<vmem>> -> memref<1x1x128x16xf32, #tpu.memory_space<vmem>>
    %dma_start3A_51 = tpu.memref_squeeze %dma_start3A_50 : memref<1x1x128x16xf32, #tpu.memory_space<vmem>> -> memref<128x16xf32, #tpu.memory_space<vmem>>
    %dma_start3A_52 = arith.constant 0 : i32
    %dma_start3A_53 = tpu.memref_slice %arg2[%mul3A_39, %dma_start3A_52] : memref<320000x16xf32, #tpu.memory_space<hbm>> -> memref<128x16xf32, #tpu.memory_space<hbm>>
    tpu.enqueue_dma source(%dma_start3A_53 : memref<128x16xf32, #tpu.memory_space<hbm>>) target(%dma_start3A_51 : memref<128x16xf32, #tpu.memory_space<vmem>>) target_semaphore(%arg14 : memref<!tpu.dma_semaphore, #tpu.memory_space<semaphore_mem>>)
    %add3A_54 = arith.constant 4 : i32
    %add3A_55 = arith.addi %mul3A_4, %add3A_54 : i32
    %add3A_56 = arith.addi %add3A_55, %arg0 : i32
    %mul3A_57 = arith.constant 128 : i32
    %mul3A_58 = arith.muli %add3A_56, %mul3A_57 : i32
    %dma_start3A_59 = arith.constant 0 : i32
    %dma_start3A_60 = arith.constant 2 : i32
    %dma_start3A_61 = arith.constant 0 : i32
    %dma_start3A_62 = arith.constant 0 : i32
    %dma_start3A_63 = tpu.memref_slice %arg12[%dma_start3A_59, %dma_start3A_60, %dma_start3A_61, %dma_start3A_62] : memref<2x6x128x16xf32, #tpu.memory_space<vmem>> -> memref<1x1x128x16xf32, #tpu.memory_space<vmem>>
    %dma_start3A_64 = tpu.memref_squeeze %dma_start3A_63 : memref<1x1x128x16xf32, #tpu.memory_space<vmem>> -> memref<128x16xf32, #tpu.memory_space<vmem>>
    %dma_start3A_65 = arith.constant 0 : i32
    %dma_start3A_66 = tpu.memref_slice %arg2[%mul3A_58, %dma_start3A_65] : memref<320000x16xf32, #tpu.memory_space<hbm>> -> memref<128x16xf32, #tpu.memory_space<hbm>>
    %dma_start3A_67 = arith.constant 0 : i32
    %dma_start3A_68 = arith.constant 0 : i32
    %dma_start3A_69 = tpu.memref_slice %arg12[%dma_start3A_59, %dma_start3A_60, %dma_start3A_67, %dma_start3A_68] : memref<2x6x128x16xf32, #tpu.memory_space<vmem>> -> memref<1x1x128x16xf32, #tpu.memory_space<vmem>>
    %dma_start3A_70 = tpu.memref_squeeze %dma_start3A_69 : memref<1x1x128x16xf32, #tpu.memory_space<vmem>> -> memref<128x16xf32, #tpu.memory_space<vmem>>
    %dma_start3A_71 = arith.constant 0 : i32
    %dma_start3A_72 = tpu.memref_slice %arg2[%mul3A_58, %dma_start3A_71] : memref<320000x16xf32, #tpu.memory_space<hbm>> -> memref<128x16xf32, #tpu.memory_space<hbm>>
    tpu.enqueue_dma source(%dma_start3A_72 : memref<128x16xf32, #tpu.memory_space<hbm>>) target(%dma_start3A_70 : memref<128x16xf32, #tpu.memory_space<vmem>>) target_semaphore(%arg14 : memref<!tpu.dma_semaphore, #tpu.memory_space<semaphore_mem>>)
    %add3A_73 = arith.constant 6 : i32
    %add3A_74 = arith.addi %mul3A_4, %add3A_73 : i32
    %add3A_75 = arith.addi %add3A_74, %arg0 : i32
    %mul3A_76 = arith.constant 128 : i32
    %mul3A_77 = arith.muli %add3A_75, %mul3A_76 : i32
    %dma_start3A_78 = arith.constant 0 : i32
    %dma_start3A_79 = arith.constant 3 : i32
    %dma_start3A_80 = arith.constant 0 : i32
    %dma_start3A_81 = arith.constant 0 : i32
    %dma_start3A_82 = tpu.memref_slice %arg12[%dma_start3A_78, %dma_start3A_79, %dma_start3A_80, %dma_start3A_81] : memref<2x6x128x16xf32, #tpu.memory_space<vmem>> -> memref<1x1x128x16xf32, #tpu.memory_space<vmem>>
    %dma_start3A_83 = tpu.memref_squeeze %dma_start3A_82 : memref<1x1x128x16xf32, #tpu.memory_space<vmem>> -> memref<128x16xf32, #tpu.memory_space<vmem>>
    %dma_start3A_84 = arith.constant 0 : i32
    %dma_start3A_85 = tpu.memref_slice %arg2[%mul3A_77, %dma_start3A_84] : memref<320000x16xf32, #tpu.memory_space<hbm>> -> memref<128x16xf32, #tpu.memory_space<hbm>>
    %dma_start3A_86 = arith.constant 0 : i32
    %dma_start3A_87 = arith.constant 0 : i32
    %dma_start3A_88 = tpu.memref_slice %arg12[%dma_start3A_78, %dma_start3A_79, %dma_start3A_86, %dma_start3A_87] : memref<2x6x128x16xf32, #tpu.memory_space<vmem>> -> memref<1x1x128x16xf32, #tpu.memory_space<vmem>>
    %dma_start3A_89 = tpu.memref_squeeze %dma_start3A_88 : memref<1x1x128x16xf32, #tpu.memory_space<vmem>> -> memref<128x16xf32, #tpu.memory_space<vmem>>
    %dma_start3A_90 = arith.constant 0 : i32
    %dma_start3A_91 = tpu.memref_slice %arg2[%mul3A_77, %dma_start3A_90] : memref<320000x16xf32, #tpu.memory_space<hbm>> -> memref<128x16xf32, #tpu.memory_space<hbm>>
    tpu.enqueue_dma source(%dma_start3A_91 : memref<128x16xf32, #tpu.memory_space<hbm>>) target(%dma_start3A_89 : memref<128x16xf32, #tpu.memory_space<vmem>>) target_semaphore(%arg14 : memref<!tpu.dma_semaphore, #tpu.memory_space<semaphore_mem>>)
    %add3A_92 = arith.constant 8 : i32
    %add3A_93 = arith.addi %mul3A_4, %add3A_92 : i32
    %add3A_94 = arith.addi %add3A_93, %arg0 : i32
    %mul3A_95 = arith.constant 128 : i32
    %mul3A_96 = arith.muli %add3A_94, %mul3A_95 : i32
    %dma_start3A_97 = arith.constant 0 : i32
    %dma_start3A_98 = arith.constant 4 : i32
    %dma_start3A_99 = arith.constant 0 : i32
    %dma_start3A_100 = arith.constant 0 : i32
    %dma_start3A_101 = tpu.memref_slice %arg12[%dma_start3A_97, %dma_start3A_98, %dma_start3A_99, %dma_start3A_100] : memref<2x6x128x16xf32, #tpu.memory_space<vmem>> -> memref<1x1x128x16xf32, #tpu.memory_space<vmem>>
    %dma_start3A_102 = tpu.memref_squeeze %dma_start3A_101 : memref<1x1x128x16xf32, #tpu.memory_space<vmem>> -> memref<128x16xf32, #tpu.memory_space<vmem>>
    %dma_start3A_103 = arith.constant 0 : i32
    %dma_start3A_104 = tpu.memref_slice %arg2[%mul3A_96, %dma_start3A_103] : memref<320000x16xf32, #tpu.memory_space<hbm>> -> memref<128x16xf32, #tpu.memory_space<hbm>>
    %dma_start3A_105 = arith.constant 0 : i32
    %dma_start3A_106 = arith.constant 0 : i32
    %dma_start3A_107 = tpu.memref_slice %arg12[%dma_start3A_97, %dma_start3A_98, %dma_start3A_105, %dma_start3A_106] : memref<2x6x128x16xf32, #tpu.memory_space<vmem>> -> memref<1x1x128x16xf32, #tpu.memory_space<vmem>>
    %dma_start3A_108 = tpu.memref_squeeze %dma_start3A_107 : memref<1x1x128x16xf32, #tpu.memory_space<vmem>> -> memref<128x16xf32, #tpu.memory_space<vmem>>
    %dma_start3A_109 = arith.constant 0 : i32
    %dma_start3A_110 = tpu.memref_slice %arg2[%mul3A_96, %dma_start3A_109] : memref<320000x16xf32, #tpu.memory_space<hbm>> -> memref<128x16xf32, #tpu.memory_space<hbm>>
    tpu.enqueue_dma source(%dma_start3A_110 : memref<128x16xf32, #tpu.memory_space<hbm>>) target(%dma_start3A_108 : memref<128x16xf32, #tpu.memory_space<vmem>>) target_semaphore(%arg14 : memref<!tpu.dma_semaphore, #tpu.memory_space<semaphore_mem>>)
    %add3A_111 = arith.constant 10 : i32
    %add3A_112 = arith.addi %mul3A_4, %add3A_111 : i32
    %add3A_113 = arith.addi %add3A_112, %arg0 : i32
    %mul3A_114 = arith.constant 128 : i32
    %mul3A_115 = arith.muli %add3A_113, %mul3A_114 : i32
    %dma_start3A_116 = arith.constant 0 : i32
    %dma_start3A_117 = arith.constant 5 : i32
    %dma_start3A_118 = arith.constant 0 : i32
    %dma_start3A_119 = arith.constant 0 : i32
    %dma_start3A_120 = tpu.memref_slice %arg12[%dma_start3A_116, %dma_start3A_117, %dma_start3A_118, %dma_start3A_119] : memref<2x6x128x16xf32, #tpu.memory_space<vmem>> -> memref<1x1x128x16xf32, #tpu.memory_space<vmem>>
    %dma_start3A_121 = tpu.memref_squeeze %dma_start3A_120 : memref<1x1x128x16xf32, #tpu.memory_space<vmem>> -> memref<128x16xf32, #tpu.memory_space<vmem>>
    %dma_start3A_122 = arith.constant 0 : i32
    %dma_start3A_123 = tpu.memref_slice %arg2[%mul3A_115, %dma_start3A_122] : memref<320000x16xf32, #tpu.memory_space<hbm>> -> memref<128x16xf32, #tpu.memory_space<hbm>>
    %dma_start3A_124 = arith.constant 0 : i32
    %dma_start3A_125 = arith.constant 0 : i32
    %dma_start3A_126 = tpu.memref_slice %arg12[%dma_start3A_116, %dma_start3A_117, %dma_start3A_124, %dma_start3A_125] : memref<2x6x128x16xf32, #tpu.memory_space<vmem>> -> memref<1x1x128x16xf32, #tpu.memory_space<vmem>>
    %dma_start3A_127 = tpu.memref_squeeze %dma_start3A_126 : memref<1x1x128x16xf32, #tpu.memory_space<vmem>> -> memref<128x16xf32, #tpu.memory_space<vmem>>
    %dma_start3A_128 = arith.constant 0 : i32
    %dma_start3A_129 = tpu.memref_slice %arg2[%mul3A_115, %dma_start3A_128] : memref<320000x16xf32, #tpu.memory_space<hbm>> -> memref<128x16xf32, #tpu.memory_space<hbm>>
    tpu.enqueue_dma source(%dma_start3A_129 : memref<128x16xf32, #tpu.memory_space<hbm>>) target(%dma_start3A_127 : memref<128x16xf32, #tpu.memory_space<vmem>>) target_semaphore(%arg14 : memref<!tpu.dma_semaphore, #tpu.memory_space<semaphore_mem>>)
    %scan3A = arith.constant 0 : i32
    %scan3A_130 = arith.constant 0 : i32
    %scan3A_131 = arith.constant 13 : i32
    %scan3A_132 = arith.addi %scan3A_130, %scan3A_131 : i32
    %scan3A_133 = arith.constant 1 : i32
    scf.for %scan3A_147 = %scan3A_130 to %scan3A_132 step %scan3A_133  : i32 {
      %mul3A_148 = arith.constant 12 : i32
      %mul3A_149 = arith.muli %scan3A_147, %mul3A_148 : i32
      %add3A_150 = arith.addi %mul3A_4, %mul3A_149 : i32
      %rem3A = arith.constant 2 : i32
      %rem3A_151 = arith.remsi %scan3A_147, %rem3A : i32
      %add3A_152 = arith.constant 1 : i32
      %add3A_153 = arith.addi %scan3A_147, %add3A_152 : i32
      %lt3A_154 = arith.constant 13 : i32
      %lt3A_155 = arith.cmpi slt, %add3A_153, %lt3A_154 : i32
      %convert_element_type3A_156 = arith.extui %lt3A_155 : i1 to i32
      %cond3A_157 = arith.constant 0 : i32
      %cond3A_158 = arith.cmpi ne, %convert_element_type3A_156, %cond3A_157 : i32
      scf.if %cond3A_158 {
        %add3A_488 = arith.constant 12 : i32
        %add3A_489 = arith.addi %add3A_150, %add3A_488 : i32
        %sub3A = arith.constant 1 : i32
        %sub3A_490 = arith.subi %sub3A, %rem3A_151 : i32
        %dma_start3A_491 = arith.constant 0 : i32
        %dma_start3A_492 = arith.constant 0 : i32
        %dma_start3A_493 = tpu.memref_slice %arg10[%sub3A_490, %dma_start3A_491, %dma_start3A_492] : memref<2x12x128xi32, #tpu.memory_space<vmem>> -> memref<1x12x128xi32, #tpu.memory_space<vmem>>
        %dma_start3A_494 = tpu.memref_squeeze %dma_start3A_493 : memref<1x12x128xi32, #tpu.memory_space<vmem>> -> memref<12x128xi32, #tpu.memory_space<vmem>>
        %dma_start3A_495 = arith.constant 0 : i32
        %dma_start3A_496 = tpu.memref_slice %arg3[%add3A_489, %dma_start3A_495] : memref<2500x128xi32, #tpu.memory_space<hbm>> -> memref<12x128xi32, #tpu.memory_space<hbm>>
        %dma_start3A_497 = arith.constant 0 : i32
        %dma_start3A_498 = arith.constant 0 : i32
        %dma_start3A_499 = tpu.memref_slice %arg10[%sub3A_490, %dma_start3A_497, %dma_start3A_498] : memref<2x12x128xi32, #tpu.memory_space<vmem>> -> memref<1x12x128xi32, #tpu.memory_space<vmem>>
        %dma_start3A_500 = tpu.memref_squeeze %dma_start3A_499 : memref<1x12x128xi32, #tpu.memory_space<vmem>> -> memref<12x128xi32, #tpu.memory_space<vmem>>
        %dma_start3A_501 = arith.constant 0 : i32
        %dma_start3A_502 = tpu.memref_slice %arg3[%add3A_489, %dma_start3A_501] : memref<2500x128xi32, #tpu.memory_space<hbm>> -> memref<12x128xi32, #tpu.memory_space<hbm>>
        tpu.enqueue_dma source(%dma_start3A_502 : memref<12x128xi32, #tpu.memory_space<hbm>>) target(%dma_start3A_500 : memref<12x128xi32, #tpu.memory_space<vmem>>) target_semaphore(%arg17 : memref<!tpu.dma_semaphore, #tpu.memory_space<semaphore_mem>>)
        %add3A_503 = arith.constant 12 : i32
        %add3A_504 = arith.addi %add3A_150, %add3A_503 : i32
        %add3A_505 = arith.constant 0 : i32
        %add3A_506 = arith.addi %add3A_504, %add3A_505 : i32
        %add3A_507 = arith.addi %add3A_506, %arg0 : i32
        %mul3A_508 = arith.constant 128 : i32
        %mul3A_509 = arith.muli %add3A_507, %mul3A_508 : i32
        %sub3A_510 = arith.constant 1 : i32
        %sub3A_511 = arith.subi %sub3A_510, %rem3A_151 : i32
        %dma_start3A_512 = arith.constant 0 : i32
        %dma_start3A_513 = arith.constant 0 : i32
        %dma_start3A_514 = arith.constant 0 : i32
        %dma_start3A_515 = tpu.memref_slice %arg12[%sub3A_511, %dma_start3A_512, %dma_start3A_513, %dma_start3A_514] : memref<2x6x128x16xf32, #tpu.memory_space<vmem>> -> memref<1x1x128x16xf32, #tpu.memory_space<vmem>>
        %dma_start3A_516 = tpu.memref_squeeze %dma_start3A_515 : memref<1x1x128x16xf32, #tpu.memory_space<vmem>> -> memref<128x16xf32, #tpu.memory_space<vmem>>
        %dma_start3A_517 = arith.constant 0 : i32
        %dma_start3A_518 = tpu.memref_slice %arg2[%mul3A_509, %dma_start3A_517] : memref<320000x16xf32, #tpu.memory_space<hbm>> -> memref<128x16xf32, #tpu.memory_space<hbm>>
        %dma_start3A_519 = arith.constant 0 : i32
        %dma_start3A_520 = arith.constant 0 : i32
        %dma_start3A_521 = tpu.memref_slice %arg12[%sub3A_511, %dma_start3A_512, %dma_start3A_519, %dma_start3A_520] : memref<2x6x128x16xf32, #tpu.memory_space<vmem>> -> memref<1x1x128x16xf32, #tpu.memory_space<vmem>>
        %dma_start3A_522 = tpu.memref_squeeze %dma_start3A_521 : memref<1x1x128x16xf32, #tpu.memory_space<vmem>> -> memref<128x16xf32, #tpu.memory_space<vmem>>
        %dma_start3A_523 = arith.constant 0 : i32
        %dma_start3A_524 = tpu.memref_slice %arg2[%mul3A_509, %dma_start3A_523] : memref<320000x16xf32, #tpu.memory_space<hbm>> -> memref<128x16xf32, #tpu.memory_space<hbm>>
        tpu.enqueue_dma source(%dma_start3A_524 : memref<128x16xf32, #tpu.memory_space<hbm>>) target(%dma_start3A_522 : memref<128x16xf32, #tpu.memory_space<vmem>>) target_semaphore(%arg14 : memref<!tpu.dma_semaphore, #tpu.memory_space<semaphore_mem>>)
        %add3A_525 = arith.constant 12 : i32
        %add3A_526 = arith.addi %add3A_150, %add3A_525 : i32
        %add3A_527 = arith.constant 2 : i32
        %add3A_528 = arith.addi %add3A_526, %add3A_527 : i32
        %add3A_529 = arith.addi %add3A_528, %arg0 : i32
        %mul3A_530 = arith.constant 128 : i32
        %mul3A_531 = arith.muli %add3A_529, %mul3A_530 : i32
        %sub3A_532 = arith.constant 1 : i32
        %sub3A_533 = arith.subi %sub3A_532, %rem3A_151 : i32
        %dma_start3A_534 = arith.constant 1 : i32
        %dma_start3A_535 = arith.constant 0 : i32
        %dma_start3A_536 = arith.constant 0 : i32
        %dma_start3A_537 = tpu.memref_slice %arg12[%sub3A_533, %dma_start3A_534, %dma_start3A_535, %dma_start3A_536] : memref<2x6x128x16xf32, #tpu.memory_space<vmem>> -> memref<1x1x128x16xf32, #tpu.memory_space<vmem>>
        %dma_start3A_538 = tpu.memref_squeeze %dma_start3A_537 : memref<1x1x128x16xf32, #tpu.memory_space<vmem>> -> memref<128x16xf32, #tpu.memory_space<vmem>>
        %dma_start3A_539 = arith.constant 0 : i32
        %dma_start3A_540 = tpu.memref_slice %arg2[%mul3A_531, %dma_start3A_539] : memref<320000x16xf32, #tpu.memory_space<hbm>> -> memref<128x16xf32, #tpu.memory_space<hbm>>
        %dma_start3A_541 = arith.constant 0 : i32
        %dma_start3A_542 = arith.constant 0 : i32
        %dma_start3A_543 = tpu.memref_slice %arg12[%sub3A_533, %dma_start3A_534, %dma_start3A_541, %dma_start3A_542] : memref<2x6x128x16xf32, #tpu.memory_space<vmem>> -> memref<1x1x128x16xf32, #tpu.memory_space<vmem>>
        %dma_start3A_544 = tpu.memref_squeeze %dma_start3A_543 : memref<1x1x128x16xf32, #tpu.memory_space<vmem>> -> memref<128x16xf32, #tpu.memory_space<vmem>>
        %dma_start3A_545 = arith.constant 0 : i32
        %dma_start3A_546 = tpu.memref_slice %arg2[%mul3A_531, %dma_start3A_545] : memref<320000x16xf32, #tpu.memory_space<hbm>> -> memref<128x16xf32, #tpu.memory_space<hbm>>
        tpu.enqueue_dma source(%dma_start3A_546 : memref<128x16xf32, #tpu.memory_space<hbm>>) target(%dma_start3A_544 : memref<128x16xf32, #tpu.memory_space<vmem>>) target_semaphore(%arg14 : memref<!tpu.dma_semaphore, #tpu.memory_space<semaphore_mem>>)
        %add3A_547 = arith.constant 12 : i32
        %add3A_548 = arith.addi %add3A_150, %add3A_547 : i32
        %add3A_549 = arith.constant 4 : i32
        %add3A_550 = arith.addi %add3A_548, %add3A_549 : i32
        %add3A_551 = arith.addi %add3A_550, %arg0 : i32
        %mul3A_552 = arith.constant 128 : i32
        %mul3A_553 = arith.muli %add3A_551, %mul3A_552 : i32
        %sub3A_554 = arith.constant 1 : i32
        %sub3A_555 = arith.subi %sub3A_554, %rem3A_151 : i32
        %dma_start3A_556 = arith.constant 2 : i32
        %dma_start3A_557 = arith.constant 0 : i32
        %dma_start3A_558 = arith.constant 0 : i32
        %dma_start3A_559 = tpu.memref_slice %arg12[%sub3A_555, %dma_start3A_556, %dma_start3A_557, %dma_start3A_558] : memref<2x6x128x16xf32, #tpu.memory_space<vmem>> -> memref<1x1x128x16xf32, #tpu.memory_space<vmem>>
        %dma_start3A_560 = tpu.memref_squeeze %dma_start3A_559 : memref<1x1x128x16xf32, #tpu.memory_space<vmem>> -> memref<128x16xf32, #tpu.memory_space<vmem>>
        %dma_start3A_561 = arith.constant 0 : i32
        %dma_start3A_562 = tpu.memref_slice %arg2[%mul3A_553, %dma_start3A_561] : memref<320000x16xf32, #tpu.memory_space<hbm>> -> memref<128x16xf32, #tpu.memory_space<hbm>>
        %dma_start3A_563 = arith.constant 0 : i32
        %dma_start3A_564 = arith.constant 0 : i32
        %dma_start3A_565 = tpu.memref_slice %arg12[%sub3A_555, %dma_start3A_556, %dma_start3A_563, %dma_start3A_564] : memref<2x6x128x16xf32, #tpu.memory_space<vmem>> -> memref<1x1x128x16xf32, #tpu.memory_space<vmem>>
        %dma_start3A_566 = tpu.memref_squeeze %dma_start3A_565 : memref<1x1x128x16xf32, #tpu.memory_space<vmem>> -> memref<128x16xf32, #tpu.memory_space<vmem>>
        %dma_start3A_567 = arith.constant 0 : i32
        %dma_start3A_568 = tpu.memref_slice %arg2[%mul3A_553, %dma_start3A_567] : memref<320000x16xf32, #tpu.memory_space<hbm>> -> memref<128x16xf32, #tpu.memory_space<hbm>>
        tpu.enqueue_dma source(%dma_start3A_568 : memref<128x16xf32, #tpu.memory_space<hbm>>) target(%dma_start3A_566 : memref<128x16xf32, #tpu.memory_space<vmem>>) target_semaphore(%arg14 : memref<!tpu.dma_semaphore, #tpu.memory_space<semaphore_mem>>)
        %add3A_569 = arith.constant 12 : i32
        %add3A_570 = arith.addi %add3A_150, %add3A_569 : i32
        %add3A_571 = arith.constant 6 : i32
        %add3A_572 = arith.addi %add3A_570, %add3A_571 : i32
        %add3A_573 = arith.addi %add3A_572, %arg0 : i32
        %mul3A_574 = arith.constant 128 : i32
        %mul3A_575 = arith.muli %add3A_573, %mul3A_574 : i32
        %sub3A_576 = arith.constant 1 : i32
        %sub3A_577 = arith.subi %sub3A_576, %rem3A_151 : i32
        %dma_start3A_578 = arith.constant 3 : i32
        %dma_start3A_579 = arith.constant 0 : i32
        %dma_start3A_580 = arith.constant 0 : i32
        %dma_start3A_581 = tpu.memref_slice %arg12[%sub3A_577, %dma_start3A_578, %dma_start3A_579, %dma_start3A_580] : memref<2x6x128x16xf32, #tpu.memory_space<vmem>> -> memref<1x1x128x16xf32, #tpu.memory_space<vmem>>
        %dma_start3A_582 = tpu.memref_squeeze %dma_start3A_581 : memref<1x1x128x16xf32, #tpu.memory_space<vmem>> -> memref<128x16xf32, #tpu.memory_space<vmem>>
        %dma_start3A_583 = arith.constant 0 : i32
        %dma_start3A_584 = tpu.memref_slice %arg2[%mul3A_575, %dma_start3A_583] : memref<320000x16xf32, #tpu.memory_space<hbm>> -> memref<128x16xf32, #tpu.memory_space<hbm>>
        %dma_start3A_585 = arith.constant 0 : i32
        %dma_start3A_586 = arith.constant 0 : i32
        %dma_start3A_587 = tpu.memref_slice %arg12[%sub3A_577, %dma_start3A_578, %dma_start3A_585, %dma_start3A_586] : memref<2x6x128x16xf32, #tpu.memory_space<vmem>> -> memref<1x1x128x16xf32, #tpu.memory_space<vmem>>
        %dma_start3A_588 = tpu.memref_squeeze %dma_start3A_587 : memref<1x1x128x16xf32, #tpu.memory_space<vmem>> -> memref<128x16xf32, #tpu.memory_space<vmem>>
        %dma_start3A_589 = arith.constant 0 : i32
        %dma_start3A_590 = tpu.memref_slice %arg2[%mul3A_575, %dma_start3A_589] : memref<320000x16xf32, #tpu.memory_space<hbm>> -> memref<128x16xf32, #tpu.memory_space<hbm>>
        tpu.enqueue_dma source(%dma_start3A_590 : memref<128x16xf32, #tpu.memory_space<hbm>>) target(%dma_start3A_588 : memref<128x16xf32, #tpu.memory_space<vmem>>) target_semaphore(%arg14 : memref<!tpu.dma_semaphore, #tpu.memory_space<semaphore_mem>>)
        %add3A_591 = arith.constant 12 : i32
        %add3A_592 = arith.addi %add3A_150, %add3A_591 : i32
        %add3A_593 = arith.constant 8 : i32
        %add3A_594 = arith.addi %add3A_592, %add3A_593 : i32
        %add3A_595 = arith.addi %add3A_594, %arg0 : i32
        %mul3A_596 = arith.constant 128 : i32
        %mul3A_597 = arith.muli %add3A_595, %mul3A_596 : i32
        %sub3A_598 = arith.constant 1 : i32
        %sub3A_599 = arith.subi %sub3A_598, %rem3A_151 : i32
        %dma_start3A_600 = arith.constant 4 : i32
        %dma_start3A_601 = arith.constant 0 : i32
        %dma_start3A_602 = arith.constant 0 : i32
        %dma_start3A_603 = tpu.memref_slice %arg12[%sub3A_599, %dma_start3A_600, %dma_start3A_601, %dma_start3A_602] : memref<2x6x128x16xf32, #tpu.memory_space<vmem>> -> memref<1x1x128x16xf32, #tpu.memory_space<vmem>>
        %dma_start3A_604 = tpu.memref_squeeze %dma_start3A_603 : memref<1x1x128x16xf32, #tpu.memory_space<vmem>> -> memref<128x16xf32, #tpu.memory_space<vmem>>
        %dma_start3A_605 = arith.constant 0 : i32
        %dma_start3A_606 = tpu.memref_slice %arg2[%mul3A_597, %dma_start3A_605] : memref<320000x16xf32, #tpu.memory_space<hbm>> -> memref<128x16xf32, #tpu.memory_space<hbm>>
        %dma_start3A_607 = arith.constant 0 : i32
        %dma_start3A_608 = arith.constant 0 : i32
        %dma_start3A_609 = tpu.memref_slice %arg12[%sub3A_599, %dma_start3A_600, %dma_start3A_607, %dma_start3A_608] : memref<2x6x128x16xf32, #tpu.memory_space<vmem>> -> memref<1x1x128x16xf32, #tpu.memory_space<vmem>>
        %dma_start3A_610 = tpu.memref_squeeze %dma_start3A_609 : memref<1x1x128x16xf32, #tpu.memory_space<vmem>> -> memref<128x16xf32, #tpu.memory_space<vmem>>
        %dma_start3A_611 = arith.constant 0 : i32
        %dma_start3A_612 = tpu.memref_slice %arg2[%mul3A_597, %dma_start3A_611] : memref<320000x16xf32, #tpu.memory_space<hbm>> -> memref<128x16xf32, #tpu.memory_space<hbm>>
        tpu.enqueue_dma source(%dma_start3A_612 : memref<128x16xf32, #tpu.memory_space<hbm>>) target(%dma_start3A_610 : memref<128x16xf32, #tpu.memory_space<vmem>>) target_semaphore(%arg14 : memref<!tpu.dma_semaphore, #tpu.memory_space<semaphore_mem>>)
        %add3A_613 = arith.constant 12 : i32
        %add3A_614 = arith.addi %add3A_150, %add3A_613 : i32
        %add3A_615 = arith.constant 10 : i32
        %add3A_616 = arith.addi %add3A_614, %add3A_615 : i32
        %add3A_617 = arith.addi %add3A_616, %arg0 : i32
        %mul3A_618 = arith.constant 128 : i32
        %mul3A_619 = arith.muli %add3A_617, %mul3A_618 : i32
        %sub3A_620 = arith.constant 1 : i32
        %sub3A_621 = arith.subi %sub3A_620, %rem3A_151 : i32
        %dma_start3A_622 = arith.constant 5 : i32
        %dma_start3A_623 = arith.constant 0 : i32
        %dma_start3A_624 = arith.constant 0 : i32
        %dma_start3A_625 = tpu.memref_slice %arg12[%sub3A_621, %dma_start3A_622, %dma_start3A_623, %dma_start3A_624] : memref<2x6x128x16xf32, #tpu.memory_space<vmem>> -> memref<1x1x128x16xf32, #tpu.memory_space<vmem>>
        %dma_start3A_626 = tpu.memref_squeeze %dma_start3A_625 : memref<1x1x128x16xf32, #tpu.memory_space<vmem>> -> memref<128x16xf32, #tpu.memory_space<vmem>>
        %dma_start3A_627 = arith.constant 0 : i32
        %dma_start3A_628 = tpu.memref_slice %arg2[%mul3A_619, %dma_start3A_627] : memref<320000x16xf32, #tpu.memory_space<hbm>> -> memref<128x16xf32, #tpu.memory_space<hbm>>
        %dma_start3A_629 = arith.constant 0 : i32
        %dma_start3A_630 = arith.constant 0 : i32
        %dma_start3A_631 = tpu.memref_slice %arg12[%sub3A_621, %dma_start3A_622, %dma_start3A_629, %dma_start3A_630] : memref<2x6x128x16xf32, #tpu.memory_space<vmem>> -> memref<1x1x128x16xf32, #tpu.memory_space<vmem>>
        %dma_start3A_632 = tpu.memref_squeeze %dma_start3A_631 : memref<1x1x128x16xf32, #tpu.memory_space<vmem>> -> memref<128x16xf32, #tpu.memory_space<vmem>>
        %dma_start3A_633 = arith.constant 0 : i32
        %dma_start3A_634 = tpu.memref_slice %arg2[%mul3A_619, %dma_start3A_633] : memref<320000x16xf32, #tpu.memory_space<hbm>> -> memref<128x16xf32, #tpu.memory_space<hbm>>
        tpu.enqueue_dma source(%dma_start3A_634 : memref<128x16xf32, #tpu.memory_space<hbm>>) target(%dma_start3A_632 : memref<128x16xf32, #tpu.memory_space<vmem>>) target_semaphore(%arg14 : memref<!tpu.dma_semaphore, #tpu.memory_space<semaphore_mem>>)
      } else {
      }
      %dma_wait3A = arith.constant 0 : i32
      %dma_wait3A_159 = arith.constant 0 : i32
      %dma_wait3A_160 = tpu.memref_slice %arg10[%rem3A_151, %dma_wait3A, %dma_wait3A_159] : memref<2x12x128xi32, #tpu.memory_space<vmem>> -> memref<1x12x128xi32, #tpu.memory_space<vmem>>
      %dma_wait3A_161 = tpu.memref_squeeze %dma_wait3A_160 : memref<1x12x128xi32, #tpu.memory_space<vmem>> -> memref<12x128xi32, #tpu.memory_space<vmem>>
      %dma_wait3A_162 = arith.constant 0 : i32
      %dma_wait3A_163 = tpu.memref_slice %arg3[%add3A_150, %dma_wait3A_162] : memref<2500x128xi32, #tpu.memory_space<hbm>> -> memref<12x128xi32, #tpu.memory_space<hbm>>
      %dma_wait3A_164 = arith.constant 0 : i32
      %dma_wait3A_165 = arith.constant 0 : i32
      %dma_wait3A_166 = tpu.memref_slice %arg10[%rem3A_151, %dma_wait3A_164, %dma_wait3A_165] : memref<2x12x128xi32, #tpu.memory_space<vmem>> -> memref<1x12x128xi32, #tpu.memory_space<vmem>>
      %dma_wait3A_167 = tpu.memref_squeeze %dma_wait3A_166 : memref<1x12x128xi32, #tpu.memory_space<vmem>> -> memref<12x128xi32, #tpu.memory_space<vmem>>
      %dma_wait3A_168 = arith.constant 0 : i32
      %dma_wait3A_169 = tpu.memref_slice %arg3[%add3A_150, %dma_wait3A_168] : memref<2500x128xi32, #tpu.memory_space<hbm>> -> memref<12x128xi32, #tpu.memory_space<hbm>>
      tpu.wait_dma2 semaphore(%arg17 : memref<!tpu.dma_semaphore, #tpu.memory_space<semaphore_mem>>) src(%dma_wait3A_169 : memref<12x128xi32, #tpu.memory_space<hbm>>) dst(%dma_wait3A_167 : memref<12x128xi32, #tpu.memory_space<vmem>>)
      %mul3A_170 = arith.constant 128 : i32
      %mul3A_171 = arith.muli %add3A_150, %mul3A_170 : i32
      %dma_wait3A_172 = arith.constant 0 : i32
      %dma_wait3A_173 = arith.constant 0 : i32
      %dma_wait3A_174 = arith.constant 0 : i32
      %dma_wait3A_175 = tpu.memref_slice %arg12[%rem3A_151, %dma_wait3A_172, %dma_wait3A_173, %dma_wait3A_174] : memref<2x6x128x16xf32, #tpu.memory_space<vmem>> -> memref<1x1x128x16xf32, #tpu.memory_space<vmem>>
      %dma_wait3A_176 = tpu.memref_squeeze %dma_wait3A_175 : memref<1x1x128x16xf32, #tpu.memory_space<vmem>> -> memref<128x16xf32, #tpu.memory_space<vmem>>
      %dma_wait3A_177 = arith.constant 0 : i32
      %dma_wait3A_178 = tpu.memref_slice %arg2[%mul3A_171, %dma_wait3A_177] : memref<320000x16xf32, #tpu.memory_space<hbm>> -> memref<128x16xf32, #tpu.memory_space<hbm>>
      %dma_wait3A_179 = arith.constant 0 : i32
      %dma_wait3A_180 = arith.constant 0 : i32
      %dma_wait3A_181 = tpu.memref_slice %arg12[%rem3A_151, %dma_wait3A_172, %dma_wait3A_179, %dma_wait3A_180] : memref<2x6x128x16xf32, #tpu.memory_space<vmem>> -> memref<1x1x128x16xf32, #tpu.memory_space<vmem>>
      %dma_wait3A_182 = tpu.memref_squeeze %dma_wait3A_181 : memref<1x1x128x16xf32, #tpu.memory_space<vmem>> -> memref<128x16xf32, #tpu.memory_space<vmem>>
      %dma_wait3A_183 = arith.constant 0 : i32
      %dma_wait3A_184 = tpu.memref_slice %arg2[%mul3A_171, %dma_wait3A_183] : memref<320000x16xf32, #tpu.memory_space<hbm>> -> memref<128x16xf32, #tpu.memory_space<hbm>>
      tpu.wait_dma2 semaphore(%arg14 : memref<!tpu.dma_semaphore, #tpu.memory_space<semaphore_mem>>) src(%dma_wait3A_184 : memref<128x16xf32, #tpu.memory_space<hbm>>) dst(%dma_wait3A_182 : memref<128x16xf32, #tpu.memory_space<vmem>>)
      %add3A_185 = arith.constant 0 : i32
      %add3A_186 = arith.addi %add3A_185, %arg0 : i32
      %dma_start3A_187 = arith.constant 0 : i32
      %dma_start3A_188 = arith.constant 0 : i32
      %dma_start3A_189 = arith.constant 0 : i32
      %dma_start3A_190 = tpu.memref_slice %arg12[%rem3A_151, %dma_start3A_187, %dma_start3A_188, %dma_start3A_189] : memref<2x6x128x16xf32, #tpu.memory_space<vmem>> -> memref<1x1x128x16xf32, #tpu.memory_space<vmem>>
      %dma_start3A_191 = tpu.memref_squeeze %dma_start3A_190 : memref<1x1x128x16xf32, #tpu.memory_space<vmem>> -> memref<128x16xf32, #tpu.memory_space<vmem>>
      %dma_start3A_192 = arith.constant 0 : i32
      %dma_start3A_193 = tpu.memref_slice %arg10[%rem3A_151, %add3A_186, %dma_start3A_192] : memref<2x12x128xi32, #tpu.memory_space<vmem>> -> memref<1x1x128xi32, #tpu.memory_space<vmem>>
      %dma_start3A_194 = tpu.memref_squeeze %dma_start3A_193 : memref<1x1x128xi32, #tpu.memory_space<vmem>> -> memref<128xi32, #tpu.memory_space<vmem>>
      %dma_start3A_195 = arith.constant 0 : i32
      %dma_start3A_196 = arith.constant 0 : i32
      %dma_start3A_197 = tpu.memref_slice %arg8[%dma_start3A_195, %dma_start3A_196] : memref<10000x16xf32, #tpu.memory_space<vmem_shared>> -> memref<10000x16xf32, #tpu.memory_space<vmem_shared>>
      tpu.enqueue_indirect_dma source(%dma_start3A_191 : memref<128x16xf32, #tpu.memory_space<vmem>>) target(%dma_start3A_197 : memref<10000x16xf32, #tpu.memory_space<vmem_shared>>) offsets(%dma_start3A_194 : memref<128xi32, #tpu.memory_space<vmem>>) semaphore(%arg15 : memref<!tpu.dma_semaphore, #tpu.memory_space<semaphore_mem>>) {add = true}
      %add3A_198 = arith.constant 0 : i32
      %add3A_199 = arith.addi %add3A_198, %arg0 : i32
      %dma_start3A_200 = arith.constant 0 : i32
      %dma_start3A_201 = tpu.memref_slice %arg10[%rem3A_151, %add3A_199, %dma_start3A_200] : memref<2x12x128xi32, #tpu.memory_space<vmem>> -> memref<1x1x128xi32, #tpu.memory_space<vmem>>
      %dma_start3A_202 = tpu.memref_squeeze %dma_start3A_201 : memref<1x1x128xi32, #tpu.memory_space<vmem>> -> memref<128xi32, #tpu.memory_space<vmem>>
      %dma_start3A_203 = arith.constant 0 : i32
      %dma_start3A_204 = arith.constant 0 : i32
      %dma_start3A_205 = tpu.memref_slice %arg9[%dma_start3A_203, %dma_start3A_204] : memref<10000x16xf32, #tpu.memory_space<vmem_shared>> -> memref<10000x16xf32, #tpu.memory_space<vmem_shared>>
      tpu.enqueue_indirect_dma source(%arg13 : memref<128x16xf32, #tpu.memory_space<vmem>>) target(%dma_start3A_205 : memref<10000x16xf32, #tpu.memory_space<vmem_shared>>) offsets(%dma_start3A_202 : memref<128xi32, #tpu.memory_space<vmem>>) semaphore(%arg16 : memref<!tpu.dma_semaphore, #tpu.memory_space<semaphore_mem>>) {add = true}
      %mul3A_206 = arith.constant 128 : i32
      %mul3A_207 = arith.muli %add3A_150, %mul3A_206 : i32
      %dma_wait3A_208 = arith.constant 1 : i32
      %dma_wait3A_209 = arith.constant 0 : i32
      %dma_wait3A_210 = arith.constant 0 : i32
      %dma_wait3A_211 = tpu.memref_slice %arg12[%rem3A_151, %dma_wait3A_208, %dma_wait3A_209, %dma_wait3A_210] : memref<2x6x128x16xf32, #tpu.memory_space<vmem>> -> memref<1x1x128x16xf32, #tpu.memory_space<vmem>>
      %dma_wait3A_212 = tpu.memref_squeeze %dma_wait3A_211 : memref<1x1x128x16xf32, #tpu.memory_space<vmem>> -> memref<128x16xf32, #tpu.memory_space<vmem>>
      %dma_wait3A_213 = arith.constant 0 : i32
      %dma_wait3A_214 = tpu.memref_slice %arg2[%mul3A_207, %dma_wait3A_213] : memref<320000x16xf32, #tpu.memory_space<hbm>> -> memref<128x16xf32, #tpu.memory_space<hbm>>
      %dma_wait3A_215 = arith.constant 0 : i32
      %dma_wait3A_216 = arith.constant 0 : i32
      %dma_wait3A_217 = tpu.memref_slice %arg12[%rem3A_151, %dma_wait3A_208, %dma_wait3A_215, %dma_wait3A_216] : memref<2x6x128x16xf32, #tpu.memory_space<vmem>> -> memref<1x1x128x16xf32, #tpu.memory_space<vmem>>
      %dma_wait3A_218 = tpu.memref_squeeze %dma_wait3A_217 : memref<1x1x128x16xf32, #tpu.memory_space<vmem>> -> memref<128x16xf32, #tpu.memory_space<vmem>>
      %dma_wait3A_219 = arith.constant 0 : i32
      %dma_wait3A_220 = tpu.memref_slice %arg2[%mul3A_207, %dma_wait3A_219] : memref<320000x16xf32, #tpu.memory_space<hbm>> -> memref<128x16xf32, #tpu.memory_space<hbm>>
      tpu.wait_dma2 semaphore(%arg14 : memref<!tpu.dma_semaphore, #tpu.memory_space<semaphore_mem>>) src(%dma_wait3A_220 : memref<128x16xf32, #tpu.memory_space<hbm>>) dst(%dma_wait3A_218 : memref<128x16xf32, #tpu.memory_space<vmem>>)
      %add3A_221 = arith.constant 2 : i32
      %add3A_222 = arith.addi %add3A_221, %arg0 : i32
      %dma_start3A_223 = arith.constant 1 : i32
      %dma_start3A_224 = arith.constant 0 : i32
      %dma_start3A_225 = arith.constant 0 : i32
      %dma_start3A_226 = tpu.memref_slice %arg12[%rem3A_151, %dma_start3A_223, %dma_start3A_224, %dma_start3A_225] : memref<2x6x128x16xf32, #tpu.memory_space<vmem>> -> memref<1x1x128x16xf32, #tpu.memory_space<vmem>>
      %dma_start3A_227 = tpu.memref_squeeze %dma_start3A_226 : memref<1x1x128x16xf32, #tpu.memory_space<vmem>> -> memref<128x16xf32, #tpu.memory_space<vmem>>
      %dma_start3A_228 = arith.constant 0 : i32
      %dma_start3A_229 = tpu.memref_slice %arg10[%rem3A_151, %add3A_222, %dma_start3A_228] : memref<2x12x128xi32, #tpu.memory_space<vmem>> -> memref<1x1x128xi32, #tpu.memory_space<vmem>>
      %dma_start3A_230 = tpu.memref_squeeze %dma_start3A_229 : memref<1x1x128xi32, #tpu.memory_space<vmem>> -> memref<128xi32, #tpu.memory_space<vmem>>
      %dma_start3A_231 = arith.constant 0 : i32
      %dma_start3A_232 = arith.constant 0 : i32
      %dma_start3A_233 = tpu.memref_slice %arg8[%dma_start3A_231, %dma_start3A_232] : memref<10000x16xf32, #tpu.memory_space<vmem_shared>> -> memref<10000x16xf32, #tpu.memory_space<vmem_shared>>
      tpu.enqueue_indirect_dma source(%dma_start3A_227 : memref<128x16xf32, #tpu.memory_space<vmem>>) target(%dma_start3A_233 : memref<10000x16xf32, #tpu.memory_space<vmem_shared>>) offsets(%dma_start3A_230 : memref<128xi32, #tpu.memory_space<vmem>>) semaphore(%arg15 : memref<!tpu.dma_semaphore, #tpu.memory_space<semaphore_mem>>) {add = true}
      %add3A_234 = arith.constant 2 : i32
      %add3A_235 = arith.addi %add3A_234, %arg0 : i32
      %dma_start3A_236 = arith.constant 0 : i32
      %dma_start3A_237 = tpu.memref_slice %arg10[%rem3A_151, %add3A_235, %dma_start3A_236] : memref<2x12x128xi32, #tpu.memory_space<vmem>> -> memref<1x1x128xi32, #tpu.memory_space<vmem>>
      %dma_start3A_238 = tpu.memref_squeeze %dma_start3A_237 : memref<1x1x128xi32, #tpu.memory_space<vmem>> -> memref<128xi32, #tpu.memory_space<vmem>>
      %dma_start3A_239 = arith.constant 0 : i32
      %dma_start3A_240 = arith.constant 0 : i32
      %dma_start3A_241 = tpu.memref_slice %arg9[%dma_start3A_239, %dma_start3A_240] : memref<10000x16xf32, #tpu.memory_space<vmem_shared>> -> memref<10000x16xf32, #tpu.memory_space<vmem_shared>>
      tpu.enqueue_indirect_dma source(%arg13 : memref<128x16xf32, #tpu.memory_space<vmem>>) target(%dma_start3A_241 : memref<10000x16xf32, #tpu.memory_space<vmem_shared>>) offsets(%dma_start3A_238 : memref<128xi32, #tpu.memory_space<vmem>>) semaphore(%arg16 : memref<!tpu.dma_semaphore, #tpu.memory_space<semaphore_mem>>) {add = true}
      %mul3A_242 = arith.constant 128 : i32
      %mul3A_243 = arith.muli %add3A_150, %mul3A_242 : i32
      %dma_wait3A_244 = arith.constant 2 : i32
      %dma_wait3A_245 = arith.constant 0 : i32
      %dma_wait3A_246 = arith.constant 0 : i32
      %dma_wait3A_247 = tpu.memref_slice %arg12[%rem3A_151, %dma_wait3A_244, %dma_wait3A_245, %dma_wait3A_246] : memref<2x6x128x16xf32, #tpu.memory_space<vmem>> -> memref<1x1x128x16xf32, #tpu.memory_space<vmem>>
      %dma_wait3A_248 = tpu.memref_squeeze %dma_wait3A_247 : memref<1x1x128x16xf32, #tpu.memory_space<vmem>> -> memref<128x16xf32, #tpu.memory_space<vmem>>
      %dma_wait3A_249 = arith.constant 0 : i32
      %dma_wait3A_250 = tpu.memref_slice %arg2[%mul3A_243, %dma_wait3A_249] : memref<320000x16xf32, #tpu.memory_space<hbm>> -> memref<128x16xf32, #tpu.memory_space<hbm>>
      %dma_wait3A_251 = arith.constant 0 : i32
      %dma_wait3A_252 = arith.constant 0 : i32
      %dma_wait3A_253 = tpu.memref_slice %arg12[%rem3A_151, %dma_wait3A_244, %dma_wait3A_251, %dma_wait3A_252] : memref<2x6x128x16xf32, #tpu.memory_space<vmem>> -> memref<1x1x128x16xf32, #tpu.memory_space<vmem>>
      %dma_wait3A_254 = tpu.memref_squeeze %dma_wait3A_253 : memref<1x1x128x16xf32, #tpu.memory_space<vmem>> -> memref<128x16xf32, #tpu.memory_space<vmem>>
      %dma_wait3A_255 = arith.constant 0 : i32
      %dma_wait3A_256 = tpu.memref_slice %arg2[%mul3A_243, %dma_wait3A_255] : memref<320000x16xf32, #tpu.memory_space<hbm>> -> memref<128x16xf32, #tpu.memory_space<hbm>>
      tpu.wait_dma2 semaphore(%arg14 : memref<!tpu.dma_semaphore, #tpu.memory_space<semaphore_mem>>) src(%dma_wait3A_256 : memref<128x16xf32, #tpu.memory_space<hbm>>) dst(%dma_wait3A_254 : memref<128x16xf32, #tpu.memory_space<vmem>>)
      %add3A_257 = arith.constant 4 : i32
      %add3A_258 = arith.addi %add3A_257, %arg0 : i32
      %dma_start3A_259 = arith.constant 2 : i32
      %dma_start3A_260 = arith.constant 0 : i32
      %dma_start3A_261 = arith.constant 0 : i32
      %dma_start3A_262 = tpu.memref_slice %arg12[%rem3A_151, %dma_start3A_259, %dma_start3A_260, %dma_start3A_261] : memref<2x6x128x16xf32, #tpu.memory_space<vmem>> -> memref<1x1x128x16xf32, #tpu.memory_space<vmem>>
      %dma_start3A_263 = tpu.memref_squeeze %dma_start3A_262 : memref<1x1x128x16xf32, #tpu.memory_space<vmem>> -> memref<128x16xf32, #tpu.memory_space<vmem>>
      %dma_start3A_264 = arith.constant 0 : i32
      %dma_start3A_265 = tpu.memref_slice %arg10[%rem3A_151, %add3A_258, %dma_start3A_264] : memref<2x12x128xi32, #tpu.memory_space<vmem>> -> memref<1x1x128xi32, #tpu.memory_space<vmem>>
      %dma_start3A_266 = tpu.memref_squeeze %dma_start3A_265 : memref<1x1x128xi32, #tpu.memory_space<vmem>> -> memref<128xi32, #tpu.memory_space<vmem>>
      %dma_start3A_267 = arith.constant 0 : i32
      %dma_start3A_268 = arith.constant 0 : i32
      %dma_start3A_269 = tpu.memref_slice %arg8[%dma_start3A_267, %dma_start3A_268] : memref<10000x16xf32, #tpu.memory_space<vmem_shared>> -> memref<10000x16xf32, #tpu.memory_space<vmem_shared>>
      tpu.enqueue_indirect_dma source(%dma_start3A_263 : memref<128x16xf32, #tpu.memory_space<vmem>>) target(%dma_start3A_269 : memref<10000x16xf32, #tpu.memory_space<vmem_shared>>) offsets(%dma_start3A_266 : memref<128xi32, #tpu.memory_space<vmem>>) semaphore(%arg15 : memref<!tpu.dma_semaphore, #tpu.memory_space<semaphore_mem>>) {add = true}
      %add3A_270 = arith.constant 4 : i32
      %add3A_271 = arith.addi %add3A_270, %arg0 : i32
      %dma_start3A_272 = arith.constant 0 : i32
      %dma_start3A_273 = tpu.memref_slice %arg10[%rem3A_151, %add3A_271, %dma_start3A_272] : memref<2x12x128xi32, #tpu.memory_space<vmem>> -> memref<1x1x128xi32, #tpu.memory_space<vmem>>
      %dma_start3A_274 = tpu.memref_squeeze %dma_start3A_273 : memref<1x1x128xi32, #tpu.memory_space<vmem>> -> memref<128xi32, #tpu.memory_space<vmem>>
      %dma_start3A_275 = arith.constant 0 : i32
      %dma_start3A_276 = arith.constant 0 : i32
      %dma_start3A_277 = tpu.memref_slice %arg9[%dma_start3A_275, %dma_start3A_276] : memref<10000x16xf32, #tpu.memory_space<vmem_shared>> -> memref<10000x16xf32, #tpu.memory_space<vmem_shared>>
      tpu.enqueue_indirect_dma source(%arg13 : memref<128x16xf32, #tpu.memory_space<vmem>>) target(%dma_start3A_277 : memref<10000x16xf32, #tpu.memory_space<vmem_shared>>) offsets(%dma_start3A_274 : memref<128xi32, #tpu.memory_space<vmem>>) semaphore(%arg16 : memref<!tpu.dma_semaphore, #tpu.memory_space<semaphore_mem>>) {add = true}
      %mul3A_278 = arith.constant 128 : i32
      %mul3A_279 = arith.muli %add3A_150, %mul3A_278 : i32
      %dma_wait3A_280 = arith.constant 3 : i32
      %dma_wait3A_281 = arith.constant 0 : i32
      %dma_wait3A_282 = arith.constant 0 : i32
      %dma_wait3A_283 = tpu.memref_slice %arg12[%rem3A_151, %dma_wait3A_280, %dma_wait3A_281, %dma_wait3A_282] : memref<2x6x128x16xf32, #tpu.memory_space<vmem>> -> memref<1x1x128x16xf32, #tpu.memory_space<vmem>>
      %dma_wait3A_284 = tpu.memref_squeeze %dma_wait3A_283 : memref<1x1x128x16xf32, #tpu.memory_space<vmem>> -> memref<128x16xf32, #tpu.memory_space<vmem>>
      %dma_wait3A_285 = arith.constant 0 : i32
      %dma_wait3A_286 = tpu.memref_slice %arg2[%mul3A_279, %dma_wait3A_285] : memref<320000x16xf32, #tpu.memory_space<hbm>> -> memref<128x16xf32, #tpu.memory_space<hbm>>
      %dma_wait3A_287 = arith.constant 0 : i32
      %dma_wait3A_288 = arith.constant 0 : i32
      %dma_wait3A_289 = tpu.memref_slice %arg12[%rem3A_151, %dma_wait3A_280, %dma_wait3A_287, %dma_wait3A_288] : memref<2x6x128x16xf32, #tpu.memory_space<vmem>> -> memref<1x1x128x16xf32, #tpu.memory_space<vmem>>
      %dma_wait3A_290 = tpu.memref_squeeze %dma_wait3A_289 : memref<1x1x128x16xf32, #tpu.memory_space<vmem>> -> memref<128x16xf32, #tpu.memory_space<vmem>>
      %dma_wait3A_291 = arith.constant 0 : i32
      %dma_wait3A_292 = tpu.memref_slice %arg2[%mul3A_279, %dma_wait3A_291] : memref<320000x16xf32, #tpu.memory_space<hbm>> -> memref<128x16xf32, #tpu.memory_space<hbm>>
      tpu.wait_dma2 semaphore(%arg14 : memref<!tpu.dma_semaphore, #tpu.memory_space<semaphore_mem>>) src(%dma_wait3A_292 : memref<128x16xf32, #tpu.memory_space<hbm>>) dst(%dma_wait3A_290 : memref<128x16xf32, #tpu.memory_space<vmem>>)
      %add3A_293 = arith.constant 6 : i32
      %add3A_294 = arith.addi %add3A_293, %arg0 : i32
      %dma_start3A_295 = arith.constant 3 : i32
      %dma_start3A_296 = arith.constant 0 : i32
      %dma_start3A_297 = arith.constant 0 : i32
      %dma_start3A_298 = tpu.memref_slice %arg12[%rem3A_151, %dma_start3A_295, %dma_start3A_296, %dma_start3A_297] : memref<2x6x128x16xf32, #tpu.memory_space<vmem>> -> memref<1x1x128x16xf32, #tpu.memory_space<vmem>>
      %dma_start3A_299 = tpu.memref_squeeze %dma_start3A_298 : memref<1x1x128x16xf32, #tpu.memory_space<vmem>> -> memref<128x16xf32, #tpu.memory_space<vmem>>
      %dma_start3A_300 = arith.constant 0 : i32
      %dma_start3A_301 = tpu.memref_slice %arg10[%rem3A_151, %add3A_294, %dma_start3A_300] : memref<2x12x128xi32, #tpu.memory_space<vmem>> -> memref<1x1x128xi32, #tpu.memory_space<vmem>>
      %dma_start3A_302 = tpu.memref_squeeze %dma_start3A_301 : memref<1x1x128xi32, #tpu.memory_space<vmem>> -> memref<128xi32, #tpu.memory_space<vmem>>
      %dma_start3A_303 = arith.constant 0 : i32
      %dma_start3A_304 = arith.constant 0 : i32
      %dma_start3A_305 = tpu.memref_slice %arg8[%dma_start3A_303, %dma_start3A_304] : memref<10000x16xf32, #tpu.memory_space<vmem_shared>> -> memref<10000x16xf32, #tpu.memory_space<vmem_shared>>
      tpu.enqueue_indirect_dma source(%dma_start3A_299 : memref<128x16xf32, #tpu.memory_space<vmem>>) target(%dma_start3A_305 : memref<10000x16xf32, #tpu.memory_space<vmem_shared>>) offsets(%dma_start3A_302 : memref<128xi32, #tpu.memory_space<vmem>>) semaphore(%arg15 : memref<!tpu.dma_semaphore, #tpu.memory_space<semaphore_mem>>) {add = true}
      %add3A_306 = arith.constant 6 : i32
      %add3A_307 = arith.addi %add3A_306, %arg0 : i32
      %dma_start3A_308 = arith.constant 0 : i32
      %dma_start3A_309 = tpu.memref_slice %arg10[%rem3A_151, %add3A_307, %dma_start3A_308] : memref<2x12x128xi32, #tpu.memory_space<vmem>> -> memref<1x1x128xi32, #tpu.memory_space<vmem>>
      %dma_start3A_310 = tpu.memref_squeeze %dma_start3A_309 : memref<1x1x128xi32, #tpu.memory_space<vmem>> -> memref<128xi32, #tpu.memory_space<vmem>>
      %dma_start3A_311 = arith.constant 0 : i32
      %dma_start3A_312 = arith.constant 0 : i32
      %dma_start3A_313 = tpu.memref_slice %arg9[%dma_start3A_311, %dma_start3A_312] : memref<10000x16xf32, #tpu.memory_space<vmem_shared>> -> memref<10000x16xf32, #tpu.memory_space<vmem_shared>>
      tpu.enqueue_indirect_dma source(%arg13 : memref<128x16xf32, #tpu.memory_space<vmem>>) target(%dma_start3A_313 : memref<10000x16xf32, #tpu.memory_space<vmem_shared>>) offsets(%dma_start3A_310 : memref<128xi32, #tpu.memory_space<vmem>>) semaphore(%arg16 : memref<!tpu.dma_semaphore, #tpu.memory_space<semaphore_mem>>) {add = true}
      %mul3A_314 = arith.constant 128 : i32
      %mul3A_315 = arith.muli %add3A_150, %mul3A_314 : i32
      %dma_wait3A_316 = arith.constant 4 : i32
      %dma_wait3A_317 = arith.constant 0 : i32
      %dma_wait3A_318 = arith.constant 0 : i32
      %dma_wait3A_319 = tpu.memref_slice %arg12[%rem3A_151, %dma_wait3A_316, %dma_wait3A_317, %dma_wait3A_318] : memref<2x6x128x16xf32, #tpu.memory_space<vmem>> -> memref<1x1x128x16xf32, #tpu.memory_space<vmem>>
      %dma_wait3A_320 = tpu.memref_squeeze %dma_wait3A_319 : memref<1x1x128x16xf32, #tpu.memory_space<vmem>> -> memref<128x16xf32, #tpu.memory_space<vmem>>
      %dma_wait3A_321 = arith.constant 0 : i32
      %dma_wait3A_322 = tpu.memref_slice %arg2[%mul3A_315, %dma_wait3A_321] : memref<320000x16xf32, #tpu.memory_space<hbm>> -> memref<128x16xf32, #tpu.memory_space<hbm>>
      %dma_wait3A_323 = arith.constant 0 : i32
      %dma_wait3A_324 = arith.constant 0 : i32
      %dma_wait3A_325 = tpu.memref_slice %arg12[%rem3A_151, %dma_wait3A_316, %dma_wait3A_323, %dma_wait3A_324] : memref<2x6x128x16xf32, #tpu.memory_space<vmem>> -> memref<1x1x128x16xf32, #tpu.memory_space<vmem>>
      %dma_wait3A_326 = tpu.memref_squeeze %dma_wait3A_325 : memref<1x1x128x16xf32, #tpu.memory_space<vmem>> -> memref<128x16xf32, #tpu.memory_space<vmem>>
      %dma_wait3A_327 = arith.constant 0 : i32
      %dma_wait3A_328 = tpu.memref_slice %arg2[%mul3A_315, %dma_wait3A_327] : memref<320000x16xf32, #tpu.memory_space<hbm>> -> memref<128x16xf32, #tpu.memory_space<hbm>>
      tpu.wait_dma2 semaphore(%arg14 : memref<!tpu.dma_semaphore, #tpu.memory_space<semaphore_mem>>) src(%dma_wait3A_328 : memref<128x16xf32, #tpu.memory_space<hbm>>) dst(%dma_wait3A_326 : memref<128x16xf32, #tpu.memory_space<vmem>>)
      %add3A_329 = arith.constant 8 : i32
      %add3A_330 = arith.addi %add3A_329, %arg0 : i32
      %dma_start3A_331 = arith.constant 4 : i32
      %dma_start3A_332 = arith.constant 0 : i32
      %dma_start3A_333 = arith.constant 0 : i32
      %dma_start3A_334 = tpu.memref_slice %arg12[%rem3A_151, %dma_start3A_331, %dma_start3A_332, %dma_start3A_333] : memref<2x6x128x16xf32, #tpu.memory_space<vmem>> -> memref<1x1x128x16xf32, #tpu.memory_space<vmem>>
      %dma_start3A_335 = tpu.memref_squeeze %dma_start3A_334 : memref<1x1x128x16xf32, #tpu.memory_space<vmem>> -> memref<128x16xf32, #tpu.memory_space<vmem>>
      %dma_start3A_336 = arith.constant 0 : i32
      %dma_start3A_337 = tpu.memref_slice %arg10[%rem3A_151, %add3A_330, %dma_start3A_336] : memref<2x12x128xi32, #tpu.memory_space<vmem>> -> memref<1x1x128xi32, #tpu.memory_space<vmem>>
      %dma_start3A_338 = tpu.memref_squeeze %dma_start3A_337 : memref<1x1x128xi32, #tpu.memory_space<vmem>> -> memref<128xi32, #tpu.memory_space<vmem>>
      %dma_start3A_339 = arith.constant 0 : i32
      %dma_start3A_340 = arith.constant 0 : i32
      %dma_start3A_341 = tpu.memref_slice %arg8[%dma_start3A_339, %dma_start3A_340] : memref<10000x16xf32, #tpu.memory_space<vmem_shared>> -> memref<10000x16xf32, #tpu.memory_space<vmem_shared>>
      tpu.enqueue_indirect_dma source(%dma_start3A_335 : memref<128x16xf32, #tpu.memory_space<vmem>>) target(%dma_start3A_341 : memref<10000x16xf32, #tpu.memory_space<vmem_shared>>) offsets(%dma_start3A_338 : memref<128xi32, #tpu.memory_space<vmem>>) semaphore(%arg15 : memref<!tpu.dma_semaphore, #tpu.memory_space<semaphore_mem>>) {add = true}
      %add3A_342 = arith.constant 8 : i32
      %add3A_343 = arith.addi %add3A_342, %arg0 : i32
      %dma_start3A_344 = arith.constant 0 : i32
      %dma_start3A_345 = tpu.memref_slice %arg10[%rem3A_151, %add3A_343, %dma_start3A_344] : memref<2x12x128xi32, #tpu.memory_space<vmem>> -> memref<1x1x128xi32, #tpu.memory_space<vmem>>
      %dma_start3A_346 = tpu.memref_squeeze %dma_start3A_345 : memref<1x1x128xi32, #tpu.memory_space<vmem>> -> memref<128xi32, #tpu.memory_space<vmem>>
      %dma_start3A_347 = arith.constant 0 : i32
      %dma_start3A_348 = arith.constant 0 : i32
      %dma_start3A_349 = tpu.memref_slice %arg9[%dma_start3A_347, %dma_start3A_348] : memref<10000x16xf32, #tpu.memory_space<vmem_shared>> -> memref<10000x16xf32, #tpu.memory_space<vmem_shared>>
      tpu.enqueue_indirect_dma source(%arg13 : memref<128x16xf32, #tpu.memory_space<vmem>>) target(%dma_start3A_349 : memref<10000x16xf32, #tpu.memory_space<vmem_shared>>) offsets(%dma_start3A_346 : memref<128xi32, #tpu.memory_space<vmem>>) semaphore(%arg16 : memref<!tpu.dma_semaphore, #tpu.memory_space<semaphore_mem>>) {add = true}
      %mul3A_350 = arith.constant 128 : i32
      %mul3A_351 = arith.muli %add3A_150, %mul3A_350 : i32
      %dma_wait3A_352 = arith.constant 5 : i32
      %dma_wait3A_353 = arith.constant 0 : i32
      %dma_wait3A_354 = arith.constant 0 : i32
      %dma_wait3A_355 = tpu.memref_slice %arg12[%rem3A_151, %dma_wait3A_352, %dma_wait3A_353, %dma_wait3A_354] : memref<2x6x128x16xf32, #tpu.memory_space<vmem>> -> memref<1x1x128x16xf32, #tpu.memory_space<vmem>>
      %dma_wait3A_356 = tpu.memref_squeeze %dma_wait3A_355 : memref<1x1x128x16xf32, #tpu.memory_space<vmem>> -> memref<128x16xf32, #tpu.memory_space<vmem>>
      %dma_wait3A_357 = arith.constant 0 : i32
      %dma_wait3A_358 = tpu.memref_slice %arg2[%mul3A_351, %dma_wait3A_357] : memref<320000x16xf32, #tpu.memory_space<hbm>> -> memref<128x16xf32, #tpu.memory_space<hbm>>
      %dma_wait3A_359 = arith.constant 0 : i32
      %dma_wait3A_360 = arith.constant 0 : i32
      %dma_wait3A_361 = tpu.memref_slice %arg12[%rem3A_151, %dma_wait3A_352, %dma_wait3A_359, %dma_wait3A_360] : memref<2x6x128x16xf32, #tpu.memory_space<vmem>> -> memref<1x1x128x16xf32, #tpu.memory_space<vmem>>
      %dma_wait3A_362 = tpu.memref_squeeze %dma_wait3A_361 : memref<1x1x128x16xf32, #tpu.memory_space<vmem>> -> memref<128x16xf32, #tpu.memory_space<vmem>>
      %dma_wait3A_363 = arith.constant 0 : i32
      %dma_wait3A_364 = tpu.memref_slice %arg2[%mul3A_351, %dma_wait3A_363] : memref<320000x16xf32, #tpu.memory_space<hbm>> -> memref<128x16xf32, #tpu.memory_space<hbm>>
      tpu.wait_dma2 semaphore(%arg14 : memref<!tpu.dma_semaphore, #tpu.memory_space<semaphore_mem>>) src(%dma_wait3A_364 : memref<128x16xf32, #tpu.memory_space<hbm>>) dst(%dma_wait3A_362 : memref<128x16xf32, #tpu.memory_space<vmem>>)
      %add3A_365 = arith.constant 10 : i32
      %add3A_366 = arith.addi %add3A_365, %arg0 : i32
      %dma_start3A_367 = arith.constant 5 : i32
      %dma_start3A_368 = arith.constant 0 : i32
      %dma_start3A_369 = arith.constant 0 : i32
      %dma_start3A_370 = tpu.memref_slice %arg12[%rem3A_151, %dma_start3A_367, %dma_start3A_368, %dma_start3A_369] : memref<2x6x128x16xf32, #tpu.memory_space<vmem>> -> memref<1x1x128x16xf32, #tpu.memory_space<vmem>>
      %dma_start3A_371 = tpu.memref_squeeze %dma_start3A_370 : memref<1x1x128x16xf32, #tpu.memory_space<vmem>> -> memref<128x16xf32, #tpu.memory_space<vmem>>
      %dma_start3A_372 = arith.constant 0 : i32
      %dma_start3A_373 = tpu.memref_slice %arg10[%rem3A_151, %add3A_366, %dma_start3A_372] : memref<2x12x128xi32, #tpu.memory_space<vmem>> -> memref<1x1x128xi32, #tpu.memory_space<vmem>>
      %dma_start3A_374 = tpu.memref_squeeze %dma_start3A_373 : memref<1x1x128xi32, #tpu.memory_space<vmem>> -> memref<128xi32, #tpu.memory_space<vmem>>
      %dma_start3A_375 = arith.constant 0 : i32
      %dma_start3A_376 = arith.constant 0 : i32
      %dma_start3A_377 = tpu.memref_slice %arg8[%dma_start3A_375, %dma_start3A_376] : memref<10000x16xf32, #tpu.memory_space<vmem_shared>> -> memref<10000x16xf32, #tpu.memory_space<vmem_shared>>
      tpu.enqueue_indirect_dma source(%dma_start3A_371 : memref<128x16xf32, #tpu.memory_space<vmem>>) target(%dma_start3A_377 : memref<10000x16xf32, #tpu.memory_space<vmem_shared>>) offsets(%dma_start3A_374 : memref<128xi32, #tpu.memory_space<vmem>>) semaphore(%arg15 : memref<!tpu.dma_semaphore, #tpu.memory_space<semaphore_mem>>) {add = true}
      %add3A_378 = arith.constant 10 : i32
      %add3A_379 = arith.addi %add3A_378, %arg0 : i32
      %dma_start3A_380 = arith.constant 0 : i32
      %dma_start3A_381 = tpu.memref_slice %arg10[%rem3A_151, %add3A_379, %dma_start3A_380] : memref<2x12x128xi32, #tpu.memory_space<vmem>> -> memref<1x1x128xi32, #tpu.memory_space<vmem>>
      %dma_start3A_382 = tpu.memref_squeeze %dma_start3A_381 : memref<1x1x128xi32, #tpu.memory_space<vmem>> -> memref<128xi32, #tpu.memory_space<vmem>>
      %dma_start3A_383 = arith.constant 0 : i32
      %dma_start3A_384 = arith.constant 0 : i32
      %dma_start3A_385 = tpu.memref_slice %arg9[%dma_start3A_383, %dma_start3A_384] : memref<10000x16xf32, #tpu.memory_space<vmem_shared>> -> memref<10000x16xf32, #tpu.memory_space<vmem_shared>>
      tpu.enqueue_indirect_dma source(%arg13 : memref<128x16xf32, #tpu.memory_space<vmem>>) target(%dma_start3A_385 : memref<10000x16xf32, #tpu.memory_space<vmem_shared>>) offsets(%dma_start3A_382 : memref<128xi32, #tpu.memory_space<vmem>>) semaphore(%arg16 : memref<!tpu.dma_semaphore, #tpu.memory_space<semaphore_mem>>) {add = true}
      %dma_wait3A_386 = arith.constant 0 : i32
      %dma_wait3A_387 = arith.constant 0 : i32
      %dma_wait3A_388 = arith.constant 0 : i32
      %dma_wait3A_389 = tpu.memref_slice %arg12[%rem3A_151, %dma_wait3A_386, %dma_wait3A_387, %dma_wait3A_388] : memref<2x6x128x16xf32, #tpu.memory_space<vmem>> -> memref<1x1x128x16xf32, #tpu.memory_space<vmem>>
      %dma_wait3A_390 = tpu.memref_squeeze %dma_wait3A_389 : memref<1x1x128x16xf32, #tpu.memory_space<vmem>> -> memref<128x16xf32, #tpu.memory_space<vmem>>
      %dma_wait3A_391 = arith.constant 0 : i32
      %dma_wait3A_392 = tpu.memref_slice %arg10[%rem3A_151, %add3A_186, %dma_wait3A_391] : memref<2x12x128xi32, #tpu.memory_space<vmem>> -> memref<1x1x128xi32, #tpu.memory_space<vmem>>
      %dma_wait3A_393 = tpu.memref_squeeze %dma_wait3A_392 : memref<1x1x128xi32, #tpu.memory_space<vmem>> -> memref<128xi32, #tpu.memory_space<vmem>>
      %dma_wait3A_394 = arith.constant 0 : i32
      %dma_wait3A_395 = arith.constant 0 : i32
      %dma_wait3A_396 = tpu.memref_slice %arg8[%dma_wait3A_394, %dma_wait3A_395] : memref<10000x16xf32, #tpu.memory_space<vmem_shared>> -> memref<10000x16xf32, #tpu.memory_space<vmem_shared>>
      tpu.wait_indirect_dma semaphore(%arg15 : memref<!tpu.dma_semaphore, #tpu.memory_space<semaphore_mem>>) src(%dma_wait3A_390 : memref<128x16xf32, #tpu.memory_space<vmem>>) dst(%dma_wait3A_396 : memref<10000x16xf32, #tpu.memory_space<vmem_shared>>)
      %dma_wait3A_397 = arith.constant 0 : i32
      %dma_wait3A_398 = tpu.memref_slice %arg10[%rem3A_151, %add3A_199, %dma_wait3A_397] : memref<2x12x128xi32, #tpu.memory_space<vmem>> -> memref<1x1x128xi32, #tpu.memory_space<vmem>>
      %dma_wait3A_399 = tpu.memref_squeeze %dma_wait3A_398 : memref<1x1x128xi32, #tpu.memory_space<vmem>> -> memref<128xi32, #tpu.memory_space<vmem>>
      %dma_wait3A_400 = arith.constant 0 : i32
      %dma_wait3A_401 = arith.constant 0 : i32
      %dma_wait3A_402 = tpu.memref_slice %arg9[%dma_wait3A_400, %dma_wait3A_401] : memref<10000x16xf32, #tpu.memory_space<vmem_shared>> -> memref<10000x16xf32, #tpu.memory_space<vmem_shared>>
      tpu.wait_indirect_dma semaphore(%arg16 : memref<!tpu.dma_semaphore, #tpu.memory_space<semaphore_mem>>) src(%arg13 : memref<128x16xf32, #tpu.memory_space<vmem>>) dst(%dma_wait3A_402 : memref<10000x16xf32, #tpu.memory_space<vmem_shared>>)
      %dma_wait3A_403 = arith.constant 1 : i32
      %dma_wait3A_404 = arith.constant 0 : i32
      %dma_wait3A_405 = arith.constant 0 : i32
      %dma_wait3A_406 = tpu.memref_slice %arg12[%rem3A_151, %dma_wait3A_403, %dma_wait3A_404, %dma_wait3A_405] : memref<2x6x128x16xf32, #tpu.memory_space<vmem>> -> memref<1x1x128x16xf32, #tpu.memory_space<vmem>>
      %dma_wait3A_407 = tpu.memref_squeeze %dma_wait3A_406 : memref<1x1x128x16xf32, #tpu.memory_space<vmem>> -> memref<128x16xf32, #tpu.memory_space<vmem>>
      %dma_wait3A_408 = arith.constant 0 : i32
      %dma_wait3A_409 = tpu.memref_slice %arg10[%rem3A_151, %add3A_222, %dma_wait3A_408] : memref<2x12x128xi32, #tpu.memory_space<vmem>> -> memref<1x1x128xi32, #tpu.memory_space<vmem>>
      %dma_wait3A_410 = tpu.memref_squeeze %dma_wait3A_409 : memref<1x1x128xi32, #tpu.memory_space<vmem>> -> memref<128xi32, #tpu.memory_space<vmem>>
      %dma_wait3A_411 = arith.constant 0 : i32
      %dma_wait3A_412 = arith.constant 0 : i32
      %dma_wait3A_413 = tpu.memref_slice %arg8[%dma_wait3A_411, %dma_wait3A_412] : memref<10000x16xf32, #tpu.memory_space<vmem_shared>> -> memref<10000x16xf32, #tpu.memory_space<vmem_shared>>
      tpu.wait_indirect_dma semaphore(%arg15 : memref<!tpu.dma_semaphore, #tpu.memory_space<semaphore_mem>>) src(%dma_wait3A_407 : memref<128x16xf32, #tpu.memory_space<vmem>>) dst(%dma_wait3A_413 : memref<10000x16xf32, #tpu.memory_space<vmem_shared>>)
      %dma_wait3A_414 = arith.constant 0 : i32
      %dma_wait3A_415 = tpu.memref_slice %arg10[%rem3A_151, %add3A_235, %dma_wait3A_414] : memref<2x12x128xi32, #tpu.memory_space<vmem>> -> memref<1x1x128xi32, #tpu.memory_space<vmem>>
      %dma_wait3A_416 = tpu.memref_squeeze %dma_wait3A_415 : memref<1x1x128xi32, #tpu.memory_space<vmem>> -> memref<128xi32, #tpu.memory_space<vmem>>
      %dma_wait3A_417 = arith.constant 0 : i32
      %dma_wait3A_418 = arith.constant 0 : i32
      %dma_wait3A_419 = tpu.memref_slice %arg9[%dma_wait3A_417, %dma_wait3A_418] : memref<10000x16xf32, #tpu.memory_space<vmem_shared>> -> memref<10000x16xf32, #tpu.memory_space<vmem_shared>>
      tpu.wait_indirect_dma semaphore(%arg16 : memref<!tpu.dma_semaphore, #tpu.memory_space<semaphore_mem>>) src(%arg13 : memref<128x16xf32, #tpu.memory_space<vmem>>) dst(%dma_wait3A_419 : memref<10000x16xf32, #tpu.memory_space<vmem_shared>>)
      %dma_wait3A_420 = arith.constant 2 : i32
      %dma_wait3A_421 = arith.constant 0 : i32
      %dma_wait3A_422 = arith.constant 0 : i32
      %dma_wait3A_423 = tpu.memref_slice %arg12[%rem3A_151, %dma_wait3A_420, %dma_wait3A_421, %dma_wait3A_422] : memref<2x6x128x16xf32, #tpu.memory_space<vmem>> -> memref<1x1x128x16xf32, #tpu.memory_space<vmem>>
      %dma_wait3A_424 = tpu.memref_squeeze %dma_wait3A_423 : memref<1x1x128x16xf32, #tpu.memory_space<vmem>> -> memref<128x16xf32, #tpu.memory_space<vmem>>
      %dma_wait3A_425 = arith.constant 0 : i32
      %dma_wait3A_426 = tpu.memref_slice %arg10[%rem3A_151, %add3A_258, %dma_wait3A_425] : memref<2x12x128xi32, #tpu.memory_space<vmem>> -> memref<1x1x128xi32, #tpu.memory_space<vmem>>
      %dma_wait3A_427 = tpu.memref_squeeze %dma_wait3A_426 : memref<1x1x128xi32, #tpu.memory_space<vmem>> -> memref<128xi32, #tpu.memory_space<vmem>>
      %dma_wait3A_428 = arith.constant 0 : i32
      %dma_wait3A_429 = arith.constant 0 : i32
      %dma_wait3A_430 = tpu.memref_slice %arg8[%dma_wait3A_428, %dma_wait3A_429] : memref<10000x16xf32, #tpu.memory_space<vmem_shared>> -> memref<10000x16xf32, #tpu.memory_space<vmem_shared>>
      tpu.wait_indirect_dma semaphore(%arg15 : memref<!tpu.dma_semaphore, #tpu.memory_space<semaphore_mem>>) src(%dma_wait3A_424 : memref<128x16xf32, #tpu.memory_space<vmem>>) dst(%dma_wait3A_430 : memref<10000x16xf32, #tpu.memory_space<vmem_shared>>)
      %dma_wait3A_431 = arith.constant 0 : i32
      %dma_wait3A_432 = tpu.memref_slice %arg10[%rem3A_151, %add3A_271, %dma_wait3A_431] : memref<2x12x128xi32, #tpu.memory_space<vmem>> -> memref<1x1x128xi32, #tpu.memory_space<vmem>>
      %dma_wait3A_433 = tpu.memref_squeeze %dma_wait3A_432 : memref<1x1x128xi32, #tpu.memory_space<vmem>> -> memref<128xi32, #tpu.memory_space<vmem>>
      %dma_wait3A_434 = arith.constant 0 : i32
      %dma_wait3A_435 = arith.constant 0 : i32
      %dma_wait3A_436 = tpu.memref_slice %arg9[%dma_wait3A_434, %dma_wait3A_435] : memref<10000x16xf32, #tpu.memory_space<vmem_shared>> -> memref<10000x16xf32, #tpu.memory_space<vmem_shared>>
      tpu.wait_indirect_dma semaphore(%arg16 : memref<!tpu.dma_semaphore, #tpu.memory_space<semaphore_mem>>) src(%arg13 : memref<128x16xf32, #tpu.memory_space<vmem>>) dst(%dma_wait3A_436 : memref<10000x16xf32, #tpu.memory_space<vmem_shared>>)
      %dma_wait3A_437 = arith.constant 3 : i32
      %dma_wait3A_438 = arith.constant 0 : i32
      %dma_wait3A_439 = arith.constant 0 : i32
      %dma_wait3A_440 = tpu.memref_slice %arg12[%rem3A_151, %dma_wait3A_437, %dma_wait3A_438, %dma_wait3A_439] : memref<2x6x128x16xf32, #tpu.memory_space<vmem>> -> memref<1x1x128x16xf32, #tpu.memory_space<vmem>>
      %dma_wait3A_441 = tpu.memref_squeeze %dma_wait3A_440 : memref<1x1x128x16xf32, #tpu.memory_space<vmem>> -> memref<128x16xf32, #tpu.memory_space<vmem>>
      %dma_wait3A_442 = arith.constant 0 : i32
      %dma_wait3A_443 = tpu.memref_slice %arg10[%rem3A_151, %add3A_294, %dma_wait3A_442] : memref<2x12x128xi32, #tpu.memory_space<vmem>> -> memref<1x1x128xi32, #tpu.memory_space<vmem>>
      %dma_wait3A_444 = tpu.memref_squeeze %dma_wait3A_443 : memref<1x1x128xi32, #tpu.memory_space<vmem>> -> memref<128xi32, #tpu.memory_space<vmem>>
      %dma_wait3A_445 = arith.constant 0 : i32
      %dma_wait3A_446 = arith.constant 0 : i32
      %dma_wait3A_447 = tpu.memref_slice %arg8[%dma_wait3A_445, %dma_wait3A_446] : memref<10000x16xf32, #tpu.memory_space<vmem_shared>> -> memref<10000x16xf32, #tpu.memory_space<vmem_shared>>
      tpu.wait_indirect_dma semaphore(%arg15 : memref<!tpu.dma_semaphore, #tpu.memory_space<semaphore_mem>>) src(%dma_wait3A_441 : memref<128x16xf32, #tpu.memory_space<vmem>>) dst(%dma_wait3A_447 : memref<10000x16xf32, #tpu.memory_space<vmem_shared>>)
      %dma_wait3A_448 = arith.constant 0 : i32
      %dma_wait3A_449 = tpu.memref_slice %arg10[%rem3A_151, %add3A_307, %dma_wait3A_448] : memref<2x12x128xi32, #tpu.memory_space<vmem>> -> memref<1x1x128xi32, #tpu.memory_space<vmem>>
      %dma_wait3A_450 = tpu.memref_squeeze %dma_wait3A_449 : memref<1x1x128xi32, #tpu.memory_space<vmem>> -> memref<128xi32, #tpu.memory_space<vmem>>
      %dma_wait3A_451 = arith.constant 0 : i32
      %dma_wait3A_452 = arith.constant 0 : i32
      %dma_wait3A_453 = tpu.memref_slice %arg9[%dma_wait3A_451, %dma_wait3A_452] : memref<10000x16xf32, #tpu.memory_space<vmem_shared>> -> memref<10000x16xf32, #tpu.memory_space<vmem_shared>>
      tpu.wait_indirect_dma semaphore(%arg16 : memref<!tpu.dma_semaphore, #tpu.memory_space<semaphore_mem>>) src(%arg13 : memref<128x16xf32, #tpu.memory_space<vmem>>) dst(%dma_wait3A_453 : memref<10000x16xf32, #tpu.memory_space<vmem_shared>>)
      %dma_wait3A_454 = arith.constant 4 : i32
      %dma_wait3A_455 = arith.constant 0 : i32
      %dma_wait3A_456 = arith.constant 0 : i32
      %dma_wait3A_457 = tpu.memref_slice %arg12[%rem3A_151, %dma_wait3A_454, %dma_wait3A_455, %dma_wait3A_456] : memref<2x6x128x16xf32, #tpu.memory_space<vmem>> -> memref<1x1x128x16xf32, #tpu.memory_space<vmem>>
      %dma_wait3A_458 = tpu.memref_squeeze %dma_wait3A_457 : memref<1x1x128x16xf32, #tpu.memory_space<vmem>> -> memref<128x16xf32, #tpu.memory_space<vmem>>
      %dma_wait3A_459 = arith.constant 0 : i32
      %dma_wait3A_460 = tpu.memref_slice %arg10[%rem3A_151, %add3A_330, %dma_wait3A_459] : memref<2x12x128xi32, #tpu.memory_space<vmem>> -> memref<1x1x128xi32, #tpu.memory_space<vmem>>
      %dma_wait3A_461 = tpu.memref_squeeze %dma_wait3A_460 : memref<1x1x128xi32, #tpu.memory_space<vmem>> -> memref<128xi32, #tpu.memory_space<vmem>>
      %dma_wait3A_462 = arith.constant 0 : i32
      %dma_wait3A_463 = arith.constant 0 : i32
      %dma_wait3A_464 = tpu.memref_slice %arg8[%dma_wait3A_462, %dma_wait3A_463] : memref<10000x16xf32, #tpu.memory_space<vmem_shared>> -> memref<10000x16xf32, #tpu.memory_space<vmem_shared>>
      tpu.wait_indirect_dma semaphore(%arg15 : memref<!tpu.dma_semaphore, #tpu.memory_space<semaphore_mem>>) src(%dma_wait3A_458 : memref<128x16xf32, #tpu.memory_space<vmem>>) dst(%dma_wait3A_464 : memref<10000x16xf32, #tpu.memory_space<vmem_shared>>)
      %dma_wait3A_465 = arith.constant 0 : i32
      %dma_wait3A_466 = tpu.memref_slice %arg10[%rem3A_151, %add3A_343, %dma_wait3A_465] : memref<2x12x128xi32, #tpu.memory_space<vmem>> -> memref<1x1x128xi32, #tpu.memory_space<vmem>>
      %dma_wait3A_467 = tpu.memref_squeeze %dma_wait3A_466 : memref<1x1x128xi32, #tpu.memory_space<vmem>> -> memref<128xi32, #tpu.memory_space<vmem>>
      %dma_wait3A_468 = arith.constant 0 : i32
      %dma_wait3A_469 = arith.constant 0 : i32
      %dma_wait3A_470 = tpu.memref_slice %arg9[%dma_wait3A_468, %dma_wait3A_469] : memref<10000x16xf32, #tpu.memory_space<vmem_shared>> -> memref<10000x16xf32, #tpu.memory_space<vmem_shared>>
      tpu.wait_indirect_dma semaphore(%arg16 : memref<!tpu.dma_semaphore, #tpu.memory_space<semaphore_mem>>) src(%arg13 : memref<128x16xf32, #tpu.memory_space<vmem>>) dst(%dma_wait3A_470 : memref<10000x16xf32, #tpu.memory_space<vmem_shared>>)
      %dma_wait3A_471 = arith.constant 5 : i32
      %dma_wait3A_472 = arith.constant 0 : i32
      %dma_wait3A_473 = arith.constant 0 : i32
      %dma_wait3A_474 = tpu.memref_slice %arg12[%rem3A_151, %dma_wait3A_471, %dma_wait3A_472, %dma_wait3A_473] : memref<2x6x128x16xf32, #tpu.memory_space<vmem>> -> memref<1x1x128x16xf32, #tpu.memory_space<vmem>>
      %dma_wait3A_475 = tpu.memref_squeeze %dma_wait3A_474 : memref<1x1x128x16xf32, #tpu.memory_space<vmem>> -> memref<128x16xf32, #tpu.memory_space<vmem>>
      %dma_wait3A_476 = arith.constant 0 : i32
      %dma_wait3A_477 = tpu.memref_slice %arg10[%rem3A_151, %add3A_366, %dma_wait3A_476] : memref<2x12x128xi32, #tpu.memory_space<vmem>> -> memref<1x1x128xi32, #tpu.memory_space<vmem>>
      %dma_wait3A_478 = tpu.memref_squeeze %dma_wait3A_477 : memref<1x1x128xi32, #tpu.memory_space<vmem>> -> memref<128xi32, #tpu.memory_space<vmem>>
      %dma_wait3A_479 = arith.constant 0 : i32
      %dma_wait3A_480 = arith.constant 0 : i32
      %dma_wait3A_481 = tpu.memref_slice %arg8[%dma_wait3A_479, %dma_wait3A_480] : memref<10000x16xf32, #tpu.memory_space<vmem_shared>> -> memref<10000x16xf32, #tpu.memory_space<vmem_shared>>
      tpu.wait_indirect_dma semaphore(%arg15 : memref<!tpu.dma_semaphore, #tpu.memory_space<semaphore_mem>>) src(%dma_wait3A_475 : memref<128x16xf32, #tpu.memory_space<vmem>>) dst(%dma_wait3A_481 : memref<10000x16xf32, #tpu.memory_space<vmem_shared>>)
      %dma_wait3A_482 = arith.constant 0 : i32
      %dma_wait3A_483 = tpu.memref_slice %arg10[%rem3A_151, %add3A_379, %dma_wait3A_482] : memref<2x12x128xi32, #tpu.memory_space<vmem>> -> memref<1x1x128xi32, #tpu.memory_space<vmem>>
      %dma_wait3A_484 = tpu.memref_squeeze %dma_wait3A_483 : memref<1x1x128xi32, #tpu.memory_space<vmem>> -> memref<128xi32, #tpu.memory_space<vmem>>
      %dma_wait3A_485 = arith.constant 0 : i32
      %dma_wait3A_486 = arith.constant 0 : i32
      %dma_wait3A_487 = tpu.memref_slice %arg9[%dma_wait3A_485, %dma_wait3A_486] : memref<10000x16xf32, #tpu.memory_space<vmem_shared>> -> memref<10000x16xf32, #tpu.memory_space<vmem_shared>>
      tpu.wait_indirect_dma semaphore(%arg16 : memref<!tpu.dma_semaphore, #tpu.memory_space<semaphore_mem>>) src(%arg13 : memref<128x16xf32, #tpu.memory_space<vmem>>) dst(%dma_wait3A_487 : memref<10000x16xf32, #tpu.memory_space<vmem_shared>>)
    }
    %scan3A_134 = arith.constant 13 : i32
    %lt3A = arith.constant 4 : i32
    %lt3A_135 = arith.cmpi slt, %arg1, %lt3A : i32
    %eq3A_136 = arith.constant 0 : i32
    %eq3A_137 = arith.cmpi eq, %arg0, %eq3A_136 : i32
    %and3A = arith.andi %lt3A_135, %eq3A_137 : i1
    %convert_element_type3A_138 = arith.extui %and3A : i1 to i32
    %cond3A_139 = arith.constant 0 : i32
    %cond3A_140 = arith.cmpi ne, %convert_element_type3A_138, %cond3A_139 : i32
    scf.if %cond3A_140 {
      %add3A_147 = arith.constant 2496 : i32
      %add3A_148 = arith.addi %add3A_147, %arg1 : i32
      %mul3A_149 = arith.constant 128 : i32
      %mul3A_150 = arith.muli %add3A_148, %mul3A_149 : i32
      "tpu.region"() ({
        %run_scoped3A_156 = tpu.sem_alloc : memref<!tpu.dma_semaphore, #tpu.memory_space<semaphore_mem>>
        %dma_start3A_157 = arith.constant 0 : i32
        %dma_start3A_158 = tpu.memref_slice %arg3[%add3A_148, %dma_start3A_157] : memref<2500x128xi32, #tpu.memory_space<hbm>> -> memref<1x128xi32, #tpu.memory_space<hbm>>
        %dma_start3A_159 = arith.constant 0 : i32
        %dma_start3A_160 = tpu.memref_slice %arg3[%add3A_148, %dma_start3A_159] : memref<2500x128xi32, #tpu.memory_space<hbm>> -> memref<1x128xi32, #tpu.memory_space<hbm>>
        tpu.enqueue_dma source(%dma_start3A_160 : memref<1x128xi32, #tpu.memory_space<hbm>>) target(%arg11 : memref<1x128xi32, #tpu.memory_space<vmem>>) target_semaphore(%run_scoped3A_156 : memref<!tpu.dma_semaphore, #tpu.memory_space<semaphore_mem>>)
        %dma_wait3A = arith.constant 0 : i32
        %dma_wait3A_161 = tpu.memref_slice %arg3[%add3A_148, %dma_wait3A] : memref<2500x128xi32, #tpu.memory_space<hbm>> -> memref<1x128xi32, #tpu.memory_space<hbm>>
        %dma_wait3A_162 = arith.constant 0 : i32
        %dma_wait3A_163 = tpu.memref_slice %arg3[%add3A_148, %dma_wait3A_162] : memref<2500x128xi32, #tpu.memory_space<hbm>> -> memref<1x128xi32, #tpu.memory_space<hbm>>
        tpu.wait_dma2 semaphore(%run_scoped3A_156 : memref<!tpu.dma_semaphore, #tpu.memory_space<semaphore_mem>>) src(%dma_wait3A_163 : memref<1x128xi32, #tpu.memory_space<hbm>>) dst(%arg11 : memref<1x128xi32, #tpu.memory_space<vmem>>)
        tpu.yield
      }) : () -> ()
      %run_scoped3A = arith.constant 0 : i32
      %run_scoped3A_151 = arith.constant 0 : i32
      "tpu.region"() ({
        %run_scoped3A_156 = tpu.sem_alloc : memref<!tpu.dma_semaphore, #tpu.memory_space<semaphore_mem>>
        %dma_start3A_157 = arith.constant 0 : i32
        %dma_start3A_158 = arith.constant 0 : i32
        %dma_start3A_159 = tpu.memref_slice %arg12[%run_scoped3A, %run_scoped3A_151, %dma_start3A_157, %dma_start3A_158] : memref<2x6x128x16xf32, #tpu.memory_space<vmem>> -> memref<1x1x128x16xf32, #tpu.memory_space<vmem>>
        %dma_start3A_160 = tpu.memref_squeeze %dma_start3A_159 : memref<1x1x128x16xf32, #tpu.memory_space<vmem>> -> memref<128x16xf32, #tpu.memory_space<vmem>>
        %dma_start3A_161 = arith.constant 0 : i32
        %dma_start3A_162 = tpu.memref_slice %arg2[%mul3A_150, %dma_start3A_161] : memref<320000x16xf32, #tpu.memory_space<hbm>> -> memref<128x16xf32, #tpu.memory_space<hbm>>
        %dma_start3A_163 = arith.constant 0 : i32
        %dma_start3A_164 = arith.constant 0 : i32
        %dma_start3A_165 = tpu.memref_slice %arg12[%run_scoped3A, %run_scoped3A_151, %dma_start3A_163, %dma_start3A_164] : memref<2x6x128x16xf32, #tpu.memory_space<vmem>> -> memref<1x1x128x16xf32, #tpu.memory_space<vmem>>
        %dma_start3A_166 = tpu.memref_squeeze %dma_start3A_165 : memref<1x1x128x16xf32, #tpu.memory_space<vmem>> -> memref<128x16xf32, #tpu.memory_space<vmem>>
        %dma_start3A_167 = arith.constant 0 : i32
        %dma_start3A_168 = tpu.memref_slice %arg2[%mul3A_150, %dma_start3A_167] : memref<320000x16xf32, #tpu.memory_space<hbm>> -> memref<128x16xf32, #tpu.memory_space<hbm>>
        tpu.enqueue_dma source(%dma_start3A_168 : memref<128x16xf32, #tpu.memory_space<hbm>>) target(%dma_start3A_166 : memref<128x16xf32, #tpu.memory_space<vmem>>) target_semaphore(%run_scoped3A_156 : memref<!tpu.dma_semaphore, #tpu.memory_space<semaphore_mem>>)
        %dma_wait3A = arith.constant 0 : i32
        %dma_wait3A_169 = arith.constant 0 : i32
        %dma_wait3A_170 = tpu.memref_slice %arg12[%run_scoped3A, %run_scoped3A_151, %dma_wait3A, %dma_wait3A_169] : memref<2x6x128x16xf32, #tpu.memory_space<vmem>> -> memref<1x1x128x16xf32, #tpu.memory_space<vmem>>
        %dma_wait3A_171 = tpu.memref_squeeze %dma_wait3A_170 : memref<1x1x128x16xf32, #tpu.memory_space<vmem>> -> memref<128x16xf32, #tpu.memory_space<vmem>>
        %dma_wait3A_172 = arith.constant 0 : i32
        %dma_wait3A_173 = tpu.memref_slice %arg2[%mul3A_150, %dma_wait3A_172] : memref<320000x16xf32, #tpu.memory_space<hbm>> -> memref<128x16xf32, #tpu.memory_space<hbm>>
        %dma_wait3A_174 = arith.constant 0 : i32
        %dma_wait3A_175 = arith.constant 0 : i32
        %dma_wait3A_176 = tpu.memref_slice %arg12[%run_scoped3A, %run_scoped3A_151, %dma_wait3A_174, %dma_wait3A_175] : memref<2x6x128x16xf32, #tpu.memory_space<vmem>> -> memref<1x1x128x16xf32, #tpu.memory_space<vmem>>
        %dma_wait3A_177 = tpu.memref_squeeze %dma_wait3A_176 : memref<1x1x128x16xf32, #tpu.memory_space<vmem>> -> memref<128x16xf32, #tpu.memory_space<vmem>>
        %dma_wait3A_178 = arith.constant 0 : i32
        %dma_wait3A_179 = tpu.memref_slice %arg2[%mul3A_150, %dma_wait3A_178] : memref<320000x16xf32, #tpu.memory_space<hbm>> -> memref<128x16xf32, #tpu.memory_space<hbm>>
        tpu.wait_dma2 semaphore(%run_scoped3A_156 : memref<!tpu.dma_semaphore, #tpu.memory_space<semaphore_mem>>) src(%dma_wait3A_179 : memref<128x16xf32, #tpu.memory_space<hbm>>) dst(%dma_wait3A_177 : memref<128x16xf32, #tpu.memory_space<vmem>>)
        tpu.yield
      }) : () -> ()
      %run_scoped3A_152 = arith.constant 0 : i32
      %run_scoped3A_153 = arith.constant 0 : i32
      %run_scoped3A_154 = arith.constant 0 : i32
      "tpu.region"() ({
        %run_scoped3A_156 = tpu.sem_alloc : memref<!tpu.dma_semaphore, #tpu.memory_space<semaphore_mem>>
        %dma_start3A_157 = arith.constant 0 : i32
        %dma_start3A_158 = arith.constant 0 : i32
        %dma_start3A_159 = tpu.memref_slice %arg12[%run_scoped3A_152, %run_scoped3A_153, %dma_start3A_157, %dma_start3A_158] : memref<2x6x128x16xf32, #tpu.memory_space<vmem>> -> memref<1x1x128x16xf32, #tpu.memory_space<vmem>>
        %dma_start3A_160 = tpu.memref_squeeze %dma_start3A_159 : memref<1x1x128x16xf32, #tpu.memory_space<vmem>> -> memref<128x16xf32, #tpu.memory_space<vmem>>
        %dma_start3A_161 = arith.constant 0 : i32
        %dma_start3A_162 = tpu.memref_slice %arg11[%run_scoped3A_154, %dma_start3A_161] : memref<1x128xi32, #tpu.memory_space<vmem>> -> memref<1x128xi32, #tpu.memory_space<vmem>>
        %dma_start3A_163 = tpu.memref_squeeze %dma_start3A_162 : memref<1x128xi32, #tpu.memory_space<vmem>> -> memref<128xi32, #tpu.memory_space<vmem>>
        %dma_start3A_164 = arith.constant 0 : i32
        %dma_start3A_165 = arith.constant 0 : i32
        %dma_start3A_166 = tpu.memref_slice %arg8[%dma_start3A_164, %dma_start3A_165] : memref<10000x16xf32, #tpu.memory_space<vmem_shared>> -> memref<10000x16xf32, #tpu.memory_space<vmem_shared>>
        tpu.enqueue_indirect_dma source(%dma_start3A_160 : memref<128x16xf32, #tpu.memory_space<vmem>>) target(%dma_start3A_166 : memref<10000x16xf32, #tpu.memory_space<vmem_shared>>) offsets(%dma_start3A_163 : memref<128xi32, #tpu.memory_space<vmem>>) semaphore(%run_scoped3A_156 : memref<!tpu.dma_semaphore, #tpu.memory_space<semaphore_mem>>) {add = true}
        %dma_wait3A = arith.constant 0 : i32
        %dma_wait3A_167 = arith.constant 0 : i32
        %dma_wait3A_168 = tpu.memref_slice %arg12[%run_scoped3A_152, %run_scoped3A_153, %dma_wait3A, %dma_wait3A_167] : memref<2x6x128x16xf32, #tpu.memory_space<vmem>> -> memref<1x1x128x16xf32, #tpu.memory_space<vmem>>
        %dma_wait3A_169 = tpu.memref_squeeze %dma_wait3A_168 : memref<1x1x128x16xf32, #tpu.memory_space<vmem>> -> memref<128x16xf32, #tpu.memory_space<vmem>>
        %dma_wait3A_170 = arith.constant 0 : i32
        %dma_wait3A_171 = tpu.memref_slice %arg11[%run_scoped3A_154, %dma_wait3A_170] : memref<1x128xi32, #tpu.memory_space<vmem>> -> memref<1x128xi32, #tpu.memory_space<vmem>>
        %dma_wait3A_172 = tpu.memref_squeeze %dma_wait3A_171 : memref<1x128xi32, #tpu.memory_space<vmem>> -> memref<128xi32, #tpu.memory_space<vmem>>
        %dma_wait3A_173 = arith.constant 0 : i32
        %dma_wait3A_174 = arith.constant 0 : i32
        %dma_wait3A_175 = tpu.memref_slice %arg8[%dma_wait3A_173, %dma_wait3A_174] : memref<10000x16xf32, #tpu.memory_space<vmem_shared>> -> memref<10000x16xf32, #tpu.memory_space<vmem_shared>>
        tpu.wait_indirect_dma semaphore(%run_scoped3A_156 : memref<!tpu.dma_semaphore, #tpu.memory_space<semaphore_mem>>) src(%dma_wait3A_169 : memref<128x16xf32, #tpu.memory_space<vmem>>) dst(%dma_wait3A_175 : memref<10000x16xf32, #tpu.memory_space<vmem_shared>>)
        tpu.yield
      }) : () -> ()
      %run_scoped3A_155 = arith.constant 0 : i32
      "tpu.region"() ({
        %run_scoped3A_156 = tpu.sem_alloc : memref<!tpu.dma_semaphore, #tpu.memory_space<semaphore_mem>>
        %dma_start3A_157 = arith.constant 0 : i32
        %dma_start3A_158 = tpu.memref_slice %arg11[%run_scoped3A_155, %dma_start3A_157] : memref<1x128xi32, #tpu.memory_space<vmem>> -> memref<1x128xi32, #tpu.memory_space<vmem>>
        %dma_start3A_159 = tpu.memref_squeeze %dma_start3A_158 : memref<1x128xi32, #tpu.memory_space<vmem>> -> memref<128xi32, #tpu.memory_space<vmem>>
        %dma_start3A_160 = arith.constant 0 : i32
        %dma_start3A_161 = arith.constant 0 : i32
        %dma_start3A_162 = tpu.memref_slice %arg9[%dma_start3A_160, %dma_start3A_161] : memref<10000x16xf32, #tpu.memory_space<vmem_shared>> -> memref<10000x16xf32, #tpu.memory_space<vmem_shared>>
        tpu.enqueue_indirect_dma source(%arg13 : memref<128x16xf32, #tpu.memory_space<vmem>>) target(%dma_start3A_162 : memref<10000x16xf32, #tpu.memory_space<vmem_shared>>) offsets(%dma_start3A_159 : memref<128xi32, #tpu.memory_space<vmem>>) semaphore(%run_scoped3A_156 : memref<!tpu.dma_semaphore, #tpu.memory_space<semaphore_mem>>) {add = true}
        %dma_wait3A = arith.constant 0 : i32
        %dma_wait3A_163 = tpu.memref_slice %arg11[%run_scoped3A_155, %dma_wait3A] : memref<1x128xi32, #tpu.memory_space<vmem>> -> memref<1x128xi32, #tpu.memory_space<vmem>>
        %dma_wait3A_164 = tpu.memref_squeeze %dma_wait3A_163 : memref<1x128xi32, #tpu.memory_space<vmem>> -> memref<128xi32, #tpu.memory_space<vmem>>
        %dma_wait3A_165 = arith.constant 0 : i32
        %dma_wait3A_166 = arith.constant 0 : i32
        %dma_wait3A_167 = tpu.memref_slice %arg9[%dma_wait3A_165, %dma_wait3A_166] : memref<10000x16xf32, #tpu.memory_space<vmem_shared>> -> memref<10000x16xf32, #tpu.memory_space<vmem_shared>>
        tpu.wait_indirect_dma semaphore(%run_scoped3A_156 : memref<!tpu.dma_semaphore, #tpu.memory_space<semaphore_mem>>) src(%arg13 : memref<128x16xf32, #tpu.memory_space<vmem>>) dst(%dma_wait3A_167 : memref<10000x16xf32, #tpu.memory_space<vmem_shared>>)
        tpu.yield
      }) : () -> ()
    } else {
    }
    %barrier3A_141 = arith.constant 0 : index
    tpu.barrier barrier_id(%barrier3A_141)
    "tpu.region"() ({
      %run_scoped3A = tpu.sem_alloc : memref<!tpu.dma_semaphore, #tpu.memory_space<semaphore_mem>>
      %dma_start3A_147 = arith.constant 0 : i32
      %dma_start3A_148 = tpu.memref_slice %arg6[%arg0, %mul3A_0, %dma_start3A_147] : memref<2x10000x16xf32, #tpu.memory_space<hbm>> -> memref<1x624x16xf32, #tpu.memory_space<hbm>>
      %dma_start3A_149 = tpu.memref_squeeze %dma_start3A_148 : memref<1x624x16xf32, #tpu.memory_space<hbm>> -> memref<624x16xf32, #tpu.memory_space<hbm>>
      %dma_start3A_150 = arith.constant 0 : i32
      %dma_start3A_151 = tpu.memref_slice %arg8[%mul3A_0, %dma_start3A_150] : memref<10000x16xf32, #tpu.memory_space<vmem_shared>> -> memref<624x16xf32, #tpu.memory_space<vmem_shared>>
      tpu.enqueue_dma source(%dma_start3A_151 : memref<624x16xf32, #tpu.memory_space<vmem_shared>>) target(%dma_start3A_149 : memref<624x16xf32, #tpu.memory_space<hbm>>) target_semaphore(%run_scoped3A : memref<!tpu.dma_semaphore, #tpu.memory_space<semaphore_mem>>)
      %dma_wait3A = arith.constant 0 : i32
      %dma_wait3A_152 = tpu.memref_slice %arg6[%arg0, %mul3A_0, %dma_wait3A] : memref<2x10000x16xf32, #tpu.memory_space<hbm>> -> memref<1x624x16xf32, #tpu.memory_space<hbm>>
      %dma_wait3A_153 = tpu.memref_squeeze %dma_wait3A_152 : memref<1x624x16xf32, #tpu.memory_space<hbm>> -> memref<624x16xf32, #tpu.memory_space<hbm>>
      %dma_wait3A_154 = arith.constant 0 : i32
      %dma_wait3A_155 = tpu.memref_slice %arg8[%mul3A_0, %dma_wait3A_154] : memref<10000x16xf32, #tpu.memory_space<vmem_shared>> -> memref<624x16xf32, #tpu.memory_space<vmem_shared>>
      tpu.wait_dma2 semaphore(%run_scoped3A : memref<!tpu.dma_semaphore, #tpu.memory_space<semaphore_mem>>) src(%dma_wait3A_155 : memref<624x16xf32, #tpu.memory_space<vmem_shared>>) dst(%dma_wait3A_153 : memref<624x16xf32, #tpu.memory_space<hbm>>)
      tpu.yield
    }) : () -> ()
    "tpu.region"() ({
      %run_scoped3A = tpu.sem_alloc : memref<!tpu.dma_semaphore, #tpu.memory_space<semaphore_mem>>
      %dma_start3A_147 = arith.constant 0 : i32
      %dma_start3A_148 = tpu.memref_slice %arg7[%arg0, %mul3A_0, %dma_start3A_147] : memref<2x10000x16xf32, #tpu.memory_space<hbm>> -> memref<1x624x16xf32, #tpu.memory_space<hbm>>
      %dma_start3A_149 = tpu.memref_squeeze %dma_start3A_148 : memref<1x624x16xf32, #tpu.memory_space<hbm>> -> memref<624x16xf32, #tpu.memory_space<hbm>>
      %dma_start3A_150 = arith.constant 0 : i32
      %dma_start3A_151 = tpu.memref_slice %arg9[%mul3A_0, %dma_start3A_150] : memref<10000x16xf32, #tpu.memory_space<vmem_shared>> -> memref<624x16xf32, #tpu.memory_space<vmem_shared>>
      tpu.enqueue_dma source(%dma_start3A_151 : memref<624x16xf32, #tpu.memory_space<vmem_shared>>) target(%dma_start3A_149 : memref<624x16xf32, #tpu.memory_space<hbm>>) target_semaphore(%run_scoped3A : memref<!tpu.dma_semaphore, #tpu.memory_space<semaphore_mem>>)
      %dma_wait3A = arith.constant 0 : i32
      %dma_wait3A_152 = tpu.memref_slice %arg7[%arg0, %mul3A_0, %dma_wait3A] : memref<2x10000x16xf32, #tpu.memory_space<hbm>> -> memref<1x624x16xf32, #tpu.memory_space<hbm>>
      %dma_wait3A_153 = tpu.memref_squeeze %dma_wait3A_152 : memref<1x624x16xf32, #tpu.memory_space<hbm>> -> memref<624x16xf32, #tpu.memory_space<hbm>>
      %dma_wait3A_154 = arith.constant 0 : i32
      %dma_wait3A_155 = tpu.memref_slice %arg9[%mul3A_0, %dma_wait3A_154] : memref<10000x16xf32, #tpu.memory_space<vmem_shared>> -> memref<624x16xf32, #tpu.memory_space<vmem_shared>>
      tpu.wait_dma2 semaphore(%run_scoped3A : memref<!tpu.dma_semaphore, #tpu.memory_space<semaphore_mem>>) src(%dma_wait3A_155 : memref<624x16xf32, #tpu.memory_space<vmem_shared>>) dst(%dma_wait3A_153 : memref<624x16xf32, #tpu.memory_space<hbm>>)
      tpu.yield
    }) : () -> ()
    %eq3A_142 = arith.constant 0 : i32
    %eq3A_143 = arith.cmpi eq, %arg1, %eq3A_142 : i32
    %convert_element_type3A_144 = arith.extui %eq3A_143 : i1 to i32
    %cond3A_145 = arith.constant 0 : i32
    %cond3A_146 = arith.cmpi ne, %convert_element_type3A_144, %cond3A_145 : i32
    scf.if %cond3A_146 {
      "tpu.region"() ({
        %run_scoped3A = tpu.sem_alloc : memref<!tpu.dma_semaphore, #tpu.memory_space<semaphore_mem>>
        %dma_start3A_147 = arith.constant 9984 : i32
        %dma_start3A_148 = arith.constant 0 : i32
        %dma_start3A_149 = tpu.memref_slice %arg6[%arg0, %dma_start3A_147, %dma_start3A_148] : memref<2x10000x16xf32, #tpu.memory_space<hbm>> -> memref<1x16x16xf32, #tpu.memory_space<hbm>>
        %dma_start3A_150 = tpu.memref_squeeze %dma_start3A_149 : memref<1x16x16xf32, #tpu.memory_space<hbm>> -> memref<16x16xf32, #tpu.memory_space<hbm>>
        %dma_start3A_151 = arith.constant 9984 : i32
        %dma_start3A_152 = arith.constant 0 : i32
        %dma_start3A_153 = tpu.memref_slice %arg8[%dma_start3A_151, %dma_start3A_152] : memref<10000x16xf32, #tpu.memory_space<vmem_shared>> -> memref<16x16xf32, #tpu.memory_space<vmem_shared>>
        tpu.enqueue_dma source(%dma_start3A_153 : memref<16x16xf32, #tpu.memory_space<vmem_shared>>) target(%dma_start3A_150 : memref<16x16xf32, #tpu.memory_space<hbm>>) target_semaphore(%run_scoped3A : memref<!tpu.dma_semaphore, #tpu.memory_space<semaphore_mem>>)
        %dma_wait3A = arith.constant 9984 : i32
        %dma_wait3A_154 = arith.constant 0 : i32
        %dma_wait3A_155 = tpu.memref_slice %arg6[%arg0, %dma_wait3A, %dma_wait3A_154] : memref<2x10000x16xf32, #tpu.memory_space<hbm>> -> memref<1x16x16xf32, #tpu.memory_space<hbm>>
        %dma_wait3A_156 = tpu.memref_squeeze %dma_wait3A_155 : memref<1x16x16xf32, #tpu.memory_space<hbm>> -> memref<16x16xf32, #tpu.memory_space<hbm>>
        %dma_wait3A_157 = arith.constant 9984 : i32
        %dma_wait3A_158 = arith.constant 0 : i32
        %dma_wait3A_159 = tpu.memref_slice %arg8[%dma_wait3A_157, %dma_wait3A_158] : memref<10000x16xf32, #tpu.memory_space<vmem_shared>> -> memref<16x16xf32, #tpu.memory_space<vmem_shared>>
        tpu.wait_dma2 semaphore(%run_scoped3A : memref<!tpu.dma_semaphore, #tpu.memory_space<semaphore_mem>>) src(%dma_wait3A_159 : memref<16x16xf32, #tpu.memory_space<vmem_shared>>) dst(%dma_wait3A_156 : memref<16x16xf32, #tpu.memory_space<hbm>>)
        tpu.yield
      }) : () -> ()
      "tpu.region"() ({
        %run_scoped3A = tpu.sem_alloc : memref<!tpu.dma_semaphore, #tpu.memory_space<semaphore_mem>>
        %dma_start3A_147 = arith.constant 9984 : i32
        %dma_start3A_148 = arith.constant 0 : i32
        %dma_start3A_149 = tpu.memref_slice %arg7[%arg0, %dma_start3A_147, %dma_start3A_148] : memref<2x10000x16xf32, #tpu.memory_space<hbm>> -> memref<1x16x16xf32, #tpu.memory_space<hbm>>
        %dma_start3A_150 = tpu.memref_squeeze %dma_start3A_149 : memref<1x16x16xf32, #tpu.memory_space<hbm>> -> memref<16x16xf32, #tpu.memory_space<hbm>>
        %dma_start3A_151 = arith.constant 9984 : i32
        %dma_start3A_152 = arith.constant 0 : i32
        %dma_start3A_153 = tpu.memref_slice %arg9[%dma_start3A_151, %dma_start3A_152] : memref<10000x16xf32, #tpu.memory_space<vmem_shared>> -> memref<16x16xf32, #tpu.memory_space<vmem_shared>>
        tpu.enqueue_dma source(%dma_start3A_153 : memref<16x16xf32, #tpu.memory_space<vmem_shared>>) target(%dma_start3A_150 : memref<16x16xf32, #tpu.memory_space<hbm>>) target_semaphore(%run_scoped3A : memref<!tpu.dma_semaphore, #tpu.memory_space<semaphore_mem>>)
        %dma_wait3A = arith.constant 9984 : i32
        %dma_wait3A_154 = arith.constant 0 : i32
        %dma_wait3A_155 = tpu.memref_slice %arg7[%arg0, %dma_wait3A, %dma_wait3A_154] : memref<2x10000x16xf32, #tpu.memory_space<hbm>> -> memref<1x16x16xf32, #tpu.memory_space<hbm>>
        %dma_wait3A_156 = tpu.memref_squeeze %dma_wait3A_155 : memref<1x16x16xf32, #tpu.memory_space<hbm>> -> memref<16x16xf32, #tpu.memory_space<hbm>>
        %dma_wait3A_157 = arith.constant 9984 : i32
        %dma_wait3A_158 = arith.constant 0 : i32
        %dma_wait3A_159 = tpu.memref_slice %arg9[%dma_wait3A_157, %dma_wait3A_158] : memref<10000x16xf32, #tpu.memory_space<vmem_shared>> -> memref<16x16xf32, #tpu.memory_space<vmem_shared>>
        tpu.wait_dma2 semaphore(%run_scoped3A : memref<!tpu.dma_semaphore, #tpu.memory_space<semaphore_mem>>) src(%dma_wait3A_159 : memref<16x16xf32, #tpu.memory_space<vmem_shared>>) dst(%dma_wait3A_156 : memref<16x16xf32, #tpu.memory_space<hbm>>)
        tpu.yield
      }) : () -> ()
    } else {
    }
    return
  }
}

module attributes {stable_mosaic.version = 14 : i64} {
  func.func @body(%arg0: i32, %arg1: memref<2x1000x64xf32, #tpu.memory_space<vmem>>, %arg2: memref<2x1000x16xf32, #tpu.memory_space<vmem>>, %arg3: memref<2x1000x16xf32, #tpu.memory_space<vmem>>, %arg4: memref<128x128xf32, #tpu.memory_space<vmem>>, %arg5: memref<16x128xf32, #tpu.memory_space<vmem>>, %arg6: memref<1x128xf32, #tpu.memory_space<vmem>>, %arg7: memref<1x128xf32, #tpu.memory_space<vmem>>, %arg8: memref<1000x128xf32, #tpu.memory_space<vmem>>) attributes {dimension_semantics = [#tpu.dimension_semantics<arbitrary>], iteration_bounds = array<i64: 10>, scalar_prefetch = 0 : i64, scratch_operands = 0 : i64, tpu.core_type = #tpu.core_type<tc>, window_params = [{transform_indices = @transform_0, window_bounds = array<i64: 2, 1000, 64>}, {transform_indices = @transform_1, window_bounds = array<i64: 2, 1000, 16>}, {transform_indices = @transform_2, window_bounds = array<i64: 2, 1000, 16>}, {pipeline_mode = #tpu.pipeline_mode<synchronous>, transform_indices = @transform_3, window_bounds = array<i64: 128, 128>}, {pipeline_mode = #tpu.pipeline_mode<synchronous>, transform_indices = @transform_4, window_bounds = array<i64: 16, 128>}, {pipeline_mode = #tpu.pipeline_mode<synchronous>, transform_indices = @transform_5, window_bounds = array<i64: 1, 128>}, {pipeline_mode = #tpu.pipeline_mode<synchronous>, transform_indices = @transform_6, window_bounds = array<i64: 1, 128>}, {transform_indices = @transform_7, window_bounds = array<i64: 1000, 128>}]} {
    %get3A = arith.constant 0 : index
    %get3A_0 = arith.constant 0 : index
    %get3A_1 = vector.load %arg4[%get3A, %get3A_0] : memref<128x128xf32, #tpu.memory_space<vmem>>, vector<128x128xf32>
    %get3A_2 = arith.constant 0 : index
    %get3A_3 = arith.constant 0 : index
    %get3A_4 = arith.constant 0 : index
    %get3A_5 = vector.load %arg3[%get3A_2, %get3A_3, %get3A_4] : memref<2x1000x16xf32, #tpu.memory_space<vmem>>, vector<1x1000x16xf32>
    %get3A_6 = vector.shape_cast %get3A_5 : vector<1x1000x16xf32> to vector<1000x16xf32>
    %slice3A = vector.extract_strided_slice %get3A_6 {offsets = [0, 0], sizes = [1000, 1], strides = [1, 1]} : vector<1000x16xf32> to vector<1000x1xf32>
    %get3A_7 = arith.constant 1 : index
    %get3A_8 = arith.constant 0 : index
    %get3A_9 = arith.constant 0 : index
    %get3A_10 = vector.load %arg3[%get3A_7, %get3A_8, %get3A_9] : memref<2x1000x16xf32, #tpu.memory_space<vmem>>, vector<1x1000x16xf32>
    %get3A_11 = vector.shape_cast %get3A_10 : vector<1x1000x16xf32> to vector<1000x16xf32>
    %slice3A_12 = vector.extract_strided_slice %get3A_11 {offsets = [0, 0], sizes = [1000, 1], strides = [1, 1]} : vector<1000x16xf32> to vector<1000x1xf32>
    %add3A = arith.addf %slice3A, %slice3A_12 : vector<1000x1xf32>
    %get3A_13 = arith.constant 0 : index
    %get3A_14 = arith.constant 0 : index
    %get3A_15 = arith.constant 0 : index
    %get3A_16 = vector.load %arg1[%get3A_13, %get3A_14, %get3A_15] : memref<2x1000x64xf32, #tpu.memory_space<vmem>>, vector<1x1000x64xf32>
    %get3A_17 = vector.shape_cast %get3A_16 : vector<1x1000x64xf32> to vector<1000x64xf32>
    %slice3A_18 = vector.extract_strided_slice %get3A_1 {offsets = [0, 0], sizes = [64, 128], strides = [1, 1]} : vector<128x128xf32> to vector<64x128xf32>
    %dot_general3A = arith.constant dense<0.000000e+00> : vector<1000x128xf32>
    %dot_general3A_19 = tpu.matmul %get3A_17, %slice3A_18, %dot_general3A {dimension_numbers = #tpu.dot_dimension_numbers<[1], [0], [0], [1], [0, 0, 1, 1], [], []>, transpose_lhs_hint = false} : vector<1000x64xf32>, vector<64x128xf32>, vector<1000x128xf32> -> vector<1000x128xf32>
    %get3A_20 = arith.constant 1 : index
    %get3A_21 = arith.constant 0 : index
    %get3A_22 = arith.constant 0 : index
    %get3A_23 = vector.load %arg1[%get3A_20, %get3A_21, %get3A_22] : memref<2x1000x64xf32, #tpu.memory_space<vmem>>, vector<1x1000x64xf32>
    %get3A_24 = vector.shape_cast %get3A_23 : vector<1x1000x64xf32> to vector<1000x64xf32>
    %slice3A_25 = vector.extract_strided_slice %get3A_1 {offsets = [64, 0], sizes = [64, 128], strides = [1, 1]} : vector<128x128xf32> to vector<64x128xf32>
    %dot_general3A_26 = arith.constant dense<0.000000e+00> : vector<1000x128xf32>
    %dot_general3A_27 = tpu.matmul %get3A_24, %slice3A_25, %dot_general3A_26 {dimension_numbers = #tpu.dot_dimension_numbers<[1], [0], [0], [1], [0, 0, 1, 1], [], []>, transpose_lhs_hint = false} : vector<1000x64xf32>, vector<64x128xf32>, vector<1000x128xf32> -> vector<1000x128xf32>
    %add3A_28 = arith.addf %dot_general3A_19, %dot_general3A_27 : vector<1000x128xf32>
    %get3A_29 = arith.constant 0 : index
    %get3A_30 = arith.constant 0 : index
    %get3A_31 = arith.constant 0 : index
    %get3A_32 = vector.load %arg2[%get3A_29, %get3A_30, %get3A_31] : memref<2x1000x16xf32, #tpu.memory_space<vmem>>, vector<1x1000x16xf32>
    %get3A_33 = vector.shape_cast %get3A_32 : vector<1x1000x16xf32> to vector<1000x16xf32>
    %get3A_34 = arith.constant 1 : index
    %get3A_35 = arith.constant 0 : index
    %get3A_36 = arith.constant 0 : index
    %get3A_37 = vector.load %arg2[%get3A_34, %get3A_35, %get3A_36] : memref<2x1000x16xf32, #tpu.memory_space<vmem>>, vector<1x1000x16xf32>
    %get3A_38 = vector.shape_cast %get3A_37 : vector<1x1000x16xf32> to vector<1000x16xf32>
    %add3A_39 = arith.addf %get3A_33, %get3A_38 : vector<1000x16xf32>
    %get3A_40 = arith.constant 0 : index
    %get3A_41 = arith.constant 0 : index
    %get3A_42 = vector.load %arg5[%get3A_40, %get3A_41] : memref<16x128xf32, #tpu.memory_space<vmem>>, vector<16x128xf32>
    %dot_general3A_43 = arith.constant dense<0.000000e+00> : vector<1000x128xf32>
    %dot_general3A_44 = tpu.matmul %add3A_39, %get3A_42, %dot_general3A_43 {dimension_numbers = #tpu.dot_dimension_numbers<[1], [0], [0], [1], [0, 0, 1, 1], [], []>, transpose_lhs_hint = false} : vector<1000x16xf32>, vector<16x128xf32>, vector<1000x128xf32> -> vector<1000x128xf32>
    %add3A_45 = arith.addf %add3A_28, %dot_general3A_44 : vector<1000x128xf32>
    %get3A_46 = arith.constant 0 : index
    %get3A_47 = arith.constant 0 : index
    %get3A_48 = vector.load %arg6[%get3A_46, %get3A_47] : memref<1x128xf32, #tpu.memory_space<vmem>>, vector<1x128xf32>
    %get3A_49 = arith.constant 0 : index
    %get3A_50 = arith.constant 0 : index
    %get3A_51 = vector.load %arg7[%get3A_49, %get3A_50] : memref<1x128xf32, #tpu.memory_space<vmem>>, vector<1x128xf32>
    %add3A_52 = arith.addf %get3A_48, %get3A_51 : vector<1x128xf32>
    %mul3A = vector.broadcast %add3A : vector<1000x1xf32> to vector<1000x128xf32>
    %mul3A_53 = vector.broadcast %add3A_52 : vector<1x128xf32> to vector<1000x128xf32>
    %mul3A_54 = arith.mulf %mul3A, %mul3A_53 : vector<1000x128xf32>
    %add3A_55 = arith.addf %add3A_45, %mul3A_54 : vector<1000x128xf32>
    %swap3A = arith.constant 0 : index
    %swap3A_56 = arith.constant 0 : index
    %swap3A_57 = vector.load %arg8[%swap3A, %swap3A_56] : memref<1000x128xf32, #tpu.memory_space<vmem>>, vector<1000x128xf32>
    tpu.vector_store %arg8[%swap3A, %swap3A_56], %add3A_55 {strides = array<i32>} : memref<1000x128xf32, #tpu.memory_space<vmem>>, vector<1000x128xf32>,
    return
  }
  func.func @transform_0(%arg0: i32) -> (i32, i32, i32) {
    %c0_i32 = arith.constant 0 : i32
    %c0_i32_0 = arith.constant 0 : i32
    %c0_i32_1 = arith.constant 0 : i32
    return %c0_i32, %arg0, %c0_i32_0 : i32, i32, i32
  }
  func.func @transform_1(%arg0: i32) -> (i32, i32, i32) {
    %c0_i32 = arith.constant 0 : i32
    %c0_i32_0 = arith.constant 0 : i32
    %c0_i32_1 = arith.constant 0 : i32
    return %c0_i32, %arg0, %c0_i32_0 : i32, i32, i32
  }
  func.func @transform_2(%arg0: i32) -> (i32, i32, i32) {
    %c0_i32 = arith.constant 0 : i32
    %c0_i32_0 = arith.constant 0 : i32
    %c0_i32_1 = arith.constant 0 : i32
    return %c0_i32, %arg0, %c0_i32_0 : i32, i32, i32
  }
  func.func @transform_3(%arg0: i32) -> (i32, i32) {
    %c0_i32 = arith.constant 0 : i32
    %c0_i32_0 = arith.constant 0 : i32
    %c0_i32_1 = arith.constant 0 : i32
    return %c0_i32, %c0_i32_0 : i32, i32
  }
  func.func @transform_4(%arg0: i32) -> (i32, i32) {
    %c0_i32 = arith.constant 0 : i32
    %c0_i32_0 = arith.constant 0 : i32
    %c0_i32_1 = arith.constant 0 : i32
    return %c0_i32, %c0_i32_0 : i32, i32
  }
  func.func @transform_5(%arg0: i32) -> (i32, i32) {
    %c0_i32 = arith.constant 0 : i32
    %c0_i32_0 = arith.constant 0 : i32
    %c0_i32_1 = arith.constant 0 : i32
    return %c0_i32, %c0_i32_0 : i32, i32
  }
  func.func @transform_6(%arg0: i32) -> (i32, i32) {
    %c0_i32 = arith.constant 0 : i32
    %c0_i32_0 = arith.constant 0 : i32
    %c0_i32_1 = arith.constant 0 : i32
    return %c0_i32, %c0_i32_0 : i32, i32
  }
  func.func @transform_7(%arg0: i32) -> (i32, i32) {
    %c0_i32 = arith.constant 0 : i32
    %c0_i32_0 = arith.constant 0 : i32
    return %arg0, %c0_i32 : i32, i32
  }
}

</mosaic_0001>

<sc_bundles>
// kernel: kernel.5.cloned.1.call-start
scs
__scs_entry_jumppad:
0x0: {  	(pc) =	sbr.rel $0x88, $3  }
0x1: {  	(tag) =	ssettag $0x0;
	lr =	simm.s32 $0x1  }
0x2: {  	[smem:$0x3F9A] =	sst lr;
	_ =	strace $0xD0000000  }
0x3: {  	_ = 	snop  }
0x4: {  	_ = 	snop  }
0x5: {  	_ = 	snop  }
0x6: {  	_ = 	snop  }
0x7: {  	_ = 	snop  }
__scs_overlays_trampoline_lowered:
0x8: {  	[smem:$0x3FA9] =	sst s0  }
0x9: {  	[smem:$0x3FAA] =	sst s1  }
0xa: {  	[smem:$0x3FAB] =	sst s2  }
0xb: {  	[smem:$0x3FAC] =	sst s3  }
0xc: {  	[smem:$0x3FAD] =	sst s4  }
0xd: {  	[smem:$0x3FAE] =	sst s5  }
0xe: {  	[smem:$0x3FAF] =	sst s6  }
0xf: {  	[smem:$0x3FB0] =	sst s7  }
0x10: {  	[smem:$0x3FB1] =	sst s8  }
0x11: {  	[smem:$0x3FB2] =	sst s9;
	s0 =	simm.s32 @!p0 $0x0  }
0x12: {  	s1 =	sld [smem:$0x3F98];
	s0 =	simm.s32 @p0 $0x1  }
0x13: {  	[smem:$0x3FB3] =	sst s0;
	s0 =	simm.s32 @!p1 $0x0  }
0x14: {  	s2 =	sld [smem:$0x3F97];
	s0 =	simm.s32 @p1 $0x1  }
0x15: {  	[smem:$0x3FB4] =	sst s0;
	s0 =	simm.s32 @!p2 $0x0  }
0x16: {  	s3 =	sld [smem:$0x3FDB];
	s0 =	simm.s32 @p2 $0x1  }
0x17: {  	s4 =	simm.s32 $0x1BF5;
	[smem:$0x3FB6] =	sst s0  }
0x18: {  	s0 =	sld [smem:$0x3F99];
	_ =	swait.ge [sflag:s4], $0x0  }
0x19: {  	s7 =	sld [smem:$0x3F9A]  }
0x1a: {  	s8 =	sadd.s32 $0xFFFFE003, lr  }
0x1b: {  	s9 =	sadd.s32 $0xFFFFFEF7, lr;
	s5 =	simm.s32 $0xFFFFFFFF;
	p2 =	slt.u32 s8, $0xFFFFF086  }
0x1c: {  	p1 =	slt.u32 s9, $0xF7A;
	s5 =	simm.s32 @!p2 $0x0  }
0x1d: {  	s5 =	simm.s32 @p1 $0x1;
	p0 =	seq.s32 s7, s2  }
0x1e: {  	s7 =	smul.u32 @!p0 $0xF7A, s2;
	p2 =	seq.s32 @!p0 s5, $0x0  }
0x1f: {  	s9 =	smul.u32 $0xF7A, s1;
	s8 =	simm.s32 @!p0 $0x1BF5;
	p2 =	por !p2, p0  }
0x20: {  	[sflag:s8] =	ssyncset.s32 @!p0 $0xFFFFF086;
	s6 =	sadd.s32 @!p0 s3, s7;
	s7 =	simm.s32 @!p0 $0x108  }
0x21: {  	s3 =	sadd.s32 s3, s9;
	s6 =	sadd.s32 @!p0 $0x88, s6;
	s7 =	simm.s32 @p2 $0x1082  }
0x22: {  	[simem:s7], [sflag:s8] =	dma.local @!p0 [hbm:s6], $0xF7A  }
0x23: {  	s9 =	sor.u32 $0xD0000000, s2;
	s6 =	simm.s32 $0x108;
	_ =	swait.ge @!p0 [sflag:s8], $0x0  }
0x24: {  	s3 =	sadd.s32 $0x88, s3;
	s6 =	simm.s32 @!p1 $0x1082;
	[sflag:s4] =	ssyncset.s32 $0xFFFFF086  }
0x25: {  	[simem:s6], [sflag:s4] =	dma.local [hbm:s3], $0xF7A  }
0x26: {  	[smem:$0x3F9A] =	sst s1;
	(tag) =	ssettag s2;
	_ =	strace s9  }
0x27: {  	s1 =	sld [smem:$0x3FAA]  }
0x28: {  	s2 =	sld [smem:$0x3FAB]  }
0x29: {  	s4 =	sld [smem:$0x3FAD]  }
0x2a: {  	p0 =	seq.s32 s5, $0x0;
	s5 =	sld [smem:$0x3FAE]  }
0x2b: {  	s6 =	sld [smem:$0x3FAF]  }
0x2c: {  	s7 =	sld [smem:$0x3FB0]  }
0x2d: {  	s3 =	simm.s32 $0x108;
	s8 =	sld [smem:$0x3FB1]  }
0x2e: {  	s3 =	simm.s32 @!p0 $0x1082;
	s9 =	sld [smem:$0x3FB2]  }
0x2f: {  	lr =	sadd.s32 s0, s3;
	s0 =	sld [smem:$0x3FA9]  }
0x30: {  	s3 =	sld [smem:$0x3FAC]  }
0x31: {  	[smem:$0x3FB5] =	sst s10  }
0x32: {  	s10 =	sld [smem:$0x3FB3];
	_ =	sdelay $0x3  }
0x33: {  	p0 =	seq.s32 s10, $0x1;
	s10 =	sld [smem:$0x3FB5];
	_ =	sdelay $0x3  }
0x34: {  	[smem:$0x3FB5] =	sst s10  }
0x35: {  	s10 =	sld [smem:$0x3FB4];
	_ =	sdelay $0x3  }
0x36: {  	p1 =	seq.s32 s10, $0x1;
	s10 =	sld [smem:$0x3FB5];
	_ =	sdelay $0x3  }
0x37: {  	[smem:$0x3FB5] =	sst s10  }
0x38: {  	s10 =	sld [smem:$0x3FB6]  }
0x39: {  	_ = 	snop;
	(pc) =	sbr.ind lr, $3  }
0x3a: {  	_ = 	snop  }
0x3b: {  	_ = 	snop  }
0x3c: {  	p2 =	seq.s32 s10, $0x1;
	s10 =	sld [smem:$0x3FB5]  }
0x3d: {  	_ =	shalt  }
0x3e: {  	_ =	shalt  }
0x3f: {  	_ =	shalt  }
0x40: {  	_ =	shalt  }
0x41: {  	_ =	shalt  }
0x42: {  	_ =	shalt  }
0x43: {  	_ =	shalt  }
0x44: {  	_ =	shalt  }
0x45: {  	_ =	shalt  }
0x46: {  	_ =	shalt  }
0x47: {  	_ =	shalt  }
0x48: {  	_ =	shalt  }
0x49: {  	_ =	shalt  }
0x4a: {  	_ =	shalt  }
0x4b: {  	_ =	shalt  }
0x4c: {  	_ =	shalt  }
0x4d: {  	_ =	shalt  }
0x4e: {  	_ =	shalt  }
0x4f: {  	_ =	shalt  }
0x50: {  	_ =	shalt  }
0x51: {  	_ =	shalt  }
0x52: {  	_ =	shalt  }
0x53: {  	_ =	shalt  }
0x54: {  	_ =	shalt  }
0x55: {  	_ =	shalt  }
0x56: {  	_ =	shalt  }
0x57: {  	_ =	shalt  }
0x58: {  	_ =	shalt  }
0x59: {  	_ =	shalt  }
0x5a: {  	_ =	shalt  }
0x5b: {  	_ =	shalt  }
0x5c: {  	_ =	shalt  }
0x5d: {  	_ =	shalt  }
0x5e: {  	_ =	shalt  }
0x5f: {  	_ =	shalt  }
0x60: {  	_ =	shalt  }
0x61: {  	_ =	shalt  }
0x62: {  	_ =	shalt  }
0x63: {  	_ =	shalt  }
0x64: {  	_ =	shalt  }
0x65: {  	_ =	shalt  }
0x66: {  	_ =	shalt  }
0x67: {  	_ =	shalt  }
0x68: {  	_ =	shalt  }
0x69: {  	_ =	shalt  }
0x6a: {  	_ =	shalt  }
0x6b: {  	_ =	shalt  }
0x6c: {  	_ =	shalt  }
0x6d: {  	_ =	shalt  }
0x6e: {  	_ =	shalt  }
0x6f: {  	_ =	shalt  }
0x70: {  	_ =	shalt  }
0x71: {  	_ =	shalt  }
0x72: {  	_ =	shalt  }
0x73: {  	_ =	shalt  }
0x74: {  	_ =	shalt  }
0x75: {  	_ =	shalt  }
0x76: {  	_ =	shalt  }
0x77: {  	_ =	shalt  }
0x78: {  	_ =	shalt  }
0x79: {  	_ =	shalt  }
0x7a: {  	_ =	shalt  }
0x7b: {  	_ =	shalt  }
0x7c: {  	_ =	shalt  }
0x7d: {  	_ =	shalt  }
0x7e: {  	_ =	shalt  }
0x7f: {  	_ =	shalt  }
0x80: {  	_ =	shalt  }
0x81: {  	_ =	shalt  }
0x82: {  	_ =	shalt  }
0x83: {  	_ =	shalt  }
0x84: {  	_ =	shalt  }
0x85: {  	_ =	shalt  }
0x86: {  	_ =	shalt  }
0x87: {  	_ =	shalt  }
.Lfunc_end0:
.L_simem_size_0:
called_computation_lowered:
.L_overlay_start_0:
0x88: {  	s2 =	sld [smem:$0x3FD9]  }
0x89: {  	s3 =	sld [smem:$0x3FFE];
	_ =	sdelay $0x1  }
0x8a: {  	s1 =	srdreg.scid  }
0x8b: {  	s0 =	sand.u32 $0x1, s1  }
0x8c: {  	s17 =	sshll.u32 s0, $0xA;
	s2 =	sadd.s32 s3, s2  }
0x8d: {  	s2 =	sadd.s32 s2, s17  }
0x8e: {  	[smem:$0x3FC1] =	sst s2  }
0x8f: {  	_ = 	snop  }
0x90: {  	s2 =	sld [smem:$0x3FD0];
	(tm) =	ssettm $0x1  }
0x91: {  	s18 =	sld [smem:$0x3FFB];
	_ =	sdelay $0x3  }
0x92: {  	_ =	strace s18  }
0x93: {  	s3 =	sld [smem:$0x3FFC];
	_ =	sdelay $0x3  }
0x94: {  	_ =	strace s3  }
0x95: {  	s3 =	sld [smem:$0x3FFD];
	_ =	sdelay $0x3  }
0x96: {  	_ =	strace s3  }
0x97: {  	_ =	strace $0x8FFFFFFF  }
0x98: {  	s19 =	sld [smem:$0x3FDB];
	_ =	sdelay $0x1  }
0x99: {  	s4 =	simm.s32 $_scs_section_size  }
0x9a: {  	s5 =	simm.s32 $_size__tile_overlayer_lowered;
	s6 =	simm.s32 $_tile_overlayer_lowered  }
0x9b: {  	s22 =	simm.s32 $0x1BFF;
	s21 =	sshll.u32 s6, $0x1;
	s3 =	sadd.s32 s4, s19  }
0x9c: {  	s7 =	simm.s32 $0x0;
	s20 =	sshll.u32 s5, $0x1;
	s5 =	sadd.s32 s21, s3  }
0x9d: {  	[timem:s7], [sflag:s22] =	dma.local [hbm:s5], s20  }
0x9e: {  	_ =	swait.ge [sflag:s22], s20  }
0x9f: {  	s4 =	ssub.s32 $0x0, s20;
	[sflag:s22] =	ssyncset.done $0x0  }
0xa0: {  	[sflag:s22] =	ssyncadd.s32 s4;
	_ =	sdelay $0x1  }
0xa1: {  	s23 =	simm.s32 $0x1B8B  }
0xa2: {  	_ =	swait.ge [sflag:s23], $0x1  }
0xa3: {  	[sflag:s23] =	ssyncset.done $0x0  }
0xa4: {  	s25 =	simm.s32 $0x1B8E;
	s24 =	sld [smem:$0x3FFE];
	[sflag:s23] =	ssyncadd.s32 $0xFFFFFFFF  }
0xa5: {  	s26 =	simm.s32 $execute0_lowered;
	[smem:$0x3FD2] =	sst s25  }
0xa6: {  	s5 =	sshll.u32 s26, $0x1;
	_ =	strace $0x80000046;
	[dreg:$0x1] =	wrdreg $0xFFFFFFFF  }
0xa7: {  	s28 =	simm.s32 $_size_execute0_lowered;
	s3 =	sadd.s32 s3, s5;
	[dreg:$0x0] =	wrdreg $0x0  }
0xa8: {  	s5 =	sshll.u32 s28, $0x1;
	[dreg:$0x2] =	wrdreg s3  }
0xa9: {  	[dreg:$0x3] =	wrdreg s5  }
0xaa: {  	[dreg:$0x4] =	wrdreg $0xC0  }
0xab: {  	_ =	task [dreg:s7], $0x5FFFF  }
0xac: {  	[dreg:$0x1] =	wrdreg $0xFFFFFFFF  }
0xad: {  	[dreg:$0x0] =	wrdreg $0x60  }
0xae: {  	[dreg:$0x2] =	wrdreg s24  }
0xaf: {  	[dreg:$0x3] =	wrdreg s2  }
0xb0: {  	[dreg:$0x4] =	wrdreg $0x0  }
0xb1: {  	[dreg:$0x5] =	wrdreg $0x9  }
0xb2: {  	_ =	task.clear_ibuf [dreg:s7], $0x6FFFF;
	_ =	strace $0x90000046  }
0xb3: {  	s29 =	simm.s32 $0x9;
	_ =	strace $0x80000048  }
0xb4: {  	_ =	swait.ge [sflag:s29], $0x1  }
0xb5: {  	[sflag:s29] =	ssyncadd.s32 $0xFFFFFFFF  }
0xb6: {  	_ =	strace $0x90000048  }
0xb7: {  	_ =	sfence  }
0xb8: {  	s30 =	sld [smem:$0x0];
	_ =	sdelay $0x2  }
0xb9: {  	s31 =	sshll.u32 s1, $0xD;
	s1 =	sshrl.u32 s1, $0x2  }
0xba: {  	s3 =	sand.u32 $0x4000, s31;
	s1 =	sadd.s32 s1, s30  }
0xbb: {  	s0 =	sor.u32 s3, s0;
	s1 =	sshll.u32 s1, $0x11  }
0xbc: {  	s0 =	sor.u32 s1, s0  }
0xbd: {  	s0 =	sadd.s32 $0x8F2B, s0  }
0xbe: {  	[sflag:s0] =	ssyncadd.remote.s32 $0x1  }
0xbf: {  	_ =	sfence.sel $0xFFFF  }
0xc0: {  	[dreg:$0x0] =	wrdreg $0xFFFFFFFF;
	(pc) =	sbr.abs _section_cstart, $3  }
0xc1: {  	[dreg:$0x1] =	wrdreg $0xFFFFFFFF  }
0xc2: {  	_ =	task.clear_ibuf [dreg:s7], $0x2FFFF;
	_ =	strace $0x9FFFFFFF  }
0xc3: {  	(tm) =	ssettm $0x7FFFFFFF  }
tec
execute0_lowered:
.L_overlay_start_1:
0x0: {  	(tag) =	ssettag $0x1  }
0x1: {  	s0 =	rddreg [dreg:$0x0]  }
0x2: {  	s5 =	rddreg [dreg:$0x1]  }
0x3: {  	s1 =	rddreg [dreg:$0x2];
	s2 =	simm.s32 $0x0  }
0x4: {  	s4 =	srdreg.scid;
	s16 =	stileid.u32;
	s28 =	simm.s32 $0x13540  }
0x5: {  	s29 =	simm.s32 $0x15540;
	s30 =	simm.s32 $0x1;
	s31 =	simm.s32 $0x2  }
0x6: {  	[smem:$0x7FF] =	sst s2;
	s3 =	sadd.s32 $0x29C00, s0;
	s7 =	sadd.s32 $0x16200, s0  }
0x7: {  	s10 =	sadd.s32 $0x2600, s0;
	s11 =	sand.u32 $0x1, s4;
	s12 =	sadd.s32 $0xC400, s0  }
0x8: {  	s4 =	sadd.s32 $0x3D600, s0;
	s13 =	smul.u32 $0x9C00, s16;
	s19 =	sshll.u32 s16, $0x6  }
0x9: {  	s9 =	smul.u32 $0x9C0, s16;
	s20 =	sadd.s32 $0x9C000, s1;
	s14 =	sshll.u32 s16, $0x4  }
0xa: {  	_ =	strace $0x80000047;
	s6 =	ssub.s32 $0x2, s11;
	[dreg:$0x5] =	wrdreg s20  }
0xb: {  	s15 =	smul.u32 $0x9C400, s11;
	p0 =	seq.s32 s11, $0x0;
	s14 =	sor.u32 $0x9C00, s14  }
0xc: {  	p1 =	seq.s32 s11, $0x1;
	s18 =	sshrl.u32 s6, $0x1;
	s8 =	sadd.s32 s13, s1  }
0xd: {  	s21 =	sadd.s32 s10, s9;
	s17 =	sadd.s32 s12, s9;
	s22 =	sadd.s32 s10, s14  }
0xe: {  	s23 =	sadd.s32 s12, s14;
	s12 =	smov.u32 s7;
	[dreg:$0x4] =	wrdreg s8  }
0xf: {  	s0 =	ssub.s32 s6, s18;
	s6 =	sor.u32 $0x1C04, s19;
	[dreg:$0x7] =	wrdreg s22  }
0x10: {  	[dreg:$0x8] =	wrdreg s23;
	s24 =	sadd.s32 s13, s15;
	s25 =	sshrl.u32 s15, $0x3  }
0x11: {  	s12 =	smov.u32 @p0 s3;
	s3 =	smov.u32 @p1 s7;
	[dreg:$0x6] =	wrdreg s21  }
0x12: {  	s9 =	smov.u32 s17;
	s17 =	sadd.s32 $0xC0, s17;
	p0 =	sne.s32 s16, $0x0  }
0x13: {  	s18 =	simm.s32 $0x4;
	s22 =	simm.s32 $0x80;
	s23 =	simm.s32 $0xB540  }
0x14: {  	p1 =	sgt.u32 s16, $0x3;
	s10 =	sshrl.u32 s24, $0x3;
	s0 =	smax.u32 s0, $0x1  }
0x15: {  	s24 =	simm.s32 $0xD540;
	s26 =	sadd.s32 s5, s10;
	s5 =	sadd.s32 s5, s25  }
0x16: {  	[dreg:$0xb] =	wrdreg s0;
	s10 =	sadd.s32 $0xC0, s21;
	s21 =	simm.s32 $0x3  }
0x17: {  	s25 =	simm.s32 $0xF540;
	[dreg:$0x9] =	wrdreg s26;
	s5 =	sadd.s32 $0x13800, s5  }
0x18: {  	s0 =	simm.s32 $0x0;
	s26 =	simm.s32 $0x11540;
	[dreg:$0xa] =	wrdreg s5  }
.LBB2_1:
0x19: {  	s5 =	rddreg [dreg:$0x4]  }
0x1a: {  	s19 =	sshrl.u32 s5, $0x3  }
0x1b: {  	[spmem:s19], [sflag:s6] =	dma.local [hbm:s4], $0x1380  }
0x1c: {  	_ =	swait.ge [sflag:s18], $0x1380  }
0x1d: {  	[sflag:s18] =	ssyncset.done $0x0;
	s5 =	rddreg [dreg:$0x5]  }
0x1e: {  	[sflag:s18] =	ssyncadd.s32 $0xFFFFEC80;
	s20 =	sshrl.u32 @!p0 s5, $0x3;
	s5 =	simm.s32 @!p0 $0x4  }
0x1f: {  	[spmem:s20], [sflag:s6] =	dma.local @!p0 [hbm:s4], $0x80  }
0x20: {  	_ =	swait.ge @!p0 [sflag:s5], $0x80  }
0x21: {  	[sflag:s5] =	ssyncset.done @!p0 $0x0  }
0x22: {  	[sflag:s5] =	ssyncadd.s32 @!p0 $0xFFFFFF80  }
0x23: {  	[bflag:$0x0] =	sbarrier.arrive $0xFFFF  }
0x24: {  	s7 =	simm.s32 $0x9C40;
	s16 =	rddreg [dreg:$0x6]  }
0x25: {  	[tilespmem:s7], [sflag:$0x3] =	stream.linear.gather [hbm4b:s16+s2], $0x600, $0x38;
	[tilespmem:$0x17540] =	vst v63  }
0x26: {  	s7 =	simm.s32 $0xA840  }
0x27: {  	[tilespmem:s7], [sflag:$0x3] =	stream.linear.gather [hbm4b:s9+s2], $0x600, $0x38;
	[tilespmem:$0x17540] =	vst v63  }
0x28: {  	_ =	swait.ge [sflag:s21], $0x600  }
0x29: {  	p2 =	por $0x0, $0x0;
	s5 =	sand.u32 $0x1, s2;
	[sflag:s21] =	ssyncset.done $0x0  }
0x2a: {  	s7 =	sxor.u32 @!p2 $0x1, s5;
	[sflag:s21] =	ssyncadd.s32 $0xFFFFFA00  }
0x2b: {  	s7 =	smul.u32 @!p2 $0x600, s7;
	_ =	swait.ge [sflag:s21], $0x600  }
0x2c: {  	s8 =	smul.u32 $0x1800, s5;
	[sflag:s21] =	ssyncset.done $0x0  }
0x2d: {  	s16 =	simm.s32 @!p2 $0x0;
	s11 =	sadd.s32 @!p2 $0x9C40, s7;
	[sflag:s21] =	ssyncadd.s32 $0xFFFFFA00  }
0x2e: {  	[tilespmem:s11], [sflag:$0x3] =	stream.linear.gather @!p2 [hbm4b:s10+s16], $0x600, $0x38;
	[tilespmem:$0x17540] =	vst v63  }
0x2f: {  	s13 =	sshrl.u32 s8, $0x2;
	s7 =	sor.u32 @!p2 $0xA840, s7  }
0x30: {  	[tilespmem:s7], [sflag:$0x3] =	stream.linear.gather @!p2 [hbm4b:s17+s16], $0x600, $0x38;
	[tilespmem:$0x17540] =	vst v63  }
0x31: {  	s11 =	sadd.s32 $0x9C40, s13  }
0x32: {  	[tilespmem:s23], [sflag:$0x1] =	stream.indirect.gather [hbm4b:s12+s22], $0x40, s11, s22, $0xb8;
	[tilespmem:$0x17540] =	vst v63  }
0x33: {  	s14 =	sadd.s32 $0x9CC0, s13  }
0x34: {  	[tilespmem:s24], [sflag:$0x1] =	stream.indirect.gather [hbm4b:s12+s22], $0x40, s14, s22, $0xb8;
	[tilespmem:$0x17540] =	vst v63  }
0x35: {  	s15 =	sadd.s32 $0x9D40, s13  }
0x36: {  	[tilespmem:s25], [sflag:$0x1] =	stream.indirect.gather [hbm4b:s12+s22], $0x40, s15, s22, $0xb8;
	[tilespmem:$0x17540] =	vst v63  }
0x37: {  	s16 =	sadd.s32 $0x9DC0, s13  }
0x38: {  	[tilespmem:s26], [sflag:$0x1] =	stream.indirect.gather [hbm4b:s12+s22], $0x40, s16, s22, $0xb8;
	[tilespmem:$0x17540] =	vst v63  }
0x39: {  	s8 =	sadd.s32 $0x9E40, s13  }
0x3a: {  	[tilespmem:s28], [sflag:$0x1] =	stream.indirect.gather [hbm4b:s12+s22], $0x40, s8, s22, $0xb8;
	[tilespmem:$0x17540] =	vst v63  }
0x3b: {  	s7 =	sadd.s32 $0x9EC0, s13  }
0x3c: {  	[tilespmem:s29], [sflag:$0x1] =	stream.indirect.gather [hbm4b:s12+s22], $0x40, s7, s22, $0xb8;
	[tilespmem:$0x17540] =	vst v63  }
0x3d: {  	s5 =	smul.u32 $0x600, s5;
	_ =	swait.ge [sflag:s30], $0x2000  }
0x3e: {  	[sflag:s30] =	ssyncset.done $0x0  }
0x3f: {  	s11 =	sor.u32 $0xA840, s5;
	[sflag:s30] =	ssyncadd.s32 $0xFFFFE000  }
0x40: {  	[spmem:s1] =	stream.indirect.scatter.add.f32 [tilespmem:s23], [sflag:$0x2], $0x40, s11, s22, $0xb8;
	[tilespmem:$0x17540] =	vst v63  }
0x41: {  	_ =	swait.ge [sflag:s31], $0x2000  }
0x42: {  	[sflag:s31] =	ssyncset.done $0x0  }
0x43: {  	s13 =	sadd.s32 $0x9F40, s5;
	[sflag:s31] =	ssyncadd.s32 $0xFFFFE000  }
0x44: {  	[tilespmem:s23], [sflag:$0x1] =	stream.indirect.gather [hbm4b:s12+s22], $0x40, s13, s22, $0xb8;
	[tilespmem:$0x17540] =	vst v63  }
0x45: {  	_ =	swait.ge [sflag:s30], $0x2000  }
0x46: {  	[sflag:s30] =	ssyncset.done $0x0  }
0x47: {  	s14 =	sor.u32 $0xA8C0, s5;
	[sflag:s30] =	ssyncadd.s32 $0xFFFFE000  }
0x48: {  	[spmem:s1] =	stream.indirect.scatter.add.f32 [tilespmem:s24], [sflag:$0x2], $0x40, s14, s22, $0xb8;
	[tilespmem:$0x17540] =	vst v63  }
0x49: {  	_ =	swait.ge [sflag:s31], $0x2000  }
0x4a: {  	[sflag:s31] =	ssyncset.done $0x0  }
0x4b: {  	s15 =	sadd.s32 $0x9FC0, s5;
	[sflag:s31] =	ssyncadd.s32 $0xFFFFE000  }
0x4c: {  	[tilespmem:s24], [sflag:$0x1] =	stream.indirect.gather [hbm4b:s12+s22], $0x40, s15, s22, $0xb8;
	[tilespmem:$0x17540] =	vst v63  }
0x4d: {  	_ =	swait.ge [sflag:s30], $0x2000  }
0x4e: {  	[sflag:s30] =	ssyncset.done $0x0  }
0x4f: {  	s16 =	sor.u32 $0xA940, s5;
	[sflag:s30] =	ssyncadd.s32 $0xFFFFE000  }
0x50: {  	[spmem:s1] =	stream.indirect.scatter.add.f32 [tilespmem:s25], [sflag:$0x2], $0x40, s16, s22, $0xb8;
	[tilespmem:$0x17540] =	vst v63  }
0x51: {  	_ =	swait.ge [sflag:s31], $0x2000  }
0x52: {  	[sflag:s31] =	ssyncset.done $0x0  }
0x53: {  	s8 =	sor.u32 $0xA040, s5;
	[sflag:s31] =	ssyncadd.s32 $0xFFFFE000  }
0x54: {  	[tilespmem:s25], [sflag:$0x1] =	stream.indirect.gather [hbm4b:s12+s22], $0x40, s8, s22, $0xb8;
	[tilespmem:$0x17540] =	vst v63  }
0x55: {  	_ =	swait.ge [sflag:s30], $0x2000  }
0x56: {  	[sflag:s30] =	ssyncset.done $0x0  }
0x57: {  	s11 =	sor.u32 $0xA9C0, s5;
	[sflag:s30] =	ssyncadd.s32 $0xFFFFE000  }
0x58: {  	[spmem:s1] =	stream.indirect.scatter.add.f32 [tilespmem:s26], [sflag:$0x2], $0x40, s11, s22, $0xb8;
	[tilespmem:$0x17540] =	vst v63  }
0x59: {  	_ =	swait.ge [sflag:s31], $0x2000  }
0x5a: {  	[sflag:s31] =	ssyncset.done $0x0  }
0x5b: {  	s13 =	sor.u32 $0xA0C0, s5;
	[sflag:s31] =	ssyncadd.s32 $0xFFFFE000  }
0x5c: {  	[tilespmem:s26], [sflag:$0x1] =	stream.indirect.gather [hbm4b:s12+s22], $0x40, s13, s22, $0xb8;
	[tilespmem:$0x17540] =	vst v63  }
0x5d: {  	_ =	swait.ge [sflag:s30], $0x2000  }
0x5e: {  	[sflag:s30] =	ssyncset.done $0x0  }
0x5f: {  	s14 =	sadd.s32 $0xAA40, s5;
	[sflag:s30] =	ssyncadd.s32 $0xFFFFE000  }
0x60: {  	[spmem:s1] =	stream.indirect.scatter.add.f32 [tilespmem:s28], [sflag:$0x2], $0x40, s14, s22, $0xb8;
	[tilespmem:$0x17540] =	vst v63  }
0x61: {  	_ =	swait.ge [sflag:s31], $0x2000  }
0x62: {  	[sflag:s31] =	ssyncset.done $0x0  }
0x63: {  	s15 =	sor.u32 $0xA140, s5;
	[sflag:s31] =	ssyncadd.s32 $0xFFFFE000  }
0x64: {  	[tilespmem:s28], [sflag:$0x1] =	stream.indirect.gather [hbm4b:s12+s22], $0x40, s15, s22, $0xb8;
	[tilespmem:$0x17540] =	vst v63  }
0x65: {  	_ =	swait.ge [sflag:s30], $0x2000  }
0x66: {  	[sflag:s30] =	ssyncset.done $0x0  }
0x67: {  	s16 =	sadd.s32 $0xAAC0, s5;
	[sflag:s30] =	ssyncadd.s32 $0xFFFFE000  }
0x68: {  	[spmem:s1] =	stream.indirect.scatter.add.f32 [tilespmem:s29], [sflag:$0x2], $0x40, s16, s22, $0xb8;
	[tilespmem:$0x17540] =	vst v63  }
0x69: {  	_ =	swait.ge [sflag:s31], $0x2000  }
0x6a: {  	[sflag:s31] =	ssyncset.done $0x0  }
0x6b: {  	s8 =	sor.u32 $0xA1C0, s5;
	[sflag:s31] =	ssyncadd.s32 $0xFFFFE000  }
0x6c: {  	[tilespmem:s29], [sflag:$0x1] =	stream.indirect.gather [hbm4b:s12+s22], $0x40, s8, s22, $0xb8;
	[tilespmem:$0x17540] =	vst v63  }
0x6d: {  	_ =	swait.ge [sflag:s30], $0x2000  }
0x6e: {  	[sflag:s30] =	ssyncset.done $0x0  }
0x6f: {  	s11 =	sadd.s32 $0xAB40, s5;
	[sflag:s30] =	ssyncadd.s32 $0xFFFFE000  }
0x70: {  	[spmem:s1] =	stream.indirect.scatter.add.f32 [tilespmem:s23], [sflag:$0x2], $0x40, s11, s22, $0xb8;
	[tilespmem:$0x17540] =	vst v63  }
0x71: {  	_ =	swait.ge [sflag:s30], $0x2000  }
0x72: {  	[sflag:s30] =	ssyncset.done $0x0  }
0x73: {  	s13 =	sadd.s32 $0xABC0, s5;
	[sflag:s30] =	ssyncadd.s32 $0xFFFFE000  }
0x74: {  	[spmem:s1] =	stream.indirect.scatter.add.f32 [tilespmem:s24], [sflag:$0x2], $0x40, s13, s22, $0xb8;
	[tilespmem:$0x17540] =	vst v63  }
0x75: {  	_ =	swait.ge [sflag:s30], $0x2000  }
0x76: {  	[sflag:s30] =	ssyncset.done $0x0  }
0x77: {  	s14 =	sadd.s32 $0xAC40, s5;
	[sflag:s30] =	ssyncadd.s32 $0xFFFFE000  }
0x78: {  	[spmem:s1] =	stream.indirect.scatter.add.f32 [tilespmem:s25], [sflag:$0x2], $0x40, s14, s22, $0xb8;
	[tilespmem:$0x17540] =	vst v63  }
0x79: {  	_ =	swait.ge [sflag:s30], $0x2000  }
0x7a: {  	[sflag:s30] =	ssyncset.done $0x0  }
0x7b: {  	s15 =	sadd.s32 $0xACC0, s5;
	[sflag:s30] =	ssyncadd.s32 $0xFFFFE000  }
0x7c: {  	[spmem:s1] =	stream.indirect.scatter.add.f32 [tilespmem:s26], [sflag:$0x2], $0x40, s15, s22, $0xb8;
	[tilespmem:$0x17540] =	vst v63  }
0x7d: {  	_ =	swait.ge [sflag:s30], $0x2000  }
0x7e: {  	[sflag:s30] =	ssyncset.done $0x0  }
0x7f: {  	s16 =	sadd.s32 $0xAD40, s5;
	[sflag:s30] =	ssyncadd.s32 $0xFFFFE000  }
0x80: {  	[spmem:s1] =	stream.indirect.scatter.add.f32 [tilespmem:s28], [sflag:$0x2], $0x40, s16, s22, $0xb8;
	[tilespmem:$0x17540] =	vst v63  }
0x81: {  	_ =	swait.ge [sflag:s30], $0x2000  }
0x82: {  	[sflag:s30] =	ssyncset.done $0x0  }
0x83: {  	s5 =	sadd.s32 $0xADC0, s5;
	[sflag:s30] =	ssyncadd.s32 $0xFFFFE000  }
0x84: {  	[spmem:s1] =	stream.indirect.scatter.add.f32 [tilespmem:s29], [sflag:$0x2], $0x40, s5, s22, $0xb8;
	[tilespmem:$0x17540] =	vst v63  }
0x85: {  	_ =	swait.ge [sflag:s31], $0x2000  }
0x86: {  	[sflag:s31] =	ssyncset.done $0x0  }
0x87: {  	[sflag:s31] =	ssyncadd.s32 $0xFFFFE000  }
0x88: {  	_ =	swait.ge [sflag:s31], $0x2000  }
0x89: {  	[sflag:s31] =	ssyncset.done $0x0  }
0x8a: {  	[sflag:s31] =	ssyncadd.s32 $0xFFFFE000  }
0x8b: {  	_ =	swait.ge [sflag:s31], $0x2000  }
0x8c: {  	[sflag:s31] =	ssyncset.done $0x0  }
0x8d: {  	[sflag:s31] =	ssyncadd.s32 $0xFFFFE000  }
0x8e: {  	_ =	swait.ge [sflag:s31], $0x2000  }
0x8f: {  	[sflag:s31] =	ssyncset.done $0x0  }
0x90: {  	[sflag:s31] =	ssyncadd.s32 $0xFFFFE000  }
0x91: {  	_ =	swait.ge [sflag:s31], $0x2000  }
0x92: {  	[sflag:s31] =	ssyncset.done $0x0  }
0x93: {  	[sflag:s31] =	ssyncadd.s32 $0xFFFFE000  }
0x94: {  	s7 =	sadd.s32 $0xC0, s17;
	_ =	swait.ge [sflag:s31], $0x2000  }
0x95: {  	s16 =	smov.u32 s10;
	s5 =	simm.s32 $0x1;
	[sflag:s31] =	ssyncset.done $0x0  }
.LBB2_2:
0x96: {  	[sflag:s31] =	ssyncadd.s32 $0xFFFFE000  }
0x97: {  	s16 =	sadd.s32 $0xC0, s16;
	s11 =	smov.u32 s5;
	s5 =	sadd.s32 $0x1, s5  }
0x98: {  	_ =	swait.ge [sflag:s21], $0x600;
	p2 =	sne.s32 s5, $0xD  }
0x99: {  	s13 =	sand.u32 $0x1, s11;
	p3 =	seq.s32 s11, $0xC;
	[sflag:s21] =	ssyncset.done $0x0  }
0x9a: {  	s11 =	sxor.u32 @!p3 $0x1, s13;
	s8 =	smul.u32 $0x1800, s13;
	[sflag:s21] =	ssyncadd.s32 $0xFFFFFA00  }
0x9b: {  	s11 =	smul.u32 @!p3 $0x600, s11;
	_ =	swait.ge [sflag:s21], $0x600  }
0x9c: {  	s8 =	sshrl.u32 s8, $0x2;
	[sflag:s21] =	ssyncset.done $0x0  }
0x9d: {  	s15 =	simm.s32 @!p3 $0x0;
	s14 =	sadd.s32 @!p3 $0x9C40, s11;
	[sflag:s21] =	ssyncadd.s32 $0xFFFFFA00  }
0x9e: {  	[tilespmem:s14], [sflag:$0x3] =	stream.linear.gather @!p3 [hbm4b:s16+s15], $0x600, $0x38;
	[tilespmem:$0x17540] =	vst v63  }
0x9f: {  	s11 =	sor.u32 @!p3 $0xA840, s11  }
0xa0: {  	[tilespmem:s11], [sflag:$0x3] =	stream.linear.gather @!p3 [hbm4b:s7+s15], $0x600, $0x38;
	[tilespmem:$0x17540] =	vst v63  }
0xa1: {  	s11 =	sadd.s32 $0x9C40, s8  }
0xa2: {  	[tilespmem:s23], [sflag:$0x1] =	stream.indirect.gather [hbm4b:s12+s22], $0x40, s11, s22, $0xb8;
	[tilespmem:$0x17540] =	vst v63  }
0xa3: {  	s11 =	sadd.s32 $0x9CC0, s8  }
0xa4: {  	[tilespmem:s24], [sflag:$0x1] =	stream.indirect.gather [hbm4b:s12+s22], $0x40, s11, s22, $0xb8;
	[tilespmem:$0x17540] =	vst v63  }
0xa5: {  	s11 =	sadd.s32 $0x9D40, s8  }
0xa6: {  	[tilespmem:s25], [sflag:$0x1] =	stream.indirect.gather [hbm4b:s12+s22], $0x40, s11, s22, $0xb8;
	[tilespmem:$0x17540] =	vst v63  }
0xa7: {  	s11 =	sadd.s32 $0x9DC0, s8  }
0xa8: {  	[tilespmem:s26], [sflag:$0x1] =	stream.indirect.gather [hbm4b:s12+s22], $0x40, s11, s22, $0xb8;
	[tilespmem:$0x17540] =	vst v63  }
0xa9: {  	s11 =	sadd.s32 $0x9E40, s8  }
0xaa: {  	[tilespmem:s28], [sflag:$0x1] =	stream.indirect.gather [hbm4b:s12+s22], $0x40, s11, s22, $0xb8;
	[tilespmem:$0x17540] =	vst v63  }
0xab: {  	s8 =	sadd.s32 $0x9EC0, s8  }
0xac: {  	[tilespmem:s29], [sflag:$0x1] =	stream.indirect.gather [hbm4b:s12+s22], $0x40, s8, s22, $0xb8;
	[tilespmem:$0x17540] =	vst v63  }
0xad: {  	s11 =	smul.u32 $0x600, s13;
	_ =	swait.ge [sflag:s30], $0x2000  }
0xae: {  	[sflag:s30] =	ssyncset.done $0x0  }
0xaf: {  	s8 =	sor.u32 $0xA840, s11;
	[sflag:s30] =	ssyncadd.s32 $0xFFFFE000  }
0xb0: {  	[spmem:s1] =	stream.indirect.scatter.add.f32 [tilespmem:s23], [sflag:$0x2], $0x40, s8, s22, $0xb8;
	[tilespmem:$0x17540] =	vst v63  }
0xb1: {  	_ =	swait.ge [sflag:s31], $0x2000  }
0xb2: {  	[sflag:s31] =	ssyncset.done $0x0  }
0xb3: {  	s8 =	sadd.s32 $0x9F40, s11;
	[sflag:s31] =	ssyncadd.s32 $0xFFFFE000  }
0xb4: {  	[tilespmem:s23], [sflag:$0x1] =	stream.indirect.gather [hbm4b:s12+s22], $0x40, s8, s22, $0xb8;
	[tilespmem:$0x17540] =	vst v63  }
0xb5: {  	_ =	swait.ge [sflag:s30], $0x2000  }
0xb6: {  	[sflag:s30] =	ssyncset.done $0x0  }
0xb7: {  	s8 =	sor.u32 $0xA8C0, s11;
	[sflag:s30] =	ssyncadd.s32 $0xFFFFE000  }
0xb8: {  	[spmem:s1] =	stream.indirect.scatter.add.f32 [tilespmem:s24], [sflag:$0x2], $0x40, s8, s22, $0xb8;
	[tilespmem:$0x17540] =	vst v63  }
0xb9: {  	_ =	swait.ge [sflag:s31], $0x2000  }
0xba: {  	[sflag:s31] =	ssyncset.done $0x0  }
0xbb: {  	s8 =	sadd.s32 $0x9FC0, s11;
	[sflag:s31] =	ssyncadd.s32 $0xFFFFE000  }
0xbc: {  	[tilespmem:s24], [sflag:$0x1] =	stream.indirect.gather [hbm4b:s12+s22], $0x40, s8, s22, $0xb8;
	[tilespmem:$0x17540] =	vst v63  }
0xbd: {  	_ =	swait.ge [sflag:s30], $0x2000  }
0xbe: {  	[sflag:s30] =	ssyncset.done $0x0  }
0xbf: {  	s8 =	sor.u32 $0xA940, s11;
	[sflag:s30] =	ssyncadd.s32 $0xFFFFE000  }
0xc0: {  	[spmem:s1] =	stream.indirect.scatter.add.f32 [tilespmem:s25], [sflag:$0x2], $0x40, s8, s22, $0xb8;
	[tilespmem:$0x17540] =	vst v63  }
0xc1: {  	_ =	swait.ge [sflag:s31], $0x2000  }
0xc2: {  	[sflag:s31] =	ssyncset.done $0x0  }
0xc3: {  	s8 =	sor.u32 $0xA040, s11;
	[sflag:s31] =	ssyncadd.s32 $0xFFFFE000  }
0xc4: {  	[tilespmem:s25], [sflag:$0x1] =	stream.indirect.gather [hbm4b:s12+s22], $0x40, s8, s22, $0xb8;
	[tilespmem:$0x17540] =	vst v63  }
0xc5: {  	_ =	swait.ge [sflag:s30], $0x2000  }
0xc6: {  	[sflag:s30] =	ssyncset.done $0x0  }
0xc7: {  	s8 =	sor.u32 $0xA9C0, s11;
	[sflag:s30] =	ssyncadd.s32 $0xFFFFE000  }
0xc8: {  	[spmem:s1] =	stream.indirect.scatter.add.f32 [tilespmem:s26], [sflag:$0x2], $0x40, s8, s22, $0xb8;
	[tilespmem:$0x17540] =	vst v63  }
0xc9: {  	_ =	swait.ge [sflag:s31], $0x2000  }
0xca: {  	[sflag:s31] =	ssyncset.done $0x0  }
0xcb: {  	s8 =	sor.u32 $0xA0C0, s11;
	[sflag:s31] =	ssyncadd.s32 $0xFFFFE000  }
0xcc: {  	[tilespmem:s26], [sflag:$0x1] =	stream.indirect.gather [hbm4b:s12+s22], $0x40, s8, s22, $0xb8;
	[tilespmem:$0x17540] =	vst v63  }
0xcd: {  	_ =	swait.ge [sflag:s30], $0x2000  }
0xce: {  	[sflag:s30] =	ssyncset.done $0x0  }
0xcf: {  	s8 =	sadd.s32 $0xAA40, s11;
	[sflag:s30] =	ssyncadd.s32 $0xFFFFE000  }
0xd0: {  	[spmem:s1] =	stream.indirect.scatter.add.f32 [tilespmem:s28], [sflag:$0x2], $0x40, s8, s22, $0xb8;
	[tilespmem:$0x17540] =	vst v63  }
0xd1: {  	_ =	swait.ge [sflag:s31], $0x2000  }
0xd2: {  	[sflag:s31] =	ssyncset.done $0x0  }
0xd3: {  	s8 =	sor.u32 $0xA140, s11;
	[sflag:s31] =	ssyncadd.s32 $0xFFFFE000  }
0xd4: {  	[tilespmem:s28], [sflag:$0x1] =	stream.indirect.gather [hbm4b:s12+s22], $0x40, s8, s22, $0xb8;
	[tilespmem:$0x17540] =	vst v63  }
0xd5: {  	_ =	swait.ge [sflag:s30], $0x2000  }
0xd6: {  	[sflag:s30] =	ssyncset.done $0x0  }
0xd7: {  	s8 =	sadd.s32 $0xAAC0, s11;
	[sflag:s30] =	ssyncadd.s32 $0xFFFFE000  }
0xd8: {  	[spmem:s1] =	stream.indirect.scatter.add.f32 [tilespmem:s29], [sflag:$0x2], $0x40, s8, s22, $0xb8;
	[tilespmem:$0x17540] =	vst v63  }
0xd9: {  	_ =	swait.ge [sflag:s31], $0x2000  }
0xda: {  	[sflag:s31] =	ssyncset.done $0x0  }
0xdb: {  	s8 =	sor.u32 $0xA1C0, s11;
	[sflag:s31] =	ssyncadd.s32 $0xFFFFE000  }
0xdc: {  	[tilespmem:s29], [sflag:$0x1] =	stream.indirect.gather [hbm4b:s12+s22], $0x40, s8, s22, $0xb8;
	[tilespmem:$0x17540] =	vst v63  }
0xdd: {  	_ =	swait.ge [sflag:s30], $0x2000  }
0xde: {  	[sflag:s30] =	ssyncset.done $0x0  }
0xdf: {  	s8 =	sadd.s32 $0xAB40, s11;
	[sflag:s30] =	ssyncadd.s32 $0xFFFFE000  }
0xe0: {  	[spmem:s1] =	stream.indirect.scatter.add.f32 [tilespmem:s23], [sflag:$0x2], $0x40, s8, s22, $0xb8;
	[tilespmem:$0x17540] =	vst v63  }
0xe1: {  	_ =	swait.ge [sflag:s30], $0x2000  }
0xe2: {  	[sflag:s30] =	ssyncset.done $0x0  }
0xe3: {  	s8 =	sadd.s32 $0xABC0, s11;
	[sflag:s30] =	ssyncadd.s32 $0xFFFFE000  }
0xe4: {  	[spmem:s1] =	stream.indirect.scatter.add.f32 [tilespmem:s24], [sflag:$0x2], $0x40, s8, s22, $0xb8;
	[tilespmem:$0x17540] =	vst v63  }
0xe5: {  	_ =	swait.ge [sflag:s30], $0x2000  }
0xe6: {  	[sflag:s30] =	ssyncset.done $0x0  }
0xe7: {  	s8 =	sadd.s32 $0xAC40, s11;
	[sflag:s30] =	ssyncadd.s32 $0xFFFFE000  }
0xe8: {  	[spmem:s1] =	stream.indirect.scatter.add.f32 [tilespmem:s25], [sflag:$0x2], $0x40, s8, s22, $0xb8;
	[tilespmem:$0x17540] =	vst v63  }
0xe9: {  	_ =	swait.ge [sflag:s30], $0x2000  }
0xea: {  	[sflag:s30] =	ssyncset.done $0x0  }
0xeb: {  	s8 =	sadd.s32 $0xACC0, s11;
	[sflag:s30] =	ssyncadd.s32 $0xFFFFE000  }
0xec: {  	[spmem:s1] =	stream.indirect.scatter.add.f32 [tilespmem:s26], [sflag:$0x2], $0x40, s8, s22, $0xb8;
	[tilespmem:$0x17540] =	vst v63  }
0xed: {  	_ =	swait.ge [sflag:s30], $0x2000  }
0xee: {  	[sflag:s30] =	ssyncset.done $0x0  }
0xef: {  	s8 =	sadd.s32 $0xAD40, s11;
	[sflag:s30] =	ssyncadd.s32 $0xFFFFE000  }
0xf0: {  	[spmem:s1] =	stream.indirect.scatter.add.f32 [tilespmem:s28], [sflag:$0x2], $0x40, s8, s22, $0xb8;
	[tilespmem:$0x17540] =	vst v63  }
0xf1: {  	_ =	swait.ge [sflag:s30], $0x2000  }
0xf2: {  	[sflag:s30] =	ssyncset.done $0x0  }
0xf3: {  	s8 =	sadd.s32 $0xADC0, s11;
	[sflag:s30] =	ssyncadd.s32 $0xFFFFE000  }
0xf4: {  	[spmem:s1] =	stream.indirect.scatter.add.f32 [tilespmem:s29], [sflag:$0x2], $0x40, s8, s22, $0xb8;
	[tilespmem:$0x17540] =	vst v63  }
0xf5: {  	_ =	swait.ge [sflag:s31], $0x2000  }
0xf6: {  	[sflag:s31] =	ssyncset.done $0x0  }
0xf7: {  	[sflag:s31] =	ssyncadd.s32 $0xFFFFE000  }
0xf8: {  	_ =	swait.ge [sflag:s31], $0x2000  }
0xf9: {  	[sflag:s31] =	ssyncset.done $0x0  }
0xfa: {  	[sflag:s31] =	ssyncadd.s32 $0xFFFFE000  }
0xfb: {  	_ =	swait.ge [sflag:s31], $0x2000  }
0xfc: {  	[sflag:s31] =	ssyncset.done $0x0  }
0xfd: {  	[sflag:s31] =	ssyncadd.s32 $0xFFFFE000  }
0xfe: {  	_ =	swait.ge [sflag:s31], $0x2000  }
0xff: {  	[sflag:s31] =	ssyncset.done $0x0  }
0x100: {  	[sflag:s31] =	ssyncadd.s32 $0xFFFFE000  }
.Ltmp0:
0x101: {  	_ =	swait.ge [sflag:s31], $0x2000;
	(pc) =	sbr.rel @p2 .LBB2_2-.Ltmp0, $4  }
0x102: {  	[sflag:s31] =	ssyncset.done $0x0  }
0x103: {  	[sflag:s31] =	ssyncadd.s32 $0xFFFFE000  }
0x104: {  	_ =	swait.ge [sflag:s31], $0x2000  }
0x105: {  	s7 =	sadd.s32 $0xC0, s7;
	[sflag:s31] =	ssyncset.done $0x0  }
0x106: {  	[sflag:s31] =	ssyncadd.s32 $0xFFFFE000  }
0x107: {  	s5 =	simm.s32 @!p1 $0x0;
	s7 =	simm.s32 @!p1 $0xB440;
	s8 =	rddreg [dreg:$0x7]  }
0x108: {  	[tilespmem:s7], [sflag:$0x4] =	stream.linear.gather @!p1 [hbm4b:s8+s5], $0x80, $0x38;
	[tilespmem:$0x17540] =	vst v63  }
0x109: {  	s8 =	simm.s32 @!p1 $0x4  }
0x10a: {  	_ =	swait.ge @!p1 [sflag:s8], $0x80  }
0x10b: {  	[sflag:s8] =	ssyncset.done @!p1 $0x0  }
0x10c: {  	s11 =	simm.s32 @!p1 $0xB4C0;
	s13 =	rddreg [dreg:$0x8];
	[sflag:s8] =	ssyncadd.s32 @!p1 $0xFFFFFF80  }
0x10d: {  	[tilespmem:s11], [sflag:$0x4] =	stream.linear.gather @!p1 [hbm4b:s13+s5], $0x80, $0x38;
	[tilespmem:$0x17540] =	vst v63  }
0x10e: {  	_ =	swait.ge @!p1 [sflag:s8], $0x80  }
0x10f: {  	[sflag:s8] =	ssyncset.done @!p1 $0x0  }
0x110: {  	s5 =	simm.s32 @!p1 $0x80;
	s13 =	simm.s32 @!p1 $0xB540;
	[sflag:s8] =	ssyncadd.s32 @!p1 $0xFFFFFF80  }
0x111: {  	[tilespmem:s13], [sflag:$0x1] =	stream.indirect.gather @!p1 [hbm4b:s3+s5], $0x40, s7, s5, $0xb8;
	[tilespmem:$0x17540] =	vst v63  }
0x112: {  	s7 =	simm.s32 @!p1 $0x1  }
0x113: {  	_ =	swait.ge @!p1 [sflag:s7], $0x2000  }
0x114: {  	[sflag:s7] =	ssyncset.done @!p1 $0x0  }
0x115: {  	[sflag:s7] =	ssyncadd.s32 @!p1 $0xFFFFE000  }
0x116: {  	[spmem:s1] =	stream.indirect.scatter.add.f32 @!p1 [tilespmem:s13], [sflag:$0x4], $0x40, s11, s5, $0xb8;
	[tilespmem:$0x17540] =	vst v63  }
0x117: {  	_ =	swait.ge @!p1 [sflag:s8], $0x2000  }
0x118: {  	[sflag:s8] =	ssyncset.done @!p1 $0x0  }
0x119: {  	[sflag:s8] =	ssyncadd.s32 @!p1 $0xFFFFE000  }
0x11a: {  	[bflag:$0x0] =	sbarrier.arrive $0xFFFF  }
0x11b: {  	s16 =	rddreg [dreg:$0x9]  }
0x11c: {  	[hbm:s16], [sflag:s6] =	dma.local [spmem:s19], $0x1380  }
0x11d: {  	_ =	swait.ge [sflag:s18], $0x1380  }
0x11e: {  	[sflag:s18] =	ssyncset.done $0x0  }
0x11f: {  	s5 =	rddreg [dreg:$0xa];
	[sflag:s18] =	ssyncadd.s32 $0xFFFFEC80  }
0x120: {  	[hbm:s5], [sflag:s6] =	dma.local @!p0 [spmem:s20], $0x80  }
0x121: {  	s5 =	simm.s32 @!p0 $0x4  }
0x122: {  	_ =	swait.ge @!p0 [sflag:s5], $0x80  }
0x123: {  	s0 =	sadd.s32 $0x1, s0;
	s20 =	rddreg [dreg:$0xb]  }
0x124: {  	p2 =	sne.s32 s0, s20  }
.Ltmp1:
0x125: {  	_ = 	snop;
	(pc) =	sbr.rel @p2 .LBB2_1-.Ltmp1, $3  }
0x126: {  	_ =	sdelay $0x1  }
0x127: {  	[sflag:s5] =	ssyncset.done @!p0 $0x0  }
0x128: {  	[sflag:s5] =	ssyncadd.s32 @!p0 $0xFFFFFF80  }
0x129: {  	_ =	sfence.sel $0x180000  }
0x12a: {  	[bflag:$0x0] =	sbarrier.arrive $0xFFFF  }
0x12b: {  	_ =	strace $0x90000047  }
0x12c: {  	[bflag:$0x2] =	sbarrier.arrive $0xFFFF  }
0x12d: {  	s0 =	rddreg [dreg:$0x3]  }
0x12e: {  	s0 =	sadd.s32 @!p0 $0x100000, s0  }
0x12f: {  	[sflag:s0] =	ssyncadd.tile.s32 @!p0 $0x1;
	_ =	shalt  }
.Lfunc_end2:
_tile_overlayer_lowered:
.L_overlay_start_2:
0x130: {  	(tag) =	ssettag $0x2  }
0x131: {  	s0 =	rddreg [dreg:$0x0];
	s2 =	stileid.u32  }
0x132: {  	s1 =	rddreg [dreg:$0x1];
	p0 =	sne.s32 s2, $0x0  }
0x133: {  	s3 =	rddreg [dreg:$0x2];
	[bflag:$0x3] =	sbarrier.arrive $0xFFFF;
	s2 =	simm.s32 @!p0 $0x1C04  }
0x134: {  	[timem:s3], [sflag:s2] =	dma.local @!p0 [hbm:s0], s1  }
0x135: {  	s0 =	simm.s32 @!p0 $0x4  }
0x136: {  	_ =	swait.ge @!p0 [sflag:s0], s1  }
0x137: {  	s1 =	ssub.s32 @!p0 $0x0, s1;
	[sflag:s0] =	ssyncset.done @!p0 $0x0  }
0x138: {  	[sflag:s0] =	ssyncadd.s32 @!p0 s1  }
0x139: {  	[bflag:$0x3] =	sbarrier.arrive $0xFFFF  }
0x13a: {  	_ =	shalt  }

// kernel: kernel.8.cloned.1.call-start
scs
__scs_entry_jumppad:
0x0: {  	(pc) =	sbr.rel $0x88, $3  }
0x1: {  	(tag) =	ssettag $0x0;
	lr =	simm.s32 $0x1  }
0x2: {  	[smem:$0x3F9A] =	sst lr;
	_ =	strace $0xD0000000  }
0x3: {  	_ = 	snop  }
0x4: {  	_ = 	snop  }
0x5: {  	_ = 	snop  }
0x6: {  	_ = 	snop  }
0x7: {  	_ = 	snop  }
__scs_overlays_trampoline_lowered:
0x8: {  	[smem:$0x3FA9] =	sst s0  }
0x9: {  	[smem:$0x3FAA] =	sst s1  }
0xa: {  	[smem:$0x3FAB] =	sst s2  }
0xb: {  	[smem:$0x3FAC] =	sst s3  }
0xc: {  	[smem:$0x3FAD] =	sst s4  }
0xd: {  	[smem:$0x3FAE] =	sst s5  }
0xe: {  	[smem:$0x3FAF] =	sst s6  }
0xf: {  	[smem:$0x3FB0] =	sst s7  }
0x10: {  	[smem:$0x3FB1] =	sst s8  }
0x11: {  	[smem:$0x3FB2] =	sst s9;
	s0 =	simm.s32 @!p0 $0x0  }
0x12: {  	s1 =	sld [smem:$0x3F98];
	s0 =	simm.s32 @p0 $0x1  }
0x13: {  	[smem:$0x3FB3] =	sst s0;
	s0 =	simm.s32 @!p1 $0x0  }
0x14: {  	s2 =	sld [smem:$0x3F97];
	s0 =	simm.s32 @p1 $0x1  }
0x15: {  	[smem:$0x3FB4] =	sst s0;
	s0 =	simm.s32 @!p2 $0x0  }
0x16: {  	s3 =	sld [smem:$0x3FDB];
	s0 =	simm.s32 @p2 $0x1  }
0x17: {  	s4 =	simm.s32 $0x1BF5;
	[smem:$0x3FB6] =	sst s0  }
0x18: {  	s0 =	sld [smem:$0x3F99];
	_ =	swait.ge [sflag:s4], $0x0  }
0x19: {  	s7 =	sld [smem:$0x3F9A]  }
0x1a: {  	s8 =	sadd.s32 $0xFFFFE003, lr  }
0x1b: {  	s9 =	sadd.s32 $0xFFFFFEF7, lr;
	s5 =	simm.s32 $0xFFFFFFFF;
	p2 =	slt.u32 s8, $0xFFFFF086  }
0x1c: {  	p1 =	slt.u32 s9, $0xF7A;
	s5 =	simm.s32 @!p2 $0x0  }
0x1d: {  	s5 =	simm.s32 @p1 $0x1;
	p0 =	seq.s32 s7, s2  }
0x1e: {  	s7 =	smul.u32 @!p0 $0xF7A, s2;
	p2 =	seq.s32 @!p0 s5, $0x0  }
0x1f: {  	s9 =	smul.u32 $0xF7A, s1;
	s8 =	simm.s32 @!p0 $0x1BF5;
	p2 =	por !p2, p0  }
0x20: {  	[sflag:s8] =	ssyncset.s32 @!p0 $0xFFFFF086;
	s6 =	sadd.s32 @!p0 s3, s7;
	s7 =	simm.s32 @!p0 $0x108  }
0x21: {  	s3 =	sadd.s32 s3, s9;
	s6 =	sadd.s32 @!p0 $0x88, s6;
	s7 =	simm.s32 @p2 $0x1082  }
0x22: {  	[simem:s7], [sflag:s8] =	dma.local @!p0 [hbm:s6], $0xF7A  }
0x23: {  	s9 =	sor.u32 $0xD0000000, s2;
	s6 =	simm.s32 $0x108;
	_ =	swait.ge @!p0 [sflag:s8], $0x0  }
0x24: {  	s3 =	sadd.s32 $0x88, s3;
	s6 =	simm.s32 @!p1 $0x1082;
	[sflag:s4] =	ssyncset.s32 $0xFFFFF086  }
0x25: {  	[simem:s6], [sflag:s4] =	dma.local [hbm:s3], $0xF7A  }
0x26: {  	[smem:$0x3F9A] =	sst s1;
	(tag) =	ssettag s2;
	_ =	strace s9  }
0x27: {  	s1 =	sld [smem:$0x3FAA]  }
0x28: {  	s2 =	sld [smem:$0x3FAB]  }
0x29: {  	s4 =	sld [smem:$0x3FAD]  }
0x2a: {  	p0 =	seq.s32 s5, $0x0;
	s5 =	sld [smem:$0x3FAE]  }
0x2b: {  	s6 =	sld [smem:$0x3FAF]  }
0x2c: {  	s7 =	sld [smem:$0x3FB0]  }
0x2d: {  	s3 =	simm.s32 $0x108;
	s8 =	sld [smem:$0x3FB1]  }
0x2e: {  	s3 =	simm.s32 @!p0 $0x1082;
	s9 =	sld [smem:$0x3FB2]  }
0x2f: {  	lr =	sadd.s32 s0, s3;
	s0 =	sld [smem:$0x3FA9]  }
0x30: {  	s3 =	sld [smem:$0x3FAC]  }
0x31: {  	[smem:$0x3FB5] =	sst s10  }
0x32: {  	s10 =	sld [smem:$0x3FB3];
	_ =	sdelay $0x3  }
0x33: {  	p0 =	seq.s32 s10, $0x1;
	s10 =	sld [smem:$0x3FB5];
	_ =	sdelay $0x3  }
0x34: {  	[smem:$0x3FB5] =	sst s10  }
0x35: {  	s10 =	sld [smem:$0x3FB4];
	_ =	sdelay $0x3  }
0x36: {  	p1 =	seq.s32 s10, $0x1;
	s10 =	sld [smem:$0x3FB5];
	_ =	sdelay $0x3  }
0x37: {  	[smem:$0x3FB5] =	sst s10  }
0x38: {  	s10 =	sld [smem:$0x3FB6]  }
0x39: {  	_ = 	snop;
	(pc) =	sbr.ind lr, $3  }
0x3a: {  	_ = 	snop  }
0x3b: {  	_ = 	snop  }
0x3c: {  	p2 =	seq.s32 s10, $0x1;
	s10 =	sld [smem:$0x3FB5]  }
0x3d: {  	_ =	shalt  }
0x3e: {  	_ =	shalt  }
0x3f: {  	_ =	shalt  }
0x40: {  	_ =	shalt  }
0x41: {  	_ =	shalt  }
0x42: {  	_ =	shalt  }
0x43: {  	_ =	shalt  }
0x44: {  	_ =	shalt  }
0x45: {  	_ =	shalt  }
0x46: {  	_ =	shalt  }
0x47: {  	_ =	shalt  }
0x48: {  	_ =	shalt  }
0x49: {  	_ =	shalt  }
0x4a: {  	_ =	shalt  }
0x4b: {  	_ =	shalt  }
0x4c: {  	_ =	shalt  }
0x4d: {  	_ =	shalt  }
0x4e: {  	_ =	shalt  }
0x4f: {  	_ =	shalt  }
0x50: {  	_ =	shalt  }
0x51: {  	_ =	shalt  }
0x52: {  	_ =	shalt  }
0x53: {  	_ =	shalt  }
0x54: {  	_ =	shalt  }
0x55: {  	_ =	shalt  }
0x56: {  	_ =	shalt  }
0x57: {  	_ =	shalt  }
0x58: {  	_ =	shalt  }
0x59: {  	_ =	shalt  }
0x5a: {  	_ =	shalt  }
0x5b: {  	_ =	shalt  }
0x5c: {  	_ =	shalt  }
0x5d: {  	_ =	shalt  }
0x5e: {  	_ =	shalt  }
0x5f: {  	_ =	shalt  }
0x60: {  	_ =	shalt  }
0x61: {  	_ =	shalt  }
0x62: {  	_ =	shalt  }
0x63: {  	_ =	shalt  }
0x64: {  	_ =	shalt  }
0x65: {  	_ =	shalt  }
0x66: {  	_ =	shalt  }
0x67: {  	_ =	shalt  }
0x68: {  	_ =	shalt  }
0x69: {  	_ =	shalt  }
0x6a: {  	_ =	shalt  }
0x6b: {  	_ =	shalt  }
0x6c: {  	_ =	shalt  }
0x6d: {  	_ =	shalt  }
0x6e: {  	_ =	shalt  }
0x6f: {  	_ =	shalt  }
0x70: {  	_ =	shalt  }
0x71: {  	_ =	shalt  }
0x72: {  	_ =	shalt  }
0x73: {  	_ =	shalt  }
0x74: {  	_ =	shalt  }
0x75: {  	_ =	shalt  }
0x76: {  	_ =	shalt  }
0x77: {  	_ =	shalt  }
0x78: {  	_ =	shalt  }
0x79: {  	_ =	shalt  }
0x7a: {  	_ =	shalt  }
0x7b: {  	_ =	shalt  }
0x7c: {  	_ =	shalt  }
0x7d: {  	_ =	shalt  }
0x7e: {  	_ =	shalt  }
0x7f: {  	_ =	shalt  }
0x80: {  	_ =	shalt  }
0x81: {  	_ =	shalt  }
0x82: {  	_ =	shalt  }
0x83: {  	_ =	shalt  }
0x84: {  	_ =	shalt  }
0x85: {  	_ =	shalt  }
0x86: {  	_ =	shalt  }
0x87: {  	_ =	shalt  }
.Lfunc_end0:
.L_simem_size_0:
called_computation.1_lowered:
.L_overlay_start_0:
0x88: {  	s2 =	sld [smem:$0x3FD9]  }
0x89: {  	s3 =	sld [smem:$0x3FFE];
	_ =	sdelay $0x1  }
0x8a: {  	s1 =	srdreg.scid  }
0x8b: {  	s0 =	sand.u32 $0x1, s1  }
0x8c: {  	s17 =	sshll.u32 s0, $0xA;
	s2 =	sadd.s32 s3, s2  }
0x8d: {  	s2 =	sadd.s32 s2, s17  }
0x8e: {  	[smem:$0x3FC1] =	sst s2  }
0x8f: {  	_ = 	snop  }
0x90: {  	(tm) =	ssettm $0x1  }
0x91: {  	s18 =	sld [smem:$0x3FFB];
	_ =	sdelay $0x3  }
0x92: {  	_ =	strace s18  }
0x93: {  	s2 =	sld [smem:$0x3FFC];
	_ =	sdelay $0x3  }
0x94: {  	_ =	strace s2  }
0x95: {  	s2 =	sld [smem:$0x3FFD];
	_ =	sdelay $0x3  }
0x96: {  	_ =	strace s2  }
0x97: {  	_ =	strace $0x8FFFFFFF  }
0x98: {  	s19 =	sld [smem:$0x3FDB];
	_ =	sdelay $0x1  }
0x99: {  	s20 =	simm.s32 $_scs_section_size  }
0x9a: {  	s4 =	simm.s32 $_size__tile_overlayer_lowered;
	s5 =	simm.s32 $_tile_overlayer_lowered  }
0x9b: {  	s6 =	simm.s32 $0x1BFF;
	s21 =	sshll.u32 s5, $0x1;
	s3 =	sadd.s32 s20, s19  }
0x9c: {  	s22 =	simm.s32 $0x0;
	s4 =	sshll.u32 s4, $0x1;
	s5 =	sadd.s32 s21, s3  }
0x9d: {  	[timem:s22], [sflag:s6] =	dma.local [hbm:s5], s4  }
0x9e: {  	_ =	swait.ge [sflag:s6], s4  }
0x9f: {  	s4 =	ssub.s32 $0x0, s4;
	[sflag:s6] =	ssyncset.done $0x0  }
0xa0: {  	[sflag:s6] =	ssyncadd.s32 s4;
	_ =	sdelay $0x1  }
0xa1: {  	s23 =	simm.s32 $0x1B8B  }
0xa2: {  	_ =	swait.ge [sflag:s23], $0x1  }
0xa3: {  	[sflag:s23] =	ssyncset.done $0x0  }
0xa4: {  	[sflag:s23] =	ssyncadd.s32 $0xFFFFFFFF  }
0xa5: {  	s4 =	sld [smem:$0x0]  }
0xa6: {  	s5 =	sand.u32 $0xFFFFFFFE, s1  }
0xa7: {  	p0 =	sne.s32 s1, s5  }
0xa8: {  	s5 =	sshll.u32 @p0 s5, $0xE  }
0xa9: {  	s5 =	sadd.s32 @p0 $0x11B8D, s5;
	s6 =	sshll.u32 @p0 s4, $0x11  }
0xaa: {  	s5 =	sor.u32 @p0 s6, s5  }
0xab: {  	[sflag:s5] =	ssyncadd.remote.s32 @p0 $0x1;
	_ =	sdelay $0x1  }
0xac: {  	s5 =	simm.s32 @p0 $0x1B8D  }
0xad: {  	_ =	swait.eq @p0 [sflag:s5], $0x1  }
0xae: {  	[sflag:s5] =	ssyncadd.s32 @p0 $0xFFFFFFFF  }
0xaf: {  	s6 =	sshll.u32 @!p0 s1, $0xE  }
0xb0: {  	s6 =	sor.u32 @!p0 $0x4000, s6;
	s5 =	simm.s32 @!p0 $0x1B8D  }
0xb1: {  	s4 =	sshll.u32 @!p0 s4, $0x11;
	s6 =	sadd.s32 @!p0 $0x11B8D, s6;
	_ =	swait.eq @!p0 [sflag:s5], $0x1  }
0xb2: {  	s4 =	sor.u32 @!p0 s4, s6;
	[sflag:s5] =	ssyncadd.s32 @!p0 $0xFFFFFFFF  }
0xb3: {  	s25 =	simm.s32 $0x1B8E;
	s24 =	sld [smem:$0x3FFE];
	[sflag:s4] =	ssyncadd.remote.s32 @!p0 $0x1  }
0xb4: {  	s26 =	simm.s32 $execute0_lowered;
	[smem:$0x3FD2] =	sst s25  }
0xb5: {  	s5 =	sshll.u32 s26, $0x1;
	_ =	strace $0x80000049;
	[dreg:$0x1] =	wrdreg $0xFFFFFFFF  }
0xb6: {  	s28 =	simm.s32 $_size_execute0_lowered;
	s3 =	sadd.s32 s3, s5;
	[dreg:$0x0] =	wrdreg $0x0  }
0xb7: {  	s5 =	sshll.u32 s28, $0x1;
	[dreg:$0x2] =	wrdreg s3  }
0xb8: {  	[dreg:$0x3] =	wrdreg s5  }
0xb9: {  	[dreg:$0x4] =	wrdreg $0xC0  }
0xba: {  	_ =	task [dreg:s22], $0x5FFFF  }
0xbb: {  	[dreg:$0x1] =	wrdreg $0xFFFFFFFF  }
0xbc: {  	[dreg:$0x0] =	wrdreg $0x60  }
0xbd: {  	[dreg:$0x2] =	wrdreg s24  }
0xbe: {  	[dreg:$0x3] =	wrdreg $0x0  }
0xbf: {  	[dreg:$0x4] =	wrdreg $0x27100  }
0xc0: {  	[dreg:$0x5] =	wrdreg $0xA  }
0xc1: {  	_ =	task.clear_ibuf [dreg:s22], $0x6FFFF;
	_ =	strace $0x90000049  }
0xc2: {  	s29 =	simm.s32 $0xA;
	_ =	strace $0x8000004B  }
0xc3: {  	_ =	swait.ge [sflag:s29], $0x1  }
0xc4: {  	[sflag:s29] =	ssyncadd.s32 $0xFFFFFFFF  }
0xc5: {  	_ =	strace $0x9000004B  }
0xc6: {  	_ =	sfence  }
0xc7: {  	s30 =	sld [smem:$0x0];
	_ =	sdelay $0x2  }
0xc8: {  	s31 =	sshll.u32 s1, $0xD;
	s1 =	sshrl.u32 s1, $0x2  }
0xc9: {  	s4 =	sand.u32 $0x4000, s31;
	s1 =	sadd.s32 s1, s30  }
0xca: {  	s0 =	sor.u32 s4, s0;
	s1 =	sshll.u32 s1, $0x11  }
0xcb: {  	s0 =	sor.u32 s1, s0  }
0xcc: {  	s0 =	sadd.s32 $0x8F2B, s0  }
0xcd: {  	[sflag:s0] =	ssyncadd.remote.s32 $0x1  }
0xce: {  	_ =	sfence.sel $0xFFFF  }
0xcf: {  	[dreg:$0x0] =	wrdreg $0xFFFFFFFF;
	(pc) =	sbr.abs _section_cstart, $3  }
0xd0: {  	[dreg:$0x1] =	wrdreg $0xFFFFFFFF  }
0xd1: {  	_ =	task.clear_ibuf [dreg:s22], $0x2FFFF;
	_ =	strace $0x9FFFFFFF  }
0xd2: {  	(tm) =	ssettm $0x7FFFFFFF  }
0xd3: {  	_ =	shalt  }
tec
execute0_lowered:
.L_overlay_start_1:
0x0: {  	(tag) =	ssettag $0x1  }
0x1: {  	s0 =	rddreg [dreg:$0x0]  }
0x2: {  	s1 =	rddreg [dreg:$0x1]  }
0x3: {  	s2 =	rddreg [dreg:$0x2];
	s3 =	simm.s32 $0x0;
	s7 =	srdreg.scid  }
0x4: {  	s9 =	stileid.u32;
	[smem:$0x7FF] =	sst s3  }
0x5: {  	s5 =	sadd.s32 $0x520A00, s0;
	s6 =	sadd.s32 $0xC400, s0;
	s11 =	smul.u32 $0x2700, s9  }
0x6: {  	s8 =	sadd.s32 $0x3F000, s0;
	s26 =	sand.u32 $0x1, s7;
	s13 =	smul.u32 $0x9C, s9  }
0x7: {  	s15 =	sshll.u32 s9, $0x6;
	s16 =	smul.u32 $0x9C0, s9;
	s17 =	sadd.s32 $0x27000, s1  }
0x8: {  	s18 =	sadd.s32 $0x27000, s2;
	_ =	strace $0x8000004A;
	[dreg:$0xb] =	wrdreg s8  }
0x9: {  	s21 =	sshll.u32 s9, $0x7;
	s7 =	ssub.s32 $0x2, s26;
	[dreg:$0xe] =	wrdreg s17  }
0xa: {  	[dreg:$0xf] =	wrdreg s18;
	s23 =	sor.u32 $0x4E000, s21;
	s12 =	sshrl.u32 s7, $0x1  }
0xb: {  	s13 =	sor.u32 s26, s13;
	s24 =	sshrl.u32 s23, $0x3;
	s25 =	sshll.u32 s23, $0x1  }
0xc: {  	s14 =	ssub.s32 s7, s12;
	s12 =	sadd.s32 s11, s1;
	s7 =	sor.u32 $0x1C05, s15  }
0xd: {  	s15 =	sadd.s32 s11, s2;
	s13 =	sshll.u32 s13, $0x8;
	[dreg:$0xc] =	wrdreg s12  }
0xe: {  	[dreg:$0xd] =	wrdreg s15;
	s12 =	sadd.s32 s6, s16;
	s6 =	sadd.s32 s6, s24  }
0xf: {  	s17 =	sadd.s32 s5, s13;
	s5 =	sadd.s32 s5, s25;
	[dreg:$0x15] =	wrdreg s6  }
0x10: {  	s28 =	simm.s32 $0xBAA0;
	s29 =	simm.s32 $0x1;
	[dreg:$0x16] =	wrdreg s5  }
0x11: {  	s30 =	simm.s32 $0x80;
	s31 =	simm.s32 $0x2;
	[dreg:$0x11] =	wrdreg s17  }
0x12: {  	s4 =	sadd.s32 $0x3EA00, s0;
	s13 =	sadd.s32 $0x200, s17;
	[dreg:$0x10] =	wrdreg s12  }
0x13: {  	s10 =	sadd.s32 $0x49000, s0;
	s19 =	sadd.s32 $0x400, s17;
	[dreg:$0x12] =	wrdreg s13  }
0x14: {  	s0 =	sadd.s32 $0x3F200, s0;
	s22 =	sadd.s32 $0x600, s17;
	[dreg:$0x13] =	wrdreg s19  }
0x15: {  	p1 =	slt.u32 s9, $0x4;
	s21 =	sadd.s32 $0x800, s17;
	[dreg:$0x14] =	wrdreg s22  }
0x16: {  	s20 =	sshll.u32 s26, $0x7;
	s23 =	sadd.s32 $0xE00, s17;
	[dreg:$0x1b] =	wrdreg s21  }
0x17: {  	p0 =	seq.s32 s26, $0x0;
	s24 =	sadd.s32 $0xC00, s17;
	[dreg:$0x5] =	wrdreg s23  }
0x18: {  	p0 =	por !p1, !p0;
	s25 =	sadd.s32 $0xA00, s17;
	[dreg:$0x4] =	wrdreg s24  }
0x19: {  	s16 =	smul.u32 $0x27100, s26;
	s13 =	sor.u32 $0x4E20, s20;
	[dreg:$0x1c] =	wrdreg s25  }
0x1a: {  	p1 =	por !p0, !p0;
	s19 =	sadd.s32 $0x1400, s17;
	[dreg:$0xa] =	wrdreg s13  }
0x1b: {  	s11 =	sadd.s32 s11, s16;
	s20 =	sadd.s32 $0x1200, s17;
	[dreg:$0x8] =	wrdreg s19  }
0x1c: {  	s22 =	sadd.s32 $0x1000, s17;
	s26 =	sshrl.u32 s11, $0x3;
	[dreg:$0x7] =	wrdreg s20  }
0x1d: {  	s13 =	sshrl.u32 s16, $0x3;
	s16 =	sadd.s32 $0x1600, s17;
	[dreg:$0x6] =	wrdreg s22  }
0x1e: {  	p0 =	sne.s32 s9, $0x0;
	s11 =	sadd.s32 s10, s26;
	[dreg:$0x9] =	wrdreg s16  }
0x1f: {  	s6 =	simm.s32 $0x0;
	s15 =	sadd.s32 s0, s26;
	[dreg:$0x17] =	wrdreg s11  }
0x20: {  	s5 =	sadd.s32 $0x4E00, s13;
	s26 =	smax.u32 s14, $0x1;
	[dreg:$0x18] =	wrdreg s15  }
0x21: {  	s25 =	sadd.s32 $0xC0, s12;
	s18 =	sadd.s32 s10, s5;
	[dreg:$0x1d] =	wrdreg s26  }
0x22: {  	s0 =	sadd.s32 s0, s5;
	s26 =	simm.s32 $0x5;
	[dreg:$0x19] =	wrdreg s18  }
0x23: {  	s5 =	simm.s32 $0x3;
	[dreg:$0x1a] =	wrdreg s0;
	s0 =	simm.s32 $0x4  }
.LBB2_1:
0x24: {  	s8 =	rddreg [dreg:$0xc]  }
0x25: {  	s8 =	sshrl.u32 s8, $0x3  }
0x26: {  	[spmem:s8], [sflag:s7] =	dma.local [hbm:s4], $0x4E0  }
0x27: {  	_ =	swait.ge [sflag:s26], $0x4E0  }
0x28: {  	[sflag:s26] =	ssyncset.done $0x0;
	s9 =	rddreg [dreg:$0xd]  }
0x29: {  	[sflag:s26] =	ssyncadd.s32 $0xFFFFFB20;
	s9 =	sshrl.u32 s9, $0x3  }
0x2a: {  	[spmem:s9], [sflag:s7] =	dma.local [hbm:s4], $0x4E0  }
0x2b: {  	_ =	swait.ge [sflag:s26], $0x4E0  }
0x2c: {  	[sflag:s26] =	ssyncset.done $0x0;
	s10 =	rddreg [dreg:$0xe]  }
0x2d: {  	s11 =	simm.s32 @!p0 $0x5;
	[sflag:s26] =	ssyncadd.s32 $0xFFFFFB20;
	s10 =	sshrl.u32 @!p0 s10, $0x3  }
0x2e: {  	[spmem:s10], [sflag:s7] =	dma.local @!p0 [hbm:s4], $0x20  }
0x2f: {  	_ =	swait.ge @!p0 [sflag:s11], $0x20  }
0x30: {  	[sflag:s11] =	ssyncset.done @!p0 $0x0;
	s12 =	rddreg [dreg:$0xf]  }
0x31: {  	[sflag:s11] =	ssyncadd.s32 @!p0 $0xFFFFFFE0;
	s13 =	sshrl.u32 @!p0 s12, $0x3  }
0x32: {  	[spmem:s13], [sflag:s7] =	dma.local @!p0 [hbm:s4], $0x20  }
0x33: {  	_ =	swait.ge @!p0 [sflag:s11], $0x20  }
0x34: {  	[sflag:s11] =	ssyncset.done @!p0 $0x0  }
0x35: {  	s20 =	rddreg [dreg:$0xb];
	[sflag:s11] =	ssyncadd.s32 @!p0 $0xFFFFFFE0  }
0x36: {  	[tilespmem:s28], [sflag:$0x5] =	stream.linear.gather [hbm4b:s20+s3], $0x800, $0x38;
	[tilespmem:$0xC2A0] =	vst v63  }
0x37: {  	_ =	swait.ge [sflag:s26], $0x800  }
0x38: {  	[sflag:s26] =	ssyncset.done $0x0  }
0x39: {  	[sflag:s26] =	ssyncadd.s32 $0xFFFFF800  }
0x3a: {  	[bflag:$0x0] =	sbarrier.arrive $0xFFFF  }
0x3b: {  	s21 =	rddreg [dreg:$0x10]  }
0x3c: {  	s22 =	simm.s32 $0x4E20;
	s23 =	rddreg [dreg:$0x11]  }
0x3d: {  	[tilespmem:s22], [sflag:$0x4] =	stream.linear.gather [hbm4b:s21+s3], $0x600, $0x38;
	[tilespmem:$0xC2A0] =	vst v63  }
0x3e: {  	s24 =	simm.s32 $0x5AA0;
	s14 =	simm.s32 $0x62A0;
	s12 =	rddreg [dreg:$0x12]  }
0x3f: {  	[tilespmem:s24], [sflag:$0x1] =	stream.linear.gather [hbm4b:s23+s3], $0x800, $0x38;
	[tilespmem:$0xC2A0] =	vst v63  }
0x40: {  	s16 =	simm.s32 $0x6AA0;
	s18 =	simm.s32 $0x72A0;
	s15 =	rddreg [dreg:$0x13]  }
0x41: {  	[tilespmem:s14], [sflag:$0x1] =	stream.linear.gather [hbm4b:s12+s3], $0x800, $0x38;
	[tilespmem:$0xC2A0] =	vst v63  }
0x42: {  	p2 =	por $0x0, $0x0;
	s11 =	sand.u32 $0x1, s3;
	s17 =	rddreg [dreg:$0x14]  }
0x43: {  	[tilespmem:s16], [sflag:$0x1] =	stream.linear.gather [hbm4b:s15+s3], $0x800, $0x38;
	[tilespmem:$0xC2A0] =	vst v63  }
0x44: {  	s20 =	simm.s32 $0x7AA0;
	s19 =	rddreg [dreg:$0x1b];
	s14 =	sxor.u32 @!p2 $0x1, s11  }
0x45: {  	[tilespmem:s18], [sflag:$0x1] =	stream.linear.gather [hbm4b:s17+s3], $0x800, $0x38;
	[tilespmem:$0xC2A0] =	vst v63  }
0x46: {  	s21 =	rddreg [dreg:$0x1c];
	s22 =	simm.s32 $0x82A0;
	s15 =	smul.u32 @!p2 $0x1800, s14  }
0x47: {  	[tilespmem:s20], [sflag:$0x1] =	stream.linear.gather [hbm4b:s19+s3], $0x800, $0x38;
	[tilespmem:$0xC2A0] =	vst v63  }
0x48: {  	s14 =	smul.u32 @!p2 $0xC000, s14;
	s16 =	simm.s32 @!p2 $0x0;
	s15 =	sshrl.u32 @!p2 s15, $0x2  }
0x49: {  	[tilespmem:s22], [sflag:$0x1] =	stream.linear.gather [hbm4b:s21+s3], $0x800, $0x38;
	[tilespmem:$0xC2A0] =	vst v63  }
0x4a: {  	s17 =	rddreg [dreg:$0x4];
	s14 =	sshrl.u32 @!p2 s14, $0x2;
	s15 =	sadd.s32 @!p2 $0x4E20, s15  }
0x4b: {  	[tilespmem:s15], [sflag:$0x4] =	stream.linear.gather @!p2 [hbm4b:s25+s16], $0x600, $0x38;
	[tilespmem:$0xC2A0] =	vst v63  }
0x4c: {  	s18 =	rddreg [dreg:$0x5];
	s17 =	sadd.s32 @!p2 $0x0, s17;
	s15 =	sadd.s32 @!p2 $0x5AA0, s14  }
0x4d: {  	[tilespmem:s15], [sflag:$0x1] =	stream.linear.gather @!p2 [hbm4b:s17+s16], $0x800, $0x38;
	[tilespmem:$0xC2A0] =	vst v63  }
0x4e: {  	s19 =	rddreg [dreg:$0x6];
	s15 =	sadd.s32 @!p2 $0x62A0, s14;
	s17 =	sadd.s32 @!p2 $0x0, s18  }
0x4f: {  	[tilespmem:s15], [sflag:$0x1] =	stream.linear.gather @!p2 [hbm4b:s17+s16], $0x800, $0x38;
	[tilespmem:$0xC2A0] =	vst v63  }
0x50: {  	s18 =	rddreg [dreg:$0x7];
	s15 =	sadd.s32 @!p2 $0x6AA0, s14;
	s17 =	sadd.s32 @!p2 $0x0, s19  }
0x51: {  	[tilespmem:s15], [sflag:$0x1] =	stream.linear.gather @!p2 [hbm4b:s17+s16], $0x800, $0x38;
	[tilespmem:$0xC2A0] =	vst v63  }
0x52: {  	s19 =	rddreg [dreg:$0x8];
	s15 =	sadd.s32 @!p2 $0x72A0, s14;
	s17 =	sadd.s32 @!p2 $0x0, s18  }
0x53: {  	[tilespmem:s15], [sflag:$0x1] =	stream.linear.gather @!p2 [hbm4b:s17+s16], $0x800, $0x38;
	[tilespmem:$0xC2A0] =	vst v63  }
0x54: {  	s18 =	rddreg [dreg:$0x9];
	s15 =	sadd.s32 @!p2 $0x7AA0, s14;
	s17 =	sadd.s32 @!p2 $0x0, s19  }
0x55: {  	[tilespmem:s15], [sflag:$0x1] =	stream.linear.gather @!p2 [hbm4b:s17+s16], $0x800, $0x38;
	[tilespmem:$0xC2A0] =	vst v63  }
0x56: {  	s14 =	sor.u32 @!p2 $0x82A0, s14;
	s15 =	sadd.s32 @!p2 $0x0, s18  }
0x57: {  	[tilespmem:s14], [sflag:$0x1] =	stream.linear.gather @!p2 [hbm4b:s15+s16], $0x800, $0x38;
	[tilespmem:$0xC2A0] =	vst v63  }
0x58: {  	s23 =	smul.u32 $0xC000, s11;
	_ =	swait.ge [sflag:s0], $0x600  }
0x59: {  	s11 =	smul.u32 $0x1800, s11;
	[sflag:s0] =	ssyncset.done $0x0  }
0x5a: {  	[sflag:s0] =	ssyncadd.s32 $0xFFFFFA00  }
0x5b: {  	s11 =	sshrl.u32 s11, $0x2;
	_ =	swait.ge [sflag:s29], $0x800  }
0x5c: {  	s14 =	sshrl.u32 s23, $0x2;
	s24 =	rddreg [dreg:$0xa];
	[sflag:s29] =	ssyncset.done $0x0  }
0x5d: {  	s12 =	sadd.s32 $0x5AA0, s14;
	[sflag:s29] =	ssyncadd.s32 $0xFFFFF800;
	s11 =	sadd.s32 s11, s24  }
0x5e: {  	[spmem:s1] =	stream.indirect.scatter.add.f32 [tilespmem:s12], [sflag:$0x2], $0x10, s11, s30, $0xb8;
	[tilespmem:$0xC2A0] =	vst v63  }
0x5f: {  	_ = 	snop  }
0x60: {  	[spmem:s2] =	stream.indirect.scatter.add.f32 [tilespmem:s28], [sflag:$0x3], $0x10, s11, s30, $0xb8;
	[tilespmem:$0xC2A0] =	vst v63  }
0x61: {  	_ =	swait.ge [sflag:s29], $0x800  }
0x62: {  	[sflag:s29] =	ssyncset.done $0x0  }
0x63: {  	s17 =	sadd.s32 $0x62A0, s14;
	s18 =	sadd.s32 $0x100, s11;
	[sflag:s29] =	ssyncadd.s32 $0xFFFFF800  }
0x64: {  	[spmem:s1] =	stream.indirect.scatter.add.f32 [tilespmem:s17], [sflag:$0x2], $0x10, s18, s30, $0xb8;
	[tilespmem:$0xC2A0] =	vst v63  }
0x65: {  	_ = 	snop  }
0x66: {  	[spmem:s2] =	stream.indirect.scatter.add.f32 [tilespmem:s28], [sflag:$0x3], $0x10, s18, s30, $0xb8;
	[tilespmem:$0xC2A0] =	vst v63  }
0x67: {  	_ =	swait.ge [sflag:s29], $0x800  }
0x68: {  	[sflag:s29] =	ssyncset.done $0x0  }
0x69: {  	s19 =	sadd.s32 $0x6AA0, s14;
	s20 =	sadd.s32 $0x200, s11;
	[sflag:s29] =	ssyncadd.s32 $0xFFFFF800  }
0x6a: {  	[spmem:s1] =	stream.indirect.scatter.add.f32 [tilespmem:s19], [sflag:$0x2], $0x10, s20, s30, $0xb8;
	[tilespmem:$0xC2A0] =	vst v63  }
0x6b: {  	_ = 	snop  }
0x6c: {  	[spmem:s2] =	stream.indirect.scatter.add.f32 [tilespmem:s28], [sflag:$0x3], $0x10, s20, s30, $0xb8;
	[tilespmem:$0xC2A0] =	vst v63  }
0x6d: {  	_ =	swait.ge [sflag:s29], $0x800  }
0x6e: {  	[sflag:s29] =	ssyncset.done $0x0  }
0x6f: {  	s21 =	sadd.s32 $0x72A0, s14;
	s22 =	sadd.s32 $0x300, s11;
	[sflag:s29] =	ssyncadd.s32 $0xFFFFF800  }
0x70: {  	[spmem:s1] =	stream.indirect.scatter.add.f32 [tilespmem:s21], [sflag:$0x2], $0x10, s22, s30, $0xb8;
	[tilespmem:$0xC2A0] =	vst v63  }
0x71: {  	_ = 	snop  }
0x72: {  	[spmem:s2] =	stream.indirect.scatter.add.f32 [tilespmem:s28], [sflag:$0x3], $0x10, s22, s30, $0xb8;
	[tilespmem:$0xC2A0] =	vst v63  }
0x73: {  	_ =	swait.ge [sflag:s29], $0x800  }
0x74: {  	[sflag:s29] =	ssyncset.done $0x0  }
0x75: {  	s23 =	sadd.s32 $0x7AA0, s14;
	s24 =	sadd.s32 $0x400, s11;
	[sflag:s29] =	ssyncadd.s32 $0xFFFFF800  }
0x76: {  	[spmem:s1] =	stream.indirect.scatter.add.f32 [tilespmem:s23], [sflag:$0x2], $0x10, s24, s30, $0xb8;
	[tilespmem:$0xC2A0] =	vst v63  }
0x77: {  	_ = 	snop  }
0x78: {  	[spmem:s2] =	stream.indirect.scatter.add.f32 [tilespmem:s28], [sflag:$0x3], $0x10, s24, s30, $0xb8;
	[tilespmem:$0xC2A0] =	vst v63  }
0x79: {  	_ =	swait.ge [sflag:s29], $0x800  }
0x7a: {  	[sflag:s29] =	ssyncset.done $0x0  }
0x7b: {  	s14 =	sor.u32 $0x82A0, s14;
	s11 =	sadd.s32 $0x500, s11;
	[sflag:s29] =	ssyncadd.s32 $0xFFFFF800  }
0x7c: {  	[spmem:s1] =	stream.indirect.scatter.add.f32 [tilespmem:s14], [sflag:$0x2], $0x10, s11, s30, $0xb8;
	[tilespmem:$0xC2A0] =	vst v63  }
0x7d: {  	_ = 	snop  }
0x7e: {  	[spmem:s2] =	stream.indirect.scatter.add.f32 [tilespmem:s28], [sflag:$0x3], $0x10, s11, s30, $0xb8;
	[tilespmem:$0xC2A0] =	vst v63  }
0x7f: {  	_ =	swait.ge [sflag:s31], $0x800  }
0x80: {  	[sflag:s31] =	ssyncset.done $0x0  }
0x81: {  	[sflag:s31] =	ssyncadd.s32 $0xFFFFF800  }
0x82: {  	_ =	swait.ge [sflag:s5], $0x800  }
0x83: {  	[sflag:s5] =	ssyncset.done $0x0  }
0x84: {  	[sflag:s5] =	ssyncadd.s32 $0xFFFFF800  }
0x85: {  	_ =	swait.ge [sflag:s31], $0x800  }
0x86: {  	[sflag:s31] =	ssyncset.done $0x0  }
0x87: {  	[sflag:s31] =	ssyncadd.s32 $0xFFFFF800  }
0x88: {  	_ =	swait.ge [sflag:s5], $0x800  }
0x89: {  	[sflag:s5] =	ssyncset.done $0x0  }
0x8a: {  	[sflag:s5] =	ssyncadd.s32 $0xFFFFF800  }
0x8b: {  	_ =	swait.ge [sflag:s31], $0x800  }
0x8c: {  	[sflag:s31] =	ssyncset.done $0x0  }
0x8d: {  	[sflag:s31] =	ssyncadd.s32 $0xFFFFF800  }
0x8e: {  	_ =	swait.ge [sflag:s5], $0x800  }
0x8f: {  	[sflag:s5] =	ssyncset.done $0x0  }
0x90: {  	[sflag:s5] =	ssyncadd.s32 $0xFFFFF800  }
0x91: {  	_ =	swait.ge [sflag:s31], $0x800  }
0x92: {  	[sflag:s31] =	ssyncset.done $0x0  }
0x93: {  	[sflag:s31] =	ssyncadd.s32 $0xFFFFF800  }
0x94: {  	_ =	swait.ge [sflag:s5], $0x800  }
0x95: {  	[sflag:s5] =	ssyncset.done $0x0  }
0x96: {  	[sflag:s5] =	ssyncadd.s32 $0xFFFFF800  }
0x97: {  	s15 =	simm.s32 $0x1;
	_ =	swait.ge [sflag:s31], $0x800  }
0x98: {  	p3 =	por $0x0, $0x0;
	s18 =	sand.u32 $0x1, s15;
	[sflag:s31] =	ssyncset.done $0x0  }
0x99: {  	s16 =	sxor.u32 @!p3 $0x1, s18;
	[sflag:s31] =	ssyncadd.s32 $0xFFFFF800  }
0x9a: {  	s17 =	simm.s32 $0x1800;
	s19 =	smul.u32 @!p3 $0xC000, s16;
	_ =	swait.ge [sflag:s5], $0x800  }
0x9b: {  	s20 =	smul.u32 @!p3 $0x1800, s16;
	s16 =	sadd.s32 $0xC0, s25;
	[sflag:s5] =	ssyncset.done $0x0  }
0x9c: {  	s19 =	sshrl.u32 @!p3 s19, $0x2;
	s21 =	smul.u32 $0xC000, s18;
	[sflag:s5] =	ssyncadd.s32 $0xFFFFF800  }
0x9d: {  	s14 =	simm.s32 $0xC00;
	s11 =	simm.s32 @!p3 $0x0;
	_ =	swait.ge [sflag:s31], $0x800  }
.LBB2_2:
0x9e: {  	[sflag:s31] =	ssyncset.done $0x0  }
0x9f: {  	[sflag:s31] =	ssyncadd.s32 $0xFFFFF800  }
0xa0: {  	_ =	swait.ge [sflag:s5], $0x800  }
0xa1: {  	s22 =	sshrl.u32 @!p3 s20, $0x2;
	[sflag:s5] =	ssyncset.done $0x0  }
0xa2: {  	s22 =	sadd.s32 @!p3 $0x4E20, s22;
	s23 =	rddreg [dreg:$0x4];
	[sflag:s5] =	ssyncadd.s32 $0xFFFFF800  }
0xa3: {  	[tilespmem:s22], [sflag:$0x4] =	stream.linear.gather @!p3 [hbm4b:s16+s11], $0x600, $0x38;
	[tilespmem:$0xC2A0] =	vst v63  }
0xa4: {  	s24 =	rddreg [dreg:$0x5];
	s23 =	sadd.s32 @!p3 s14, s23;
	s22 =	sadd.s32 @!p3 $0x5AA0, s19  }
0xa5: {  	[tilespmem:s22], [sflag:$0x1] =	stream.linear.gather @!p3 [hbm4b:s23+s11], $0x800, $0x38;
	[tilespmem:$0xC2A0] =	vst v63  }
0xa6: {  	s12 =	rddreg [dreg:$0x6];
	s22 =	sadd.s32 @!p3 $0x62A0, s19;
	s23 =	sadd.s32 @!p3 s14, s24  }
0xa7: {  	[tilespmem:s22], [sflag:$0x1] =	stream.linear.gather @!p3 [hbm4b:s23+s11], $0x800, $0x38;
	[tilespmem:$0xC2A0] =	vst v63  }
0xa8: {  	s12 =	sadd.s32 @!p3 s14, s12;
	s24 =	rddreg [dreg:$0x7];
	s22 =	sadd.s32 @!p3 $0x6AA0, s19  }
0xa9: {  	[tilespmem:s22], [sflag:$0x1] =	stream.linear.gather @!p3 [hbm4b:s12+s11], $0x800, $0x38;
	[tilespmem:$0xC2A0] =	vst v63  }
0xaa: {  	s23 =	rddreg [dreg:$0x8];
	s12 =	sadd.s32 @!p3 $0x72A0, s19;
	s22 =	sadd.s32 @!p3 s14, s24  }
0xab: {  	[tilespmem:s12], [sflag:$0x1] =	stream.linear.gather @!p3 [hbm4b:s22+s11], $0x800, $0x38;
	[tilespmem:$0xC2A0] =	vst v63  }
0xac: {  	s24 =	rddreg [dreg:$0x9];
	s12 =	sadd.s32 @!p3 $0x7AA0, s19;
	s22 =	sadd.s32 @!p3 s14, s23  }
0xad: {  	[tilespmem:s12], [sflag:$0x1] =	stream.linear.gather @!p3 [hbm4b:s22+s11], $0x800, $0x38;
	[tilespmem:$0xC2A0] =	vst v63  }
0xae: {  	s19 =	sor.u32 @!p3 $0x82A0, s19;
	s12 =	sadd.s32 @!p3 s14, s24  }
0xaf: {  	[tilespmem:s19], [sflag:$0x1] =	stream.linear.gather @!p3 [hbm4b:s12+s11], $0x800, $0x38;
	[tilespmem:$0xC2A0] =	vst v63  }
0xb0: {  	_ =	swait.ge [sflag:s0], $0x600  }
0xb1: {  	[sflag:s0] =	ssyncset.done $0x0  }
0xb2: {  	s20 =	smul.u32 $0x1800, s18;
	[sflag:s0] =	ssyncadd.s32 $0xFFFFFA00  }
0xb3: {  	s18 =	sshrl.u32 s21, $0x2;
	_ =	swait.ge [sflag:s29], $0x800  }
0xb4: {  	s19 =	sshrl.u32 s20, $0x2;
	s12 =	rddreg [dreg:$0xa];
	[sflag:s29] =	ssyncset.done $0x0  }
0xb5: {  	s20 =	sadd.s32 $0x5AA0, s18;
	[sflag:s29] =	ssyncadd.s32 $0xFFFFF800;
	s11 =	sadd.s32 s19, s12  }
0xb6: {  	[spmem:s1] =	stream.indirect.scatter.add.f32 [tilespmem:s20], [sflag:$0x2], $0x10, s11, s30, $0xb8;
	[tilespmem:$0xC2A0] =	vst v63  }
0xb7: {  	_ = 	snop  }
0xb8: {  	[spmem:s2] =	stream.indirect.scatter.add.f32 [tilespmem:s28], [sflag:$0x3], $0x10, s11, s30, $0xb8;
	[tilespmem:$0xC2A0] =	vst v63  }
0xb9: {  	s21 =	smov.u32 s17;
	_ =	swait.ge [sflag:s29], $0x800  }
0xba: {  	s14 =	smov.u32 s21;
	[sflag:s29] =	ssyncset.done $0x0  }
0xbb: {  	s21 =	sadd.s32 $0x62A0, s18;
	s22 =	sadd.s32 $0x100, s11;
	[sflag:s29] =	ssyncadd.s32 $0xFFFFF800  }
0xbc: {  	[spmem:s1] =	stream.indirect.scatter.add.f32 [tilespmem:s21], [sflag:$0x2], $0x10, s22, s30, $0xb8;
	[tilespmem:$0xC2A0] =	vst v63  }
0xbd: {  	_ = 	snop  }
0xbe: {  	[spmem:s2] =	stream.indirect.scatter.add.f32 [tilespmem:s28], [sflag:$0x3], $0x10, s22, s30, $0xb8;
	[tilespmem:$0xC2A0] =	vst v63  }
0xbf: {  	_ =	swait.ge [sflag:s29], $0x800  }
0xc0: {  	[sflag:s29] =	ssyncset.done $0x0  }
0xc1: {  	s23 =	sadd.s32 $0x6AA0, s18;
	s24 =	sadd.s32 $0x200, s11;
	[sflag:s29] =	ssyncadd.s32 $0xFFFFF800  }
0xc2: {  	[spmem:s1] =	stream.indirect.scatter.add.f32 [tilespmem:s23], [sflag:$0x2], $0x10, s24, s30, $0xb8;
	[tilespmem:$0xC2A0] =	vst v63  }
0xc3: {  	_ = 	snop  }
0xc4: {  	[spmem:s2] =	stream.indirect.scatter.add.f32 [tilespmem:s28], [sflag:$0x3], $0x10, s24, s30, $0xb8;
	[tilespmem:$0xC2A0] =	vst v63  }
0xc5: {  	_ =	swait.ge [sflag:s29], $0x800  }
0xc6: {  	[sflag:s29] =	ssyncset.done $0x0  }
0xc7: {  	s20 =	sadd.s32 $0x72A0, s18;
	s21 =	sadd.s32 $0x300, s11;
	[sflag:s29] =	ssyncadd.s32 $0xFFFFF800  }
0xc8: {  	[spmem:s1] =	stream.indirect.scatter.add.f32 [tilespmem:s20], [sflag:$0x2], $0x10, s21, s30, $0xb8;
	[tilespmem:$0xC2A0] =	vst v63  }
0xc9: {  	_ = 	snop  }
0xca: {  	[spmem:s2] =	stream.indirect.scatter.add.f32 [tilespmem:s28], [sflag:$0x3], $0x10, s21, s30, $0xb8;
	[tilespmem:$0xC2A0] =	vst v63  }
0xcb: {  	_ =	swait.ge [sflag:s29], $0x800  }
0xcc: {  	[sflag:s29] =	ssyncset.done $0x0  }
0xcd: {  	s22 =	sadd.s32 $0x7AA0, s18;
	s23 =	sadd.s32 $0x400, s11;
	[sflag:s29] =	ssyncadd.s32 $0xFFFFF800  }
0xce: {  	[spmem:s1] =	stream.indirect.scatter.add.f32 [tilespmem:s22], [sflag:$0x2], $0x10, s23, s30, $0xb8;
	[tilespmem:$0xC2A0] =	vst v63  }
0xcf: {  	_ = 	snop  }
0xd0: {  	[spmem:s2] =	stream.indirect.scatter.add.f32 [tilespmem:s28], [sflag:$0x3], $0x10, s23, s30, $0xb8;
	[tilespmem:$0xC2A0] =	vst v63  }
0xd1: {  	_ =	swait.ge [sflag:s29], $0x800  }
0xd2: {  	[sflag:s29] =	ssyncset.done $0x0  }
0xd3: {  	s11 =	sadd.s32 $0x500, s11;
	s24 =	sor.u32 $0x82A0, s18;
	[sflag:s29] =	ssyncadd.s32 $0xFFFFF800  }
0xd4: {  	[spmem:s1] =	stream.indirect.scatter.add.f32 [tilespmem:s24], [sflag:$0x2], $0x10, s11, s30, $0xb8;
	[tilespmem:$0xC2A0] =	vst v63  }
0xd5: {  	_ = 	snop  }
0xd6: {  	[spmem:s2] =	stream.indirect.scatter.add.f32 [tilespmem:s28], [sflag:$0x3], $0x10, s11, s30, $0xb8;
	[tilespmem:$0xC2A0] =	vst v63  }
0xd7: {  	_ =	swait.ge [sflag:s31], $0x800  }
0xd8: {  	[sflag:s31] =	ssyncset.done $0x0  }
0xd9: {  	[sflag:s31] =	ssyncadd.s32 $0xFFFFF800  }
0xda: {  	_ =	swait.ge [sflag:s5], $0x800  }
0xdb: {  	[sflag:s5] =	ssyncset.done $0x0  }
0xdc: {  	[sflag:s5] =	ssyncadd.s32 $0xFFFFF800  }
0xdd: {  	_ =	swait.ge [sflag:s31], $0x800  }
0xde: {  	[sflag:s31] =	ssyncset.done $0x0  }
0xdf: {  	[sflag:s31] =	ssyncadd.s32 $0xFFFFF800  }
0xe0: {  	_ =	swait.ge [sflag:s5], $0x800  }
0xe1: {  	[sflag:s5] =	ssyncset.done $0x0  }
0xe2: {  	[sflag:s5] =	ssyncadd.s32 $0xFFFFF800  }
0xe3: {  	_ =	swait.ge [sflag:s31], $0x800  }
0xe4: {  	[sflag:s31] =	ssyncset.done $0x0  }
0xe5: {  	[sflag:s31] =	ssyncadd.s32 $0xFFFFF800  }
0xe6: {  	_ =	swait.ge [sflag:s5], $0x800  }
0xe7: {  	[sflag:s5] =	ssyncset.done $0x0  }
0xe8: {  	[sflag:s5] =	ssyncadd.s32 $0xFFFFF800  }
0xe9: {  	_ =	swait.ge [sflag:s31], $0x800  }
0xea: {  	[sflag:s31] =	ssyncset.done $0x0  }
0xeb: {  	[sflag:s31] =	ssyncadd.s32 $0xFFFFF800  }
0xec: {  	_ =	swait.ge [sflag:s5], $0x800  }
0xed: {  	[sflag:s5] =	ssyncset.done $0x0  }
0xee: {  	s17 =	sadd.s32 $0xC00, s17;
	[sflag:s5] =	ssyncadd.s32 $0xFFFFF800  }
0xef: {  	s15 =	sadd.s32 $0x1, s15;
	p2 =	sne.s32 s17, $0x9C00;
	_ =	swait.ge [sflag:s31], $0x800  }
0xf0: {  	p3 =	seq.s32 s14, $0x9000;
	s18 =	sand.u32 $0x1, s15;
	[sflag:s31] =	ssyncset.done $0x0  }
.Ltmp0:
0xf1: {  	s12 =	sxor.u32 @!p3 $0x1, s18;
	[sflag:s31] =	ssyncadd.s32 $0xFFFFF800;
	(pc) =	sbr.rel @p2 .LBB2_2-.Ltmp0, $4  }
0xf2: {  	s19 =	smul.u32 @!p3 $0xC000, s12;
	_ =	swait.ge [sflag:s5], $0x800  }
0xf3: {  	s16 =	sadd.s32 $0xC0, s16;
	[sflag:s5] =	ssyncset.done $0x0  }
0xf4: {  	s20 =	smul.u32 @!p3 $0x1800, s12;
	s19 =	sshrl.u32 @!p3 s19, $0x2;
	[sflag:s5] =	ssyncadd.s32 $0xFFFFF800  }
0xf5: {  	s21 =	smul.u32 $0xC000, s18;
	s11 =	simm.s32 @!p3 $0x0;
	_ =	swait.ge [sflag:s31], $0x800  }
0xf6: {  	[sflag:s31] =	ssyncset.done $0x0  }
0xf7: {  	[sflag:s31] =	ssyncadd.s32 $0xFFFFF800  }
0xf8: {  	_ =	swait.ge [sflag:s5], $0x800  }
0xf9: {  	s12 =	sshrl.u32 @!p3 s20, $0x2;
	[sflag:s5] =	ssyncset.done $0x0  }
0xfa: {  	s12 =	sadd.s32 @!p3 $0x4E20, s12;
	s15 =	rddreg [dreg:$0x4];
	[sflag:s5] =	ssyncadd.s32 $0xFFFFF800  }
0xfb: {  	[tilespmem:s12], [sflag:$0x4] =	stream.linear.gather @!p3 [hbm4b:s16+s11], $0x600, $0x38;
	[tilespmem:$0xC2A0] =	vst v63  }
0xfc: {  	s15 =	sadd.s32 @!p3 s14, s15;
	s12 =	rddreg [dreg:$0x5];
	s16 =	sadd.s32 @!p3 $0x5AA0, s19  }
0xfd: {  	[tilespmem:s16], [sflag:$0x1] =	stream.linear.gather @!p3 [hbm4b:s15+s11], $0x800, $0x38;
	[tilespmem:$0xC2A0] =	vst v63  }
0xfe: {  	s12 =	sadd.s32 @!p3 s14, s12;
	s15 =	rddreg [dreg:$0x6];
	s16 =	sadd.s32 @!p3 $0x62A0, s19  }
0xff: {  	[tilespmem:s16], [sflag:$0x1] =	stream.linear.gather @!p3 [hbm4b:s12+s11], $0x800, $0x38;
	[tilespmem:$0xC2A0] =	vst v63  }
0x100: {  	s15 =	sadd.s32 @!p3 s14, s15;
	s12 =	rddreg [dreg:$0x7];
	s16 =	sadd.s32 @!p3 $0x6AA0, s19  }
0x101: {  	[tilespmem:s16], [sflag:$0x1] =	stream.linear.gather @!p3 [hbm4b:s15+s11], $0x800, $0x38;
	[tilespmem:$0xC2A0] =	vst v63  }
0x102: {  	s12 =	sadd.s32 @!p3 s14, s12;
	s15 =	rddreg [dreg:$0x8];
	s16 =	sadd.s32 @!p3 $0x72A0, s19  }
0x103: {  	[tilespmem:s16], [sflag:$0x1] =	stream.linear.gather @!p3 [hbm4b:s12+s11], $0x800, $0x38;
	[tilespmem:$0xC2A0] =	vst v63  }
0x104: {  	s15 =	sadd.s32 @!p3 s14, s15;
	s12 =	rddreg [dreg:$0x9];
	s16 =	sadd.s32 @!p3 $0x7AA0, s19  }
0x105: {  	[tilespmem:s16], [sflag:$0x1] =	stream.linear.gather @!p3 [hbm4b:s15+s11], $0x800, $0x38;
	[tilespmem:$0xC2A0] =	vst v63  }
0x106: {  	s12 =	sadd.s32 @!p3 s14, s12;
	s14 =	sor.u32 @!p3 $0x82A0, s19  }
0x107: {  	[tilespmem:s14], [sflag:$0x1] =	stream.linear.gather @!p3 [hbm4b:s12+s11], $0x800, $0x38;
	[tilespmem:$0xC2A0] =	vst v63  }
0x108: {  	_ =	swait.ge [sflag:s0], $0x600  }
0x109: {  	[sflag:s0] =	ssyncset.done $0x0  }
0x10a: {  	s19 =	smul.u32 $0x1800, s18;
	[sflag:s0] =	ssyncadd.s32 $0xFFFFFA00  }
0x10b: {  	s21 =	sshrl.u32 s21, $0x2;
	_ =	swait.ge [sflag:s29], $0x800  }
0x10c: {  	s11 =	sshrl.u32 s19, $0x2;
	s20 =	rddreg [dreg:$0xa];
	[sflag:s29] =	ssyncset.done $0x0  }
0x10d: {  	s22 =	sadd.s32 $0x5AA0, s21;
	[sflag:s29] =	ssyncadd.s32 $0xFFFFF800;
	s11 =	sadd.s32 s11, s20  }
0x10e: {  	[spmem:s1] =	stream.indirect.scatter.add.f32 [tilespmem:s22], [sflag:$0x2], $0x10, s11, s30, $0xb8;
	[tilespmem:$0xC2A0] =	vst v63  }
0x10f: {  	_ = 	snop  }
0x110: {  	[spmem:s2] =	stream.indirect.scatter.add.f32 [tilespmem:s28], [sflag:$0x3], $0x10, s11, s30, $0xb8;
	[tilespmem:$0xC2A0] =	vst v63  }
0x111: {  	_ =	swait.ge [sflag:s29], $0x800  }
0x112: {  	[sflag:s29] =	ssyncset.done $0x0  }
0x113: {  	s23 =	sadd.s32 $0x62A0, s21;
	s24 =	sadd.s32 $0x100, s11;
	[sflag:s29] =	ssyncadd.s32 $0xFFFFF800  }
0x114: {  	[spmem:s1] =	stream.indirect.scatter.add.f32 [tilespmem:s23], [sflag:$0x2], $0x10, s24, s30, $0xb8;
	[tilespmem:$0xC2A0] =	vst v63  }
0x115: {  	_ = 	snop  }
0x116: {  	[spmem:s2] =	stream.indirect.scatter.add.f32 [tilespmem:s28], [sflag:$0x3], $0x10, s24, s30, $0xb8;
	[tilespmem:$0xC2A0] =	vst v63  }
0x117: {  	_ =	swait.ge [sflag:s29], $0x800  }
0x118: {  	[sflag:s29] =	ssyncset.done $0x0  }
0x119: {  	s15 =	sadd.s32 $0x6AA0, s21;
	s16 =	sadd.s32 $0x200, s11;
	[sflag:s29] =	ssyncadd.s32 $0xFFFFF800  }
0x11a: {  	[spmem:s1] =	stream.indirect.scatter.add.f32 [tilespmem:s15], [sflag:$0x2], $0x10, s16, s30, $0xb8;
	[tilespmem:$0xC2A0] =	vst v63  }
0x11b: {  	_ = 	snop  }
0x11c: {  	[spmem:s2] =	stream.indirect.scatter.add.f32 [tilespmem:s28], [sflag:$0x3], $0x10, s16, s30, $0xb8;
	[tilespmem:$0xC2A0] =	vst v63  }
0x11d: {  	_ =	swait.ge [sflag:s29], $0x800  }
0x11e: {  	[sflag:s29] =	ssyncset.done $0x0  }
0x11f: {  	s17 =	sadd.s32 $0x72A0, s21;
	s18 =	sadd.s32 $0x300, s11;
	[sflag:s29] =	ssyncadd.s32 $0xFFFFF800  }
0x120: {  	[spmem:s1] =	stream.indirect.scatter.add.f32 [tilespmem:s17], [sflag:$0x2], $0x10, s18, s30, $0xb8;
	[tilespmem:$0xC2A0] =	vst v63  }
0x121: {  	_ = 	snop  }
0x122: {  	[spmem:s2] =	stream.indirect.scatter.add.f32 [tilespmem:s28], [sflag:$0x3], $0x10, s18, s30, $0xb8;
	[tilespmem:$0xC2A0] =	vst v63  }
0x123: {  	_ =	swait.ge [sflag:s29], $0x800  }
0x124: {  	[sflag:s29] =	ssyncset.done $0x0  }
0x125: {  	s19 =	sadd.s32 $0x7AA0, s21;
	s20 =	sadd.s32 $0x400, s11;
	[sflag:s29] =	ssyncadd.s32 $0xFFFFF800  }
0x126: {  	[spmem:s1] =	stream.indirect.scatter.add.f32 [tilespmem:s19], [sflag:$0x2], $0x10, s20, s30, $0xb8;
	[tilespmem:$0xC2A0] =	vst v63  }
0x127: {  	_ = 	snop  }
0x128: {  	[spmem:s2] =	stream.indirect.scatter.add.f32 [tilespmem:s28], [sflag:$0x3], $0x10, s20, s30, $0xb8;
	[tilespmem:$0xC2A0] =	vst v63  }
0x129: {  	_ =	swait.ge [sflag:s29], $0x800  }
0x12a: {  	[sflag:s29] =	ssyncset.done $0x0  }
0x12b: {  	s21 =	sor.u32 $0x82A0, s21;
	s11 =	sadd.s32 $0x500, s11;
	[sflag:s29] =	ssyncadd.s32 $0xFFFFF800  }
0x12c: {  	[spmem:s1] =	stream.indirect.scatter.add.f32 [tilespmem:s21], [sflag:$0x2], $0x10, s11, s30, $0xb8;
	[tilespmem:$0xC2A0] =	vst v63  }
0x12d: {  	_ = 	snop  }
0x12e: {  	[spmem:s2] =	stream.indirect.scatter.add.f32 [tilespmem:s28], [sflag:$0x3], $0x10, s11, s30, $0xb8;
	[tilespmem:$0xC2A0] =	vst v63  }
0x12f: {  	_ =	swait.ge [sflag:s31], $0x800  }
0x130: {  	[sflag:s31] =	ssyncset.done $0x0  }
0x131: {  	[sflag:s31] =	ssyncadd.s32 $0xFFFFF800  }
0x132: {  	_ =	swait.ge [sflag:s5], $0x800  }
0x133: {  	[sflag:s5] =	ssyncset.done $0x0  }
0x134: {  	[sflag:s5] =	ssyncadd.s32 $0xFFFFF800  }
0x135: {  	_ =	swait.ge [sflag:s31], $0x800  }
0x136: {  	[sflag:s31] =	ssyncset.done $0x0  }
0x137: {  	[sflag:s31] =	ssyncadd.s32 $0xFFFFF800  }
0x138: {  	_ =	swait.ge [sflag:s5], $0x800  }
0x139: {  	[sflag:s5] =	ssyncset.done $0x0  }
0x13a: {  	[sflag:s5] =	ssyncadd.s32 $0xFFFFF800  }
0x13b: {  	_ =	swait.ge [sflag:s31], $0x800  }
0x13c: {  	[sflag:s31] =	ssyncset.done $0x0  }
0x13d: {  	[sflag:s31] =	ssyncadd.s32 $0xFFFFF800  }
0x13e: {  	_ =	swait.ge [sflag:s5], $0x800  }
0x13f: {  	[sflag:s5] =	ssyncset.done $0x0  }
0x140: {  	[sflag:s5] =	ssyncadd.s32 $0xFFFFF800  }
0x141: {  	_ =	swait.ge [sflag:s31], $0x800  }
0x142: {  	[sflag:s31] =	ssyncset.done $0x0  }
0x143: {  	[sflag:s31] =	ssyncadd.s32 $0xFFFFF800  }
0x144: {  	_ =	swait.ge [sflag:s5], $0x800  }
0x145: {  	[sflag:s5] =	ssyncset.done $0x0  }
0x146: {  	[sflag:s5] =	ssyncadd.s32 $0xFFFFF800  }
0x147: {  	_ =	swait.ge [sflag:s31], $0x800  }
0x148: {  	[sflag:s31] =	ssyncset.done $0x0  }
0x149: {  	[sflag:s31] =	ssyncadd.s32 $0xFFFFF800  }
0x14a: {  	_ =	swait.ge [sflag:s5], $0x800  }
0x14b: {  	[sflag:s5] =	ssyncset.done $0x0  }
0x14c: {  	[sflag:s5] =	ssyncadd.s32 $0xFFFFF800  }
0x14d: {  	_ =	swait.ge [sflag:s31], $0x800  }
0x14e: {  	[sflag:s31] =	ssyncset.done $0x0  }
0x14f: {  	[sflag:s31] =	ssyncadd.s32 $0xFFFFF800  }
0x150: {  	_ =	swait.ge [sflag:s5], $0x800  }
0x151: {  	s12 =	simm.s32 @p1 $0x5A20;
	[sflag:s5] =	ssyncset.done $0x0  }
0x152: {  	s11 =	simm.s32 @p1 $0x0;
	s14 =	rddreg [dreg:$0x15];
	[sflag:s5] =	ssyncadd.s32 $0xFFFFF800  }
0x153: {  	[tilespmem:s12], [sflag:$0x5] =	stream.linear.gather @p1 [hbm4b:s14+s11], $0x80, $0x38;
	[tilespmem:$0xC2A0] =	vst v63  }
0x154: {  	s14 =	simm.s32 @p1 $0x5  }
0x155: {  	_ =	swait.ge @p1 [sflag:s14], $0x80  }
0x156: {  	[sflag:s14] =	ssyncset.done @p1 $0x0  }
0x157: {  	s15 =	simm.s32 @p1 $0x5AA0;
	s16 =	rddreg [dreg:$0x16];
	[sflag:s14] =	ssyncadd.s32 @p1 $0xFFFFFF80  }
0x158: {  	[tilespmem:s15], [sflag:$0x5] =	stream.linear.gather @p1 [hbm4b:s16+s11], $0x800, $0x38;
	[tilespmem:$0xC2A0] =	vst v63  }
0x159: {  	_ =	swait.ge @p1 [sflag:s14], $0x800  }
0x15a: {  	[sflag:s14] =	ssyncset.done @p1 $0x0  }
0x15b: {  	s11 =	simm.s32 @p1 $0x80;
	[sflag:s14] =	ssyncadd.s32 @p1 $0xFFFFF800  }
0x15c: {  	[spmem:s1] =	stream.indirect.scatter.add.f32 @p1 [tilespmem:s15], [sflag:$0x5], $0x10, s12, s11, $0xb8;
	[tilespmem:$0xC2A0] =	vst v63  }
0x15d: {  	_ =	swait.ge @p1 [sflag:s14], $0x800  }
0x15e: {  	[sflag:s14] =	ssyncset.done @p1 $0x0  }
0x15f: {  	s15 =	simm.s32 @p1 $0xBAA0;
	[sflag:s14] =	ssyncadd.s32 @p1 $0xFFFFF800  }
0x160: {  	[spmem:s2] =	stream.indirect.scatter.add.f32 @p1 [tilespmem:s15], [sflag:$0x5], $0x10, s12, s11, $0xb8;
	[tilespmem:$0xC2A0] =	vst v63  }
0x161: {  	_ =	swait.ge @p1 [sflag:s14], $0x800  }
0x162: {  	[sflag:s14] =	ssyncset.done @p1 $0x0  }
0x163: {  	[sflag:s14] =	ssyncadd.s32 @p1 $0xFFFFF800  }
0x164: {  	[bflag:$0x0] =	sbarrier.arrive $0xFFFF  }
0x165: {  	s22 =	rddreg [dreg:$0x17]  }
0x166: {  	[hbm:s22], [sflag:s7] =	dma.local [spmem:s8], $0x4E0  }
0x167: {  	_ =	swait.ge [sflag:s26], $0x4E0  }
0x168: {  	[sflag:s26] =	ssyncset.done $0x0  }
0x169: {  	s23 =	rddreg [dreg:$0x18];
	[sflag:s26] =	ssyncadd.s32 $0xFFFFFB20  }
0x16a: {  	[hbm:s23], [sflag:s7] =	dma.local [spmem:s9], $0x4E0  }
0x16b: {  	_ =	swait.ge [sflag:s26], $0x4E0  }
0x16c: {  	[sflag:s26] =	ssyncset.done $0x0  }
0x16d: {  	s8 =	rddreg [dreg:$0x19];
	[sflag:s26] =	ssyncadd.s32 $0xFFFFFB20  }
0x16e: {  	[hbm:s8], [sflag:s7] =	dma.local @!p0 [spmem:s10], $0x20  }
0x16f: {  	s8 =	simm.s32 @!p0 $0x5  }
0x170: {  	_ =	swait.ge @!p0 [sflag:s8], $0x20  }
0x171: {  	[sflag:s8] =	ssyncset.done @!p0 $0x0  }
0x172: {  	s9 =	rddreg [dreg:$0x1a];
	[sflag:s8] =	ssyncadd.s32 @!p0 $0xFFFFFFE0  }
0x173: {  	[hbm:s9], [sflag:s7] =	dma.local @!p0 [spmem:s13], $0x20  }
0x174: {  	_ =	swait.ge @!p0 [sflag:s8], $0x20  }
0x175: {  	s6 =	sadd.s32 $0x1, s6;
	s24 =	rddreg [dreg:$0x1d]  }
0x176: {  	p2 =	sne.s32 s6, s24  }
.Ltmp1:
0x177: {  	_ = 	snop;
	(pc) =	sbr.rel @p2 .LBB2_1-.Ltmp1, $3  }
0x178: {  	_ =	sdelay $0x1  }
0x179: {  	[sflag:s8] =	ssyncset.done @!p0 $0x0  }
0x17a: {  	[sflag:s8] =	ssyncadd.s32 @!p0 $0xFFFFFFE0  }
0x17b: {  	_ =	sfence.sel $0x180000  }
0x17c: {  	[bflag:$0x0] =	sbarrier.arrive $0xFFFF  }
0x17d: {  	_ =	strace $0x9000004A  }
0x17e: {  	[bflag:$0x2] =	sbarrier.arrive $0xFFFF  }
0x17f: {  	s0 =	rddreg [dreg:$0x3]  }
0x180: {  	s0 =	sadd.s32 @!p0 $0x100000, s0  }
0x181: {  	[sflag:s0] =	ssyncadd.tile.s32 @!p0 $0x1;
	_ =	shalt  }
.Lfunc_end2:
_tile_overlayer_lowered:
.L_overlay_start_2:
0x182: {  	(tag) =	ssettag $0x2  }
0x183: {  	s0 =	rddreg [dreg:$0x0];
	s2 =	stileid.u32  }
0x184: {  	s1 =	rddreg [dreg:$0x1];
	p0 =	sne.s32 s2, $0x0  }
0x185: {  	s3 =	rddreg [dreg:$0x2];
	[bflag:$0x3] =	sbarrier.arrive $0xFFFF;
	s2 =	simm.s32 @!p0 $0x1C05  }
0x186: {  	[timem:s3], [sflag:s2] =	dma.local @!p0 [hbm:s0], s1  }
0x187: {  	s0 =	simm.s32 @!p0 $0x5  }
0x188: {  	_ =	swait.ge @!p0 [sflag:s0], s1  }
0x189: {  	s1 =	ssub.s32 @!p0 $0x0, s1;
	[sflag:s0] =	ssyncset.done @!p0 $0x0  }
0x18a: {  	[sflag:s0] =	ssyncadd.s32 @!p0 s1  }
0x18b: {  	[bflag:$0x3] =	sbarrier.arrive $0xFFFF  }
0x18c: {  	_ =	shalt  }

</sc_bundles>
